<compile_context>
chip_gen: v7x
topology: tpu7x:2x2x1
jax: 0.10.2.dev20260603
libtpu: 0.0.44.dev20260713+nightly
codegen_flags: <defaults>
</compile_context>

<pallas_src>
import functools

import jax
import jax.numpy as jnp
from jax import lax
from jax.experimental import pallas as pl
from jax.experimental.pallas import tpu as pltpu
from jax.experimental.pallas import tpu_sc as plsc

B, CIN, H, W = 4, 384, 24, 24
COUT, K = 384, 32
HW = H * W
HWP = 640
L = 16
NC, NS = 2, 16
NW = NC * NS
OPW = COUT // NW
NJ = HW // L
NT = OPW * B


def _sc_body(xf_hbm, conn_hbm, wb_hbm, bb_hbm, out_hbm,
             conn_v, w_v, b_v, rows0, rows1, rows2, out_v, sem0, sem1, sem2):
    wid = lax.axis_index("s") * NC + lax.axis_index("c")

    pltpu.sync_copy(conn_hbm.at[wid], conn_v)
    pltpu.sync_copy(wb_hbm.at[wid], w_v)
    pltpu.sync_copy(bb_hbm.at[wid], b_v)

    def issue(tt, rows_ref, sem):
        oi = tt // B
        b = lax.rem(tt, B)
        pltpu.async_copy(xf_hbm.at[b].at[conn_v.at[oi]], rows_ref, sem)

    def wait_rows(rows_ref, sem):
        pltpu.make_async_copy(xf_hbm.at[0].at[pl.ds(0, K)], rows_ref, sem).wait()

    def compute(tt, rows_ref):
        oi = tt // B
        b = lax.rem(tt, B)
        bv = b_v[oi]

        ws = [w_v[oi, pl.ds(k * L, L)] for k in range(K)]

        def body(j, _):
            s = pl.ds(oi * HW + j * L, L)
            acc = None
            for g in range(0, K, 8):
                d = [jnp.abs(rows_ref[g + k, pl.ds(j * L, L)] - ws[g + k]) for k in range(8)]
                t0 = jnp.maximum(jnp.maximum(d[0], d[1]), jnp.maximum(d[2], d[3]))
                t1 = jnp.maximum(jnp.maximum(d[4], d[5]), jnp.maximum(d[6], d[7]))
                t = jnp.maximum(t0, t1)
                acc = t if acc is None else jnp.maximum(acc, t)
            out_v[b, s] = acc + bv
            return 0

        lax.fori_loop(0, NJ, body, 0)

    issue(0, rows0, sem0)
    issue(1, rows1, sem1)

    def tbody(i, _):
        t0 = i * 3
        bufs = ((rows0, sem0), (rows1, sem1), (rows2, sem2))
        for j in range(3):
            rj, sj = bufs[j]
            ra, sa = bufs[(j + 2) % 3]

            @pl.when(t0 + j + 2 < NT)
            def _():
                issue(t0 + j + 2, ra, sa)

            wait_rows(rj, sj)
            compute(t0 + j, rj)
        return 0

    lax.fori_loop(0, NT // 3, tbody, 0)

    pltpu.sync_copy(out_v, out_hbm.at[:, wid])


def _sc_call():
    mesh = plsc.VectorSubcoreMesh(core_axis_name="c", subcore_axis_name="s")
    return functools.partial(
        pl.kernel,
        out_type=jax.ShapeDtypeStruct((B, NW, OPW * HW), jnp.float32),
        mesh=mesh,
        scratch_types=[
            pltpu.VMEM((OPW, K), jnp.int32),
            pltpu.VMEM((OPW, K * L), jnp.float32),
            pltpu.VMEM((OPW, L), jnp.float32),
            pltpu.VMEM((K, HWP), jnp.float32),
            pltpu.VMEM((K, HWP), jnp.float32),
            pltpu.VMEM((K, HWP), jnp.float32),
            pltpu.VMEM((B, OPW * HW), jnp.float32),
            pltpu.SemaphoreType.DMA,
            pltpu.SemaphoreType.DMA,
            pltpu.SemaphoreType.DMA,
        ],
    )(_sc_body)


@jax.jit
def _dist_conv(x, conn3, w_b, bias_b):
    x3 = x.reshape(B, CIN, HW)
    xf = jnp.pad(x3, ((0, 0), (0, 0), (0, HWP - HW)))
    out = _sc_call()(xf, conn3, w_b, bias_b)
    return out.reshape(B, COUT, H, W)


def kernel(x, conn, weights, bias):
    conn3 = conn.reshape(NW, OPW, K)
    w_b = jnp.repeat(weights.reshape(NW, OPW, K), L, axis=-1)
    bias_b = jnp.repeat(bias.reshape(NW, OPW, 1), L, axis=-1)
    return _dist_conv(x, conn3, w_b, bias_b)

# --- scband reference (transcript-rebuilt; emitter-appended) ---
"""Pipeline reference for scband-dist-conv2-d-1-90855738180334 (READ-ONLY COPY).

The authoritative reference and input builder live on the scoring server;
editing this copy changes nothing except your own understanding.
"""

import jax, jax.numpy as jnp
import numpy as np

B, CIN, H, W = 4, 384, 24, 24
COUT, K = 384, 32


def setup_inputs(seed: int = 0) -> dict:
    key = jax.random.key(seed)
    k1, k2, k3, k4 = jax.random.split(key, 4)
    x = jax.random.normal(k1, (B, CIN, H, W), dtype=jnp.float32)
    conn = jax.random.randint(k2, (COUT * K,), 0, CIN, dtype=jnp.int32)
    bound = 1.0 / np.sqrt(K)
    weights = jax.random.uniform(k3, (COUT, K), minval=-bound * np.sqrt(3.0), maxval=bound * np.sqrt(3.0), dtype=jnp.float32)
    bias = jax.random.uniform(k4, (COUT, 1, 1), minval=-bound, maxval=bound, dtype=jnp.float32)
    return {"x": x, "conn": conn, "weights": weights, "bias": bias}


def reference(x, conn, weights, bias):
    # gather input channels per (out_channel, conn_slot)
    x_conn = jnp.take(x, conn, axis=1)                      # [B, COUT*K, H, W]
    x_conn = jnp.transpose(x_conn, (0, 2, 3, 1))            # [B, H, W, COUT*K]
    x_conn = x_conn.reshape(x_conn.shape[0], x_conn.shape[1], x_conn.shape[2], COUT, K)
    w_diff_x = jnp.max(jnp.abs(weights - x_conn), axis=-1)  # [B, H, W, COUT]
    w_diff_x = jnp.transpose(w_diff_x, (0, 3, 1, 2))        # [B, COUT, H, W]
    return w_diff_x + bias

if __name__ == "__main__":
    import jax
    _d = setup_inputs()
    print(jax.jit(kernel)(*tuple(_d.values())))

</pallas_src>

<mosaic_0001>
#map = affine_map<(d0, d1) -> (0, 0, 0)>
module attributes {stable_mosaic.version = 14 : i64} {
  func.func @_sc_body(%arg0: i32, %arg1: i32, %arg2: memref<4x384x640xf32, #tpu.memory_space<hbm>>, %arg3: memref<32x12x32xi32, #tpu.memory_space<hbm>>, %arg4: memref<32x12x512xf32, #tpu.memory_space<hbm>>, %arg5: memref<32x12x16xf32, #tpu.memory_space<hbm>>, %arg6: memref<4x32x6912xf32, #tpu.memory_space<hbm>>, %arg7: memref<12x32xi32, #tpu.memory_space<vmem>>, %arg8: memref<12x512xf32, #tpu.memory_space<vmem>>, %arg9: memref<12x16xf32, #tpu.memory_space<vmem>>, %arg10: memref<32x640xf32, #tpu.memory_space<vmem>>, %arg11: memref<32x640xf32, #tpu.memory_space<vmem>>, %arg12: memref<32x640xf32, #tpu.memory_space<vmem>>, %arg13: memref<4x6912xf32, #tpu.memory_space<vmem>>, %arg14: memref<!tpu.dma_semaphore, #tpu.memory_space<semaphore_mem>>, %arg15: memref<!tpu.dma_semaphore, #tpu.memory_space<semaphore_mem>>, %arg16: memref<!tpu.dma_semaphore, #tpu.memory_space<semaphore_mem>>) attributes {dimension_semantics = [#tpu.dimension_semantics<core_parallel>, #tpu.dimension_semantics<subcore_parallel>], iteration_bounds = array<i64: 2, 16>, scalar_prefetch = 0 : i64, scratch_operands = 10 : i64, tpu.core_type = #tpu.core_type<sc_vector_subcore>, window_params = [{transform_indices = #map}, {transform_indices = #map}, {transform_indices = #map}, {transform_indices = #map}, {transform_indices = #map}]} {
    %mul3A = arith.constant 2 : i32
    %mul3A_0 = arith.muli %arg1, %mul3A : i32
    %add3A = arith.addi %mul3A_0, %arg0 : i32
    "tpu.region"() ({
      %run_scoped3A = tpu.sem_alloc : memref<!tpu.dma_semaphore, #tpu.memory_space<semaphore_mem>>
      %dma_start3A_33 = arith.constant 0 : i32
      %dma_start3A_34 = arith.constant 0 : i32
      %dma_start3A_35 = tpu.memref_slice %arg3[%add3A, %dma_start3A_33, %dma_start3A_34] : memref<32x12x32xi32, #tpu.memory_space<hbm>> -> memref<1x12x32xi32, #tpu.memory_space<hbm>>
      %dma_start3A_36 = tpu.memref_squeeze %dma_start3A_35 : memref<1x12x32xi32, #tpu.memory_space<hbm>> -> memref<12x32xi32, #tpu.memory_space<hbm>>
      %dma_start3A_37 = arith.constant 0 : i32
      %dma_start3A_38 = arith.constant 0 : i32
      %dma_start3A_39 = tpu.memref_slice %arg3[%add3A, %dma_start3A_37, %dma_start3A_38] : memref<32x12x32xi32, #tpu.memory_space<hbm>> -> memref<1x12x32xi32, #tpu.memory_space<hbm>>
      %dma_start3A_40 = tpu.memref_squeeze %dma_start3A_39 : memref<1x12x32xi32, #tpu.memory_space<hbm>> -> memref<12x32xi32, #tpu.memory_space<hbm>>
      tpu.enqueue_dma source(%dma_start3A_40 : memref<12x32xi32, #tpu.memory_space<hbm>>) target(%arg7 : memref<12x32xi32, #tpu.memory_space<vmem>>) target_semaphore(%run_scoped3A : memref<!tpu.dma_semaphore, #tpu.memory_space<semaphore_mem>>)
      %dma_wait3A = arith.constant 0 : i32
      %dma_wait3A_41 = arith.constant 0 : i32
      %dma_wait3A_42 = tpu.memref_slice %arg3[%add3A, %dma_wait3A, %dma_wait3A_41] : memref<32x12x32xi32, #tpu.memory_space<hbm>> -> memref<1x12x32xi32, #tpu.memory_space<hbm>>
      %dma_wait3A_43 = tpu.memref_squeeze %dma_wait3A_42 : memref<1x12x32xi32, #tpu.memory_space<hbm>> -> memref<12x32xi32, #tpu.memory_space<hbm>>
      %dma_wait3A_44 = arith.constant 0 : i32
      %dma_wait3A_45 = arith.constant 0 : i32
      %dma_wait3A_46 = tpu.memref_slice %arg3[%add3A, %dma_wait3A_44, %dma_wait3A_45] : memref<32x12x32xi32, #tpu.memory_space<hbm>> -> memref<1x12x32xi32, #tpu.memory_space<hbm>>
      %dma_wait3A_47 = tpu.memref_squeeze %dma_wait3A_46 : memref<1x12x32xi32, #tpu.memory_space<hbm>> -> memref<12x32xi32, #tpu.memory_space<hbm>>
      tpu.wait_dma2 semaphore(%run_scoped3A : memref<!tpu.dma_semaphore, #tpu.memory_space<semaphore_mem>>) src(%dma_wait3A_47 : memref<12x32xi32, #tpu.memory_space<hbm>>) dst(%arg7 : memref<12x32xi32, #tpu.memory_space<vmem>>)
      tpu.yield
    }) : () -> ()
    "tpu.region"() ({
      %run_scoped3A = tpu.sem_alloc : memref<!tpu.dma_semaphore, #tpu.memory_space<semaphore_mem>>
      %dma_start3A_33 = arith.constant 0 : i32
      %dma_start3A_34 = arith.constant 0 : i32
      %dma_start3A_35 = tpu.memref_slice %arg4[%add3A, %dma_start3A_33, %dma_start3A_34] : memref<32x12x512xf32, #tpu.memory_space<hbm>> -> memref<1x12x512xf32, #tpu.memory_space<hbm>>
      %dma_start3A_36 = tpu.memref_squeeze %dma_start3A_35 : memref<1x12x512xf32, #tpu.memory_space<hbm>> -> memref<12x512xf32, #tpu.memory_space<hbm>>
      %dma_start3A_37 = arith.constant 0 : i32
      %dma_start3A_38 = arith.constant 0 : i32
      %dma_start3A_39 = tpu.memref_slice %arg4[%add3A, %dma_start3A_37, %dma_start3A_38] : memref<32x12x512xf32, #tpu.memory_space<hbm>> -> memref<1x12x512xf32, #tpu.memory_space<hbm>>
      %dma_start3A_40 = tpu.memref_squeeze %dma_start3A_39 : memref<1x12x512xf32, #tpu.memory_space<hbm>> -> memref<12x512xf32, #tpu.memory_space<hbm>>
      tpu.enqueue_dma source(%dma_start3A_40 : memref<12x512xf32, #tpu.memory_space<hbm>>) target(%arg8 : memref<12x512xf32, #tpu.memory_space<vmem>>) target_semaphore(%run_scoped3A : memref<!tpu.dma_semaphore, #tpu.memory_space<semaphore_mem>>)
      %dma_wait3A = arith.constant 0 : i32
      %dma_wait3A_41 = arith.constant 0 : i32
      %dma_wait3A_42 = tpu.memref_slice %arg4[%add3A, %dma_wait3A, %dma_wait3A_41] : memref<32x12x512xf32, #tpu.memory_space<hbm>> -> memref<1x12x512xf32, #tpu.memory_space<hbm>>
      %dma_wait3A_43 = tpu.memref_squeeze %dma_wait3A_42 : memref<1x12x512xf32, #tpu.memory_space<hbm>> -> memref<12x512xf32, #tpu.memory_space<hbm>>
      %dma_wait3A_44 = arith.constant 0 : i32
      %dma_wait3A_45 = arith.constant 0 : i32
      %dma_wait3A_46 = tpu.memref_slice %arg4[%add3A, %dma_wait3A_44, %dma_wait3A_45] : memref<32x12x512xf32, #tpu.memory_space<hbm>> -> memref<1x12x512xf32, #tpu.memory_space<hbm>>
      %dma_wait3A_47 = tpu.memref_squeeze %dma_wait3A_46 : memref<1x12x512xf32, #tpu.memory_space<hbm>> -> memref<12x512xf32, #tpu.memory_space<hbm>>
      tpu.wait_dma2 semaphore(%run_scoped3A : memref<!tpu.dma_semaphore, #tpu.memory_space<semaphore_mem>>) src(%dma_wait3A_47 : memref<12x512xf32, #tpu.memory_space<hbm>>) dst(%arg8 : memref<12x512xf32, #tpu.memory_space<vmem>>)
      tpu.yield
    }) : () -> ()
    "tpu.region"() ({
      %run_scoped3A = tpu.sem_alloc : memref<!tpu.dma_semaphore, #tpu.memory_space<semaphore_mem>>
      %dma_start3A_33 = arith.constant 0 : i32
      %dma_start3A_34 = arith.constant 0 : i32
      %dma_start3A_35 = tpu.memref_slice %arg5[%add3A, %dma_start3A_33, %dma_start3A_34] : memref<32x12x16xf32, #tpu.memory_space<hbm>> -> memref<1x12x16xf32, #tpu.memory_space<hbm>>
      %dma_start3A_36 = tpu.memref_squeeze %dma_start3A_35 : memref<1x12x16xf32, #tpu.memory_space<hbm>> -> memref<12x16xf32, #tpu.memory_space<hbm>>
      %dma_start3A_37 = arith.constant 0 : i32
      %dma_start3A_38 = arith.constant 0 : i32
      %dma_start3A_39 = tpu.memref_slice %arg5[%add3A, %dma_start3A_37, %dma_start3A_38] : memref<32x12x16xf32, #tpu.memory_space<hbm>> -> memref<1x12x16xf32, #tpu.memory_space<hbm>>
      %dma_start3A_40 = tpu.memref_squeeze %dma_start3A_39 : memref<1x12x16xf32, #tpu.memory_space<hbm>> -> memref<12x16xf32, #tpu.memory_space<hbm>>
      tpu.enqueue_dma source(%dma_start3A_40 : memref<12x16xf32, #tpu.memory_space<hbm>>) target(%arg9 : memref<12x16xf32, #tpu.memory_space<vmem>>) target_semaphore(%run_scoped3A : memref<!tpu.dma_semaphore, #tpu.memory_space<semaphore_mem>>)
      %dma_wait3A = arith.constant 0 : i32
      %dma_wait3A_41 = arith.constant 0 : i32
      %dma_wait3A_42 = tpu.memref_slice %arg5[%add3A, %dma_wait3A, %dma_wait3A_41] : memref<32x12x16xf32, #tpu.memory_space<hbm>> -> memref<1x12x16xf32, #tpu.memory_space<hbm>>
      %dma_wait3A_43 = tpu.memref_squeeze %dma_wait3A_42 : memref<1x12x16xf32, #tpu.memory_space<hbm>> -> memref<12x16xf32, #tpu.memory_space<hbm>>
      %dma_wait3A_44 = arith.constant 0 : i32
      %dma_wait3A_45 = arith.constant 0 : i32
      %dma_wait3A_46 = tpu.memref_slice %arg5[%add3A, %dma_wait3A_44, %dma_wait3A_45] : memref<32x12x16xf32, #tpu.memory_space<hbm>> -> memref<1x12x16xf32, #tpu.memory_space<hbm>>
      %dma_wait3A_47 = tpu.memref_squeeze %dma_wait3A_46 : memref<1x12x16xf32, #tpu.memory_space<hbm>> -> memref<12x16xf32, #tpu.memory_space<hbm>>
      tpu.wait_dma2 semaphore(%run_scoped3A : memref<!tpu.dma_semaphore, #tpu.memory_space<semaphore_mem>>) src(%dma_wait3A_47 : memref<12x16xf32, #tpu.memory_space<hbm>>) dst(%arg9 : memref<12x16xf32, #tpu.memory_space<vmem>>)
      tpu.yield
    }) : () -> ()
    %rem3A = arith.constant 0 : i32
    %rem3A_1 = arith.constant 4 : i32
    %rem3A_2 = arith.remsi %rem3A, %rem3A_1 : i32
    %dma_start3A = arith.constant 0 : i32
    %dma_start3A_3 = arith.constant 0 : i32
    %dma_start3A_4 = tpu.memref_slice %arg7[%dma_start3A, %dma_start3A_3] : memref<12x32xi32, #tpu.memory_space<vmem>> -> memref<1x32xi32, #tpu.memory_space<vmem>>
    %dma_start3A_5 = tpu.memref_squeeze %dma_start3A_4 : memref<1x32xi32, #tpu.memory_space<vmem>> -> memref<32xi32, #tpu.memory_space<vmem>>
    %dma_start3A_6 = arith.constant 0 : i32
    %dma_start3A_7 = arith.constant 0 : i32
    %dma_start3A_8 = tpu.memref_slice %arg2[%rem3A_2, %dma_start3A_6, %dma_start3A_7] : memref<4x384x640xf32, #tpu.memory_space<hbm>> -> memref<1x384x640xf32, #tpu.memory_space<hbm>>
    %dma_start3A_9 = tpu.memref_squeeze %dma_start3A_8 : memref<1x384x640xf32, #tpu.memory_space<hbm>> -> memref<384x640xf32, #tpu.memory_space<hbm>>
    %dma_start3A_10 = arith.constant 0 : i32
    %dma_start3A_11 = arith.constant 0 : i32
    %dma_start3A_12 = tpu.memref_slice %dma_start3A_9[%dma_start3A_10, %dma_start3A_11] : memref<384x640xf32, #tpu.memory_space<hbm>> -> memref<384x640xf32, #tpu.memory_space<hbm>>
    tpu.enqueue_indirect_dma source(%dma_start3A_12 : memref<384x640xf32, #tpu.memory_space<hbm>>) target(%arg10 : memref<32x640xf32, #tpu.memory_space<vmem>>) offsets(%dma_start3A_5 : memref<32xi32, #tpu.memory_space<vmem>>) semaphore(%arg14 : memref<!tpu.dma_semaphore, #tpu.memory_space<semaphore_mem>>)
    %rem3A_13 = arith.constant 1 : i32
    %rem3A_14 = arith.constant 4 : i32
    %rem3A_15 = arith.remsi %rem3A_13, %rem3A_14 : i32
    %dma_start3A_16 = arith.constant 0 : i32
    %dma_start3A_17 = arith.constant 0 : i32
    %dma_start3A_18 = tpu.memref_slice %arg7[%dma_start3A_16, %dma_start3A_17] : memref<12x32xi32, #tpu.memory_space<vmem>> -> memref<1x32xi32, #tpu.memory_space<vmem>>
    %dma_start3A_19 = tpu.memref_squeeze %dma_start3A_18 : memref<1x32xi32, #tpu.memory_space<vmem>> -> memref<32xi32, #tpu.memory_space<vmem>>
    %dma_start3A_20 = arith.constant 0 : i32
    %dma_start3A_21 = arith.constant 0 : i32
    %dma_start3A_22 = tpu.memref_slice %arg2[%rem3A_15, %dma_start3A_20, %dma_start3A_21] : memref<4x384x640xf32, #tpu.memory_space<hbm>> -> memref<1x384x640xf32, #tpu.memory_space<hbm>>
    %dma_start3A_23 = tpu.memref_squeeze %dma_start3A_22 : memref<1x384x640xf32, #tpu.memory_space<hbm>> -> memref<384x640xf32, #tpu.memory_space<hbm>>
    %dma_start3A_24 = arith.constant 0 : i32
    %dma_start3A_25 = arith.constant 0 : i32
    %dma_start3A_26 = tpu.memref_slice %dma_start3A_23[%dma_start3A_24, %dma_start3A_25] : memref<384x640xf32, #tpu.memory_space<hbm>> -> memref<384x640xf32, #tpu.memory_space<hbm>>
    tpu.enqueue_indirect_dma source(%dma_start3A_26 : memref<384x640xf32, #tpu.memory_space<hbm>>) target(%arg11 : memref<32x640xf32, #tpu.memory_space<vmem>>) offsets(%dma_start3A_19 : memref<32xi32, #tpu.memory_space<vmem>>) semaphore(%arg15 : memref<!tpu.dma_semaphore, #tpu.memory_space<semaphore_mem>>)
    %scan3A = arith.constant 0 : i32
    %scan3A_27 = arith.constant 0 : i32
    %scan3A_28 = arith.constant 16 : i32
    %scan3A_29 = arith.addi %scan3A_27, %scan3A_28 : i32
    %scan3A_30 = arith.constant 1 : i32
    %scan3A_31 = scf.for %scan3A_33 = %scan3A_27 to %scan3A_29 step %scan3A_30 iter_args(%scan3A_34 = %scan3A) -> (i32)  : i32 {
      %mul3A_35 = arith.constant 3 : i32
      %mul3A_36 = arith.muli %scan3A_33, %mul3A_35 : i32
      %add3A_37 = arith.constant 0 : i32
      %add3A_38 = arith.addi %mul3A_36, %add3A_37 : i32
      %add3A_39 = arith.constant 2 : i32
      %add3A_40 = arith.addi %add3A_38, %add3A_39 : i32
      %lt3A = arith.constant 48 : i32
      %lt3A_41 = arith.cmpi slt, %add3A_40, %lt3A : i32
      %convert_element_type3A = arith.extui %lt3A_41 : i1 to i32
      %cond3A = arith.constant 0 : i32
      %cond3A_42 = arith.cmpi ne, %convert_element_type3A, %cond3A : i32
      scf.if %cond3A_42 {
        %add3A_599 = arith.constant 0 : i32
        %add3A_600 = arith.addi %mul3A_36, %add3A_599 : i32
        %add3A_601 = arith.constant 2 : i32
        %add3A_602 = arith.addi %add3A_600, %add3A_601 : i32
        %jit3A_603 = arith.constant 4 : i32
        %div3A_604 = arith.divsi %add3A_602, %jit3A_603 : i32
        %sign3A_605 = arith.constant 0 : i32
        %sign3A_606 = arith.cmpi sgt, %add3A_602, %sign3A_605 : i32
        %sign3A_607 = arith.extui %sign3A_606 : i1 to i32
        %sign3A_608 = arith.constant 0 : i32
        %sign3A_609 = arith.cmpi slt, %add3A_602, %sign3A_608 : i32
        %sign3A_610 = arith.extui %sign3A_609 : i1 to i32
        %sign3A_611 = arith.subi %sign3A_607, %sign3A_610 : i32
        %sign3A_612 = arith.constant 0 : i32
        %sign3A_613 = arith.cmpi sgt, %jit3A_603, %sign3A_612 : i32
        %sign3A_614 = arith.extui %sign3A_613 : i1 to i32
        %sign3A_615 = arith.constant 0 : i32
        %sign3A_616 = arith.cmpi slt, %jit3A_603, %sign3A_615 : i32
        %sign3A_617 = arith.extui %sign3A_616 : i1 to i32
        %sign3A_618 = arith.subi %sign3A_614, %sign3A_617 : i32
        %ne3A_619 = arith.cmpi ne, %sign3A_611, %sign3A_618 : i32
        %rem3A_620 = arith.remsi %add3A_602, %jit3A_603 : i32
        %ne3A_621 = arith.constant 0 : i32
        %ne3A_622 = arith.cmpi ne, %rem3A_620, %ne3A_621 : i32
        %and3A_623 = arith.andi %ne3A_619, %ne3A_622 : i1
        %sub3A_624 = arith.constant 1 : i32
        %sub3A_625 = arith.subi %div3A_604, %sub3A_624 : i32
        %select_n3A_626 = arith.select %and3A_623, %sub3A_625, %div3A_604 : i32
        %rem3A_627 = arith.constant 4 : i32
        %rem3A_628 = arith.remsi %add3A_602, %rem3A_627 : i32
        %dma_start3A_629 = arith.constant 0 : i32
        %dma_start3A_630 = tpu.memref_slice %arg7[%select_n3A_626, %dma_start3A_629] : memref<12x32xi32, #tpu.memory_space<vmem>> -> memref<1x32xi32, #tpu.memory_space<vmem>>
        %dma_start3A_631 = tpu.memref_squeeze %dma_start3A_630 : memref<1x32xi32, #tpu.memory_space<vmem>> -> memref<32xi32, #tpu.memory_space<vmem>>
        %dma_start3A_632 = arith.constant 0 : i32
        %dma_start3A_633 = arith.constant 0 : i32
        %dma_start3A_634 = tpu.memref_slice %arg2[%rem3A_628, %dma_start3A_632, %dma_start3A_633] : memref<4x384x640xf32, #tpu.memory_space<hbm>> -> memref<1x384x640xf32, #tpu.memory_space<hbm>>
        %dma_start3A_635 = tpu.memref_squeeze %dma_start3A_634 : memref<1x384x640xf32, #tpu.memory_space<hbm>> -> memref<384x640xf32, #tpu.memory_space<hbm>>
        %dma_start3A_636 = arith.constant 0 : i32
        %dma_start3A_637 = arith.constant 0 : i32
        %dma_start3A_638 = tpu.memref_slice %dma_start3A_635[%dma_start3A_636, %dma_start3A_637] : memref<384x640xf32, #tpu.memory_space<hbm>> -> memref<384x640xf32, #tpu.memory_space<hbm>>
        tpu.enqueue_indirect_dma source(%dma_start3A_638 : memref<384x640xf32, #tpu.memory_space<hbm>>) target(%arg12 : memref<32x640xf32, #tpu.memory_space<vmem>>) offsets(%dma_start3A_631 : memref<32xi32, #tpu.memory_space<vmem>>) semaphore(%arg16 : memref<!tpu.dma_semaphore, #tpu.memory_space<semaphore_mem>>)
      } else {
      }
      %dma_wait3A = arith.constant 0 : i32
      %dma_wait3A_43 = arith.constant 0 : i32
      %dma_wait3A_44 = arith.constant 0 : i32
      %dma_wait3A_45 = tpu.memref_slice %arg2[%dma_wait3A, %dma_wait3A_43, %dma_wait3A_44] : memref<4x384x640xf32, #tpu.memory_space<hbm>> -> memref<1x384x640xf32, #tpu.memory_space<hbm>>
      %dma_wait3A_46 = tpu.memref_squeeze %dma_wait3A_45 : memref<1x384x640xf32, #tpu.memory_space<hbm>> -> memref<384x640xf32, #tpu.memory_space<hbm>>
      %dma_wait3A_47 = arith.constant 0 : i32
      %dma_wait3A_48 = arith.constant 0 : i32
      %dma_wait3A_49 = tpu.memref_slice %dma_wait3A_46[%dma_wait3A_47, %dma_wait3A_48] : memref<384x640xf32, #tpu.memory_space<hbm>> -> memref<32x640xf32, #tpu.memory_space<hbm>>
      %dma_wait3A_50 = arith.constant 0 : i32
      %dma_wait3A_51 = arith.constant 0 : i32
      %dma_wait3A_52 = tpu.memref_slice %arg2[%dma_wait3A, %dma_wait3A_50, %dma_wait3A_51] : memref<4x384x640xf32, #tpu.memory_space<hbm>> -> memref<1x384x640xf32, #tpu.memory_space<hbm>>
      %dma_wait3A_53 = tpu.memref_squeeze %dma_wait3A_52 : memref<1x384x640xf32, #tpu.memory_space<hbm>> -> memref<384x640xf32, #tpu.memory_space<hbm>>
      %dma_wait3A_54 = arith.constant 0 : i32
      %dma_wait3A_55 = arith.constant 0 : i32
      %dma_wait3A_56 = tpu.memref_slice %dma_wait3A_53[%dma_wait3A_54, %dma_wait3A_55] : memref<384x640xf32, #tpu.memory_space<hbm>> -> memref<32x640xf32, #tpu.memory_space<hbm>>
      tpu.wait_dma2 semaphore(%arg14 : memref<!tpu.dma_semaphore, #tpu.memory_space<semaphore_mem>>) src(%dma_wait3A_56 : memref<32x640xf32, #tpu.memory_space<hbm>>) dst(%arg10 : memref<32x640xf32, #tpu.memory_space<vmem>>)
      %add3A_57 = arith.constant 0 : i32
      %add3A_58 = arith.addi %mul3A_36, %add3A_57 : i32
      %jit3A = arith.constant 4 : i32
      %div3A = arith.divsi %add3A_58, %jit3A : i32
      %sign3A = arith.constant 0 : i32
      %sign3A_59 = arith.cmpi sgt, %add3A_58, %sign3A : i32
      %sign3A_60 = arith.extui %sign3A_59 : i1 to i32
      %sign3A_61 = arith.constant 0 : i32
      %sign3A_62 = arith.cmpi slt, %add3A_58, %sign3A_61 : i32
      %sign3A_63 = arith.extui %sign3A_62 : i1 to i32
      %sign3A_64 = arith.subi %sign3A_60, %sign3A_63 : i32
      %sign3A_65 = arith.constant 0 : i32
      %sign3A_66 = arith.cmpi sgt, %jit3A, %sign3A_65 : i32
      %sign3A_67 = arith.extui %sign3A_66 : i1 to i32
      %sign3A_68 = arith.constant 0 : i32
      %sign3A_69 = arith.cmpi slt, %jit3A, %sign3A_68 : i32
      %sign3A_70 = arith.extui %sign3A_69 : i1 to i32
      %sign3A_71 = arith.subi %sign3A_67, %sign3A_70 : i32
      %ne3A = arith.cmpi ne, %sign3A_64, %sign3A_71 : i32
      %rem3A_72 = arith.remsi %add3A_58, %jit3A : i32
      %ne3A_73 = arith.constant 0 : i32
      %ne3A_74 = arith.cmpi ne, %rem3A_72, %ne3A_73 : i32
      %and3A = arith.andi %ne3A, %ne3A_74 : i1
      %sub3A = arith.constant 1 : i32
      %sub3A_75 = arith.subi %div3A, %sub3A : i32
      %select_n3A = arith.select %and3A, %sub3A_75, %div3A : i32
      %rem3A_76 = arith.constant 4 : i32
      %rem3A_77 = arith.remsi %add3A_58, %rem3A_76 : i32
      %get3A = arith.index_cast %select_n3A : i32 to index
      %get3A_78 = arith.constant 0 : index
      %get3A_79 = tpu.vector_load %arg9[%get3A, %get3A_78] {strides = array<i32>} : memref<12x16xf32, #tpu.memory_space<vmem>>, vector<1x16xf32>,
      %get3A_80 = vector.shape_cast %get3A_79 : vector<1x16xf32> to vector<16xf32>
      %get3A_81 = arith.index_cast %select_n3A : i32 to index
      %get3A_82 = arith.constant 0 : index
      %get3A_83 = tpu.vector_load %arg8[%get3A_81, %get3A_82] {strides = array<i32>} : memref<12x512xf32, #tpu.memory_space<vmem>>, vector<1x16xf32>,
      %get3A_84 = vector.shape_cast %get3A_83 : vector<1x16xf32> to vector<16xf32>
      %get3A_85 = arith.index_cast %select_n3A : i32 to index
      %get3A_86 = arith.constant 16 : index
      %get3A_87 = tpu.vector_load %arg8[%get3A_85, %get3A_86] {strides = array<i32>} : memref<12x512xf32, #tpu.memory_space<vmem>>, vector<1x16xf32>,
      %get3A_88 = vector.shape_cast %get3A_87 : vector<1x16xf32> to vector<16xf32>
      %get3A_89 = arith.index_cast %select_n3A : i32 to index
      %get3A_90 = arith.constant 32 : index
      %get3A_91 = tpu.vector_load %arg8[%get3A_89, %get3A_90] {strides = array<i32>} : memref<12x512xf32, #tpu.memory_space<vmem>>, vector<1x16xf32>,
      %get3A_92 = vector.shape_cast %get3A_91 : vector<1x16xf32> to vector<16xf32>
      %get3A_93 = arith.index_cast %select_n3A : i32 to index
      %get3A_94 = arith.constant 48 : index
      %get3A_95 = tpu.vector_load %arg8[%get3A_93, %get3A_94] {strides = array<i32>} : memref<12x512xf32, #tpu.memory_space<vmem>>, vector<1x16xf32>,
      %get3A_96 = vector.shape_cast %get3A_95 : vector<1x16xf32> to vector<16xf32>
      %get3A_97 = arith.index_cast %select_n3A : i32 to index
      %get3A_98 = arith.constant 64 : index
      %get3A_99 = tpu.vector_load %arg8[%get3A_97, %get3A_98] {strides = array<i32>} : memref<12x512xf32, #tpu.memory_space<vmem>>, vector<1x16xf32>,
      %get3A_100 = vector.shape_cast %get3A_99 : vector<1x16xf32> to vector<16xf32>
      %get3A_101 = arith.index_cast %select_n3A : i32 to index
      %get3A_102 = arith.constant 80 : index
      %get3A_103 = tpu.vector_load %arg8[%get3A_101, %get3A_102] {strides = array<i32>} : memref<12x512xf32, #tpu.memory_space<vmem>>, vector<1x16xf32>,
      %get3A_104 = vector.shape_cast %get3A_103 : vector<1x16xf32> to vector<16xf32>
      %get3A_105 = arith.index_cast %select_n3A : i32 to index
      %get3A_106 = arith.constant 96 : index
      %get3A_107 = tpu.vector_load %arg8[%get3A_105, %get3A_106] {strides = array<i32>} : memref<12x512xf32, #tpu.memory_space<vmem>>, vector<1x16xf32>,
      %get3A_108 = vector.shape_cast %get3A_107 : vector<1x16xf32> to vector<16xf32>
      %get3A_109 = arith.index_cast %select_n3A : i32 to index
      %get3A_110 = arith.constant 112 : index
      %get3A_111 = tpu.vector_load %arg8[%get3A_109, %get3A_110] {strides = array<i32>} : memref<12x512xf32, #tpu.memory_space<vmem>>, vector<1x16xf32>,
      %get3A_112 = vector.shape_cast %get3A_111 : vector<1x16xf32> to vector<16xf32>
      %get3A_113 = arith.index_cast %select_n3A : i32 to index
      %get3A_114 = arith.constant 128 : index
      %get3A_115 = tpu.vector_load %arg8[%get3A_113, %get3A_114] {strides = array<i32>} : memref<12x512xf32, #tpu.memory_space<vmem>>, vector<1x16xf32>,
      %get3A_116 = vector.shape_cast %get3A_115 : vector<1x16xf32> to vector<16xf32>
      %get3A_117 = arith.index_cast %select_n3A : i32 to index
      %get3A_118 = arith.constant 144 : index
      %get3A_119 = tpu.vector_load %arg8[%get3A_117, %get3A_118] {strides = array<i32>} : memref<12x512xf32, #tpu.memory_space<vmem>>, vector<1x16xf32>,
      %get3A_120 = vector.shape_cast %get3A_119 : vector<1x16xf32> to vector<16xf32>
      %get3A_121 = arith.index_cast %select_n3A : i32 to index
      %get3A_122 = arith.constant 160 : index
      %get3A_123 = tpu.vector_load %arg8[%get3A_121, %get3A_122] {strides = array<i32>} : memref<12x512xf32, #tpu.memory_space<vmem>>, vector<1x16xf32>,
      %get3A_124 = vector.shape_cast %get3A_123 : vector<1x16xf32> to vector<16xf32>
      %get3A_125 = arith.index_cast %select_n3A : i32 to index
      %get3A_126 = arith.constant 176 : index
      %get3A_127 = tpu.vector_load %arg8[%get3A_125, %get3A_126] {strides = array<i32>} : memref<12x512xf32, #tpu.memory_space<vmem>>, vector<1x16xf32>,
      %get3A_128 = vector.shape_cast %get3A_127 : vector<1x16xf32> to vector<16xf32>
      %get3A_129 = arith.index_cast %select_n3A : i32 to index
      %get3A_130 = arith.constant 192 : index
      %get3A_131 = tpu.vector_load %arg8[%get3A_129, %get3A_130] {strides = array<i32>} : memref<12x512xf32, #tpu.memory_space<vmem>>, vector<1x16xf32>,
      %get3A_132 = vector.shape_cast %get3A_131 : vector<1x16xf32> to vector<16xf32>
      %get3A_133 = arith.index_cast %select_n3A : i32 to index
      %get3A_134 = arith.constant 208 : index
      %get3A_135 = tpu.vector_load %arg8[%get3A_133, %get3A_134] {strides = array<i32>} : memref<12x512xf32, #tpu.memory_space<vmem>>, vector<1x16xf32>,
      %get3A_136 = vector.shape_cast %get3A_135 : vector<1x16xf32> to vector<16xf32>
      %get3A_137 = arith.index_cast %select_n3A : i32 to index
      %get3A_138 = arith.constant 224 : index
      %get3A_139 = tpu.vector_load %arg8[%get3A_137, %get3A_138] {strides = array<i32>} : memref<12x512xf32, #tpu.memory_space<vmem>>, vector<1x16xf32>,
      %get3A_140 = vector.shape_cast %get3A_139 : vector<1x16xf32> to vector<16xf32>
      %get3A_141 = arith.index_cast %select_n3A : i32 to index
      %get3A_142 = arith.constant 240 : index
      %get3A_143 = tpu.vector_load %arg8[%get3A_141, %get3A_142] {strides = array<i32>} : memref<12x512xf32, #tpu.memory_space<vmem>>, vector<1x16xf32>,
      %get3A_144 = vector.shape_cast %get3A_143 : vector<1x16xf32> to vector<16xf32>
      %get3A_145 = arith.index_cast %select_n3A : i32 to index
      %get3A_146 = arith.constant 256 : index
      %get3A_147 = tpu.vector_load %arg8[%get3A_145, %get3A_146] {strides = array<i32>} : memref<12x512xf32, #tpu.memory_space<vmem>>, vector<1x16xf32>,
      %get3A_148 = vector.shape_cast %get3A_147 : vector<1x16xf32> to vector<16xf32>
      %get3A_149 = arith.index_cast %select_n3A : i32 to index
      %get3A_150 = arith.constant 272 : index
      %get3A_151 = tpu.vector_load %arg8[%get3A_149, %get3A_150] {strides = array<i32>} : memref<12x512xf32, #tpu.memory_space<vmem>>, vector<1x16xf32>,
      %get3A_152 = vector.shape_cast %get3A_151 : vector<1x16xf32> to vector<16xf32>
      %get3A_153 = arith.index_cast %select_n3A : i32 to index
      %get3A_154 = arith.constant 288 : index
      %get3A_155 = tpu.vector_load %arg8[%get3A_153, %get3A_154] {strides = array<i32>} : memref<12x512xf32, #tpu.memory_space<vmem>>, vector<1x16xf32>,
      %get3A_156 = vector.shape_cast %get3A_155 : vector<1x16xf32> to vector<16xf32>
      %get3A_157 = arith.index_cast %select_n3A : i32 to index
      %get3A_158 = arith.constant 304 : index
      %get3A_159 = tpu.vector_load %arg8[%get3A_157, %get3A_158] {strides = array<i32>} : memref<12x512xf32, #tpu.memory_space<vmem>>, vector<1x16xf32>,
      %get3A_160 = vector.shape_cast %get3A_159 : vector<1x16xf32> to vector<16xf32>
      %get3A_161 = arith.index_cast %select_n3A : i32 to index
      %get3A_162 = arith.constant 320 : index
      %get3A_163 = tpu.vector_load %arg8[%get3A_161, %get3A_162] {strides = array<i32>} : memref<12x512xf32, #tpu.memory_space<vmem>>, vector<1x16xf32>,
      %get3A_164 = vector.shape_cast %get3A_163 : vector<1x16xf32> to vector<16xf32>
      %get3A_165 = arith.index_cast %select_n3A : i32 to index
      %get3A_166 = arith.constant 336 : index
      %get3A_167 = tpu.vector_load %arg8[%get3A_165, %get3A_166] {strides = array<i32>} : memref<12x512xf32, #tpu.memory_space<vmem>>, vector<1x16xf32>,
      %get3A_168 = vector.shape_cast %get3A_167 : vector<1x16xf32> to vector<16xf32>
      %get3A_169 = arith.index_cast %select_n3A : i32 to index
      %get3A_170 = arith.constant 352 : index
      %get3A_171 = tpu.vector_load %arg8[%get3A_169, %get3A_170] {strides = array<i32>} : memref<12x512xf32, #tpu.memory_space<vmem>>, vector<1x16xf32>,
      %get3A_172 = vector.shape_cast %get3A_171 : vector<1x16xf32> to vector<16xf32>
      %get3A_173 = arith.index_cast %select_n3A : i32 to index
      %get3A_174 = arith.constant 368 : index
      %get3A_175 = tpu.vector_load %arg8[%get3A_173, %get3A_174] {strides = array<i32>} : memref<12x512xf32, #tpu.memory_space<vmem>>, vector<1x16xf32>,
      %get3A_176 = vector.shape_cast %get3A_175 : vector<1x16xf32> to vector<16xf32>
      %get3A_177 = arith.index_cast %select_n3A : i32 to index
      %get3A_178 = arith.constant 384 : index
      %get3A_179 = tpu.vector_load %arg8[%get3A_177, %get3A_178] {strides = array<i32>} : memref<12x512xf32, #tpu.memory_space<vmem>>, vector<1x16xf32>,
      %get3A_180 = vector.shape_cast %get3A_179 : vector<1x16xf32> to vector<16xf32>
      %get3A_181 = arith.index_cast %select_n3A : i32 to index
      %get3A_182 = arith.constant 400 : index
      %get3A_183 = tpu.vector_load %arg8[%get3A_181, %get3A_182] {strides = array<i32>} : memref<12x512xf32, #tpu.memory_space<vmem>>, vector<1x16xf32>,
      %get3A_184 = vector.shape_cast %get3A_183 : vector<1x16xf32> to vector<16xf32>
      %get3A_185 = arith.index_cast %select_n3A : i32 to index
      %get3A_186 = arith.constant 416 : index
      %get3A_187 = tpu.vector_load %arg8[%get3A_185, %get3A_186] {strides = array<i32>} : memref<12x512xf32, #tpu.memory_space<vmem>>, vector<1x16xf32>,
      %get3A_188 = vector.shape_cast %get3A_187 : vector<1x16xf32> to vector<16xf32>
      %get3A_189 = arith.index_cast %select_n3A : i32 to index
      %get3A_190 = arith.constant 432 : index
      %get3A_191 = tpu.vector_load %arg8[%get3A_189, %get3A_190] {strides = array<i32>} : memref<12x512xf32, #tpu.memory_space<vmem>>, vector<1x16xf32>,
      %get3A_192 = vector.shape_cast %get3A_191 : vector<1x16xf32> to vector<16xf32>
      %get3A_193 = arith.index_cast %select_n3A : i32 to index
      %get3A_194 = arith.constant 448 : index
      %get3A_195 = tpu.vector_load %arg8[%get3A_193, %get3A_194] {strides = array<i32>} : memref<12x512xf32, #tpu.memory_space<vmem>>, vector<1x16xf32>,
      %get3A_196 = vector.shape_cast %get3A_195 : vector<1x16xf32> to vector<16xf32>
      %get3A_197 = arith.index_cast %select_n3A : i32 to index
      %get3A_198 = arith.constant 464 : index
      %get3A_199 = tpu.vector_load %arg8[%get3A_197, %get3A_198] {strides = array<i32>} : memref<12x512xf32, #tpu.memory_space<vmem>>, vector<1x16xf32>,
      %get3A_200 = vector.shape_cast %get3A_199 : vector<1x16xf32> to vector<16xf32>
      %get3A_201 = arith.index_cast %select_n3A : i32 to index
      %get3A_202 = arith.constant 480 : index
      %get3A_203 = tpu.vector_load %arg8[%get3A_201, %get3A_202] {strides = array<i32>} : memref<12x512xf32, #tpu.memory_space<vmem>>, vector<1x16xf32>,
      %get3A_204 = vector.shape_cast %get3A_203 : vector<1x16xf32> to vector<16xf32>
      %get3A_205 = arith.index_cast %select_n3A : i32 to index
      %get3A_206 = arith.constant 496 : index
      %get3A_207 = tpu.vector_load %arg8[%get3A_205, %get3A_206] {strides = array<i32>} : memref<12x512xf32, #tpu.memory_space<vmem>>, vector<1x16xf32>,
      %get3A_208 = vector.shape_cast %get3A_207 : vector<1x16xf32> to vector<16xf32>
      %scan3A_209 = arith.constant 0 : i32
      %scan3A_210 = arith.constant 0 : i32
      %scan3A_211 = arith.constant 36 : i32
      %scan3A_212 = arith.addi %scan3A_210, %scan3A_211 : i32
      %scan3A_213 = arith.constant 1 : i32
      %scan3A_214 = scf.for %scan3A_599 = %scan3A_210 to %scan3A_212 step %scan3A_213 iter_args(%scan3A_600 = %scan3A_209) -> (i32)  : i32 {
        %mul3A_601 = arith.constant 576 : i32
        %mul3A_602 = arith.muli %select_n3A, %mul3A_601 : i32
        %mul3A_603 = arith.constant 16 : i32
        %mul3A_604 = arith.muli %scan3A_599, %mul3A_603 : i32
        %add3A_605 = arith.addi %mul3A_602, %mul3A_604 : i32
        %mul3A_606 = arith.constant 16 : i32
        %mul3A_607 = arith.muli %scan3A_599, %mul3A_606 : i32
        %get3A_608 = arith.constant 0 : i32
        %get3A_609 = arith.index_cast %get3A_608 : i32 to index
        %get3A_610 = arith.index_cast %mul3A_607 : i32 to index
        %get3A_611 = tpu.vector_load %arg10[%get3A_609, %get3A_610] {strides = array<i32>} : memref<32x640xf32, #tpu.memory_space<vmem>>, vector<1x16xf32>,
        %get3A_612 = vector.shape_cast %get3A_611 : vector<1x16xf32> to vector<16xf32>
        %sub3A_613 = arith.subf %get3A_612, %get3A_84 : vector<16xf32>
        %abs3A = math.absf %sub3A_613 : vector<16xf32>
        %mul3A_614 = arith.constant 16 : i32
        %mul3A_615 = arith.muli %scan3A_599, %mul3A_614 : i32
        %get3A_616 = arith.constant 1 : i32
        %get3A_617 = arith.index_cast %get3A_616 : i32 to index
        %get3A_618 = arith.index_cast %mul3A_615 : i32 to index
        %get3A_619 = tpu.vector_load %arg10[%get3A_617, %get3A_618] {strides = array<i32>} : memref<32x640xf32, #tpu.memory_space<vmem>>, vector<1x16xf32>,
        %get3A_620 = vector.shape_cast %get3A_619 : vector<1x16xf32> to vector<16xf32>
        %sub3A_621 = arith.subf %get3A_620, %get3A_88 : vector<16xf32>
        %abs3A_622 = math.absf %sub3A_621 : vector<16xf32>
        %mul3A_623 = arith.constant 16 : i32
        %mul3A_624 = arith.muli %scan3A_599, %mul3A_623 : i32
        %get3A_625 = arith.constant 2 : i32
        %get3A_626 = arith.index_cast %get3A_625 : i32 to index
        %get3A_627 = arith.index_cast %mul3A_624 : i32 to index
        %get3A_628 = tpu.vector_load %arg10[%get3A_626, %get3A_627] {strides = array<i32>} : memref<32x640xf32, #tpu.memory_space<vmem>>, vector<1x16xf32>,
        %get3A_629 = vector.shape_cast %get3A_628 : vector<1x16xf32> to vector<16xf32>
        %sub3A_630 = arith.subf %get3A_629, %get3A_92 : vector<16xf32>
        %abs3A_631 = math.absf %sub3A_630 : vector<16xf32>
        %mul3A_632 = arith.constant 16 : i32
        %mul3A_633 = arith.muli %scan3A_599, %mul3A_632 : i32
        %get3A_634 = arith.constant 3 : i32
        %get3A_635 = arith.index_cast %get3A_634 : i32 to index
        %get3A_636 = arith.index_cast %mul3A_633 : i32 to index
        %get3A_637 = tpu.vector_load %arg10[%get3A_635, %get3A_636] {strides = array<i32>} : memref<32x640xf32, #tpu.memory_space<vmem>>, vector<1x16xf32>,
        %get3A_638 = vector.shape_cast %get3A_637 : vector<1x16xf32> to vector<16xf32>
        %sub3A_639 = arith.subf %get3A_638, %get3A_96 : vector<16xf32>
        %abs3A_640 = math.absf %sub3A_639 : vector<16xf32>
        %mul3A_641 = arith.constant 16 : i32
        %mul3A_642 = arith.muli %scan3A_599, %mul3A_641 : i32
        %get3A_643 = arith.constant 4 : i32
        %get3A_644 = arith.index_cast %get3A_643 : i32 to index
        %get3A_645 = arith.index_cast %mul3A_642 : i32 to index
        %get3A_646 = tpu.vector_load %arg10[%get3A_644, %get3A_645] {strides = array<i32>} : memref<32x640xf32, #tpu.memory_space<vmem>>, vector<1x16xf32>,
        %get3A_647 = vector.shape_cast %get3A_646 : vector<1x16xf32> to vector<16xf32>
        %sub3A_648 = arith.subf %get3A_647, %get3A_100 : vector<16xf32>
        %abs3A_649 = math.absf %sub3A_648 : vector<16xf32>
        %mul3A_650 = arith.constant 16 : i32
        %mul3A_651 = arith.muli %scan3A_599, %mul3A_650 : i32
        %get3A_652 = arith.constant 5 : i32
        %get3A_653 = arith.index_cast %get3A_652 : i32 to index
        %get3A_654 = arith.index_cast %mul3A_651 : i32 to index
        %get3A_655 = tpu.vector_load %arg10[%get3A_653, %get3A_654] {strides = array<i32>} : memref<32x640xf32, #tpu.memory_space<vmem>>, vector<1x16xf32>,
        %get3A_656 = vector.shape_cast %get3A_655 : vector<1x16xf32> to vector<16xf32>
        %sub3A_657 = arith.subf %get3A_656, %get3A_104 : vector<16xf32>
        %abs3A_658 = math.absf %sub3A_657 : vector<16xf32>
        %mul3A_659 = arith.constant 16 : i32
        %mul3A_660 = arith.muli %scan3A_599, %mul3A_659 : i32
        %get3A_661 = arith.constant 6 : i32
        %get3A_662 = arith.index_cast %get3A_661 : i32 to index
        %get3A_663 = arith.index_cast %mul3A_660 : i32 to index
        %get3A_664 = tpu.vector_load %arg10[%get3A_662, %get3A_663] {strides = array<i32>} : memref<32x640xf32, #tpu.memory_space<vmem>>, vector<1x16xf32>,
        %get3A_665 = vector.shape_cast %get3A_664 : vector<1x16xf32> to vector<16xf32>
        %sub3A_666 = arith.subf %get3A_665, %get3A_108 : vector<16xf32>
        %abs3A_667 = math.absf %sub3A_666 : vector<16xf32>
        %mul3A_668 = arith.constant 16 : i32
        %mul3A_669 = arith.muli %scan3A_599, %mul3A_668 : i32
        %get3A_670 = arith.constant 7 : i32
        %get3A_671 = arith.index_cast %get3A_670 : i32 to index
        %get3A_672 = arith.index_cast %mul3A_669 : i32 to index
        %get3A_673 = tpu.vector_load %arg10[%get3A_671, %get3A_672] {strides = array<i32>} : memref<32x640xf32, #tpu.memory_space<vmem>>, vector<1x16xf32>,
        %get3A_674 = vector.shape_cast %get3A_673 : vector<1x16xf32> to vector<16xf32>
        %sub3A_675 = arith.subf %get3A_674, %get3A_112 : vector<16xf32>
        %abs3A_676 = math.absf %sub3A_675 : vector<16xf32>
        %max3A = arith.maximumf %abs3A, %abs3A_622 : vector<16xf32>
        %max3A_677 = arith.maximumf %abs3A_631, %abs3A_640 : vector<16xf32>
        %max3A_678 = arith.maximumf %max3A, %max3A_677 : vector<16xf32>
        %max3A_679 = arith.maximumf %abs3A_649, %abs3A_658 : vector<16xf32>
        %max3A_680 = arith.maximumf %abs3A_667, %abs3A_676 : vector<16xf32>
        %max3A_681 = arith.maximumf %max3A_679, %max3A_680 : vector<16xf32>
        %max3A_682 = arith.maximumf %max3A_678, %max3A_681 : vector<16xf32>
        %mul3A_683 = arith.constant 16 : i32
        %mul3A_684 = arith.muli %scan3A_599, %mul3A_683 : i32
        %get3A_685 = arith.constant 8 : i32
        %get3A_686 = arith.index_cast %get3A_685 : i32 to index
        %get3A_687 = arith.index_cast %mul3A_684 : i32 to index
        %get3A_688 = tpu.vector_load %arg10[%get3A_686, %get3A_687] {strides = array<i32>} : memref<32x640xf32, #tpu.memory_space<vmem>>, vector<1x16xf32>,
        %get3A_689 = vector.shape_cast %get3A_688 : vector<1x16xf32> to vector<16xf32>
        %sub3A_690 = arith.subf %get3A_689, %get3A_116 : vector<16xf32>
        %abs3A_691 = math.absf %sub3A_690 : vector<16xf32>
        %mul3A_692 = arith.constant 16 : i32
        %mul3A_693 = arith.muli %scan3A_599, %mul3A_692 : i32
        %get3A_694 = arith.constant 9 : i32
        %get3A_695 = arith.index_cast %get3A_694 : i32 to index
        %get3A_696 = arith.index_cast %mul3A_693 : i32 to index
        %get3A_697 = tpu.vector_load %arg10[%get3A_695, %get3A_696] {strides = array<i32>} : memref<32x640xf32, #tpu.memory_space<vmem>>, vector<1x16xf32>,
        %get3A_698 = vector.shape_cast %get3A_697 : vector<1x16xf32> to vector<16xf32>
        %sub3A_699 = arith.subf %get3A_698, %get3A_120 : vector<16xf32>
        %abs3A_700 = math.absf %sub3A_699 : vector<16xf32>
        %mul3A_701 = arith.constant 16 : i32
        %mul3A_702 = arith.muli %scan3A_599, %mul3A_701 : i32
        %get3A_703 = arith.constant 10 : i32
        %get3A_704 = arith.index_cast %get3A_703 : i32 to index
        %get3A_705 = arith.index_cast %mul3A_702 : i32 to index
        %get3A_706 = tpu.vector_load %arg10[%get3A_704, %get3A_705] {strides = array<i32>} : memref<32x640xf32, #tpu.memory_space<vmem>>, vector<1x16xf32>,
        %get3A_707 = vector.shape_cast %get3A_706 : vector<1x16xf32> to vector<16xf32>
        %sub3A_708 = arith.subf %get3A_707, %get3A_124 : vector<16xf32>
        %abs3A_709 = math.absf %sub3A_708 : vector<16xf32>
        %mul3A_710 = arith.constant 16 : i32
        %mul3A_711 = arith.muli %scan3A_599, %mul3A_710 : i32
        %get3A_712 = arith.constant 11 : i32
        %get3A_713 = arith.index_cast %get3A_712 : i32 to index
        %get3A_714 = arith.index_cast %mul3A_711 : i32 to index
        %get3A_715 = tpu.vector_load %arg10[%get3A_713, %get3A_714] {strides = array<i32>} : memref<32x640xf32, #tpu.memory_space<vmem>>, vector<1x16xf32>,
        %get3A_716 = vector.shape_cast %get3A_715 : vector<1x16xf32> to vector<16xf32>
        %sub3A_717 = arith.subf %get3A_716, %get3A_128 : vector<16xf32>
        %abs3A_718 = math.absf %sub3A_717 : vector<16xf32>
        %mul3A_719 = arith.constant 16 : i32
        %mul3A_720 = arith.muli %scan3A_599, %mul3A_719 : i32
        %get3A_721 = arith.constant 12 : i32
        %get3A_722 = arith.index_cast %get3A_721 : i32 to index
        %get3A_723 = arith.index_cast %mul3A_720 : i32 to index
        %get3A_724 = tpu.vector_load %arg10[%get3A_722, %get3A_723] {strides = array<i32>} : memref<32x640xf32, #tpu.memory_space<vmem>>, vector<1x16xf32>,
        %get3A_725 = vector.shape_cast %get3A_724 : vector<1x16xf32> to vector<16xf32>
        %sub3A_726 = arith.subf %get3A_725, %get3A_132 : vector<16xf32>
        %abs3A_727 = math.absf %sub3A_726 : vector<16xf32>
        %mul3A_728 = arith.constant 16 : i32
        %mul3A_729 = arith.muli %scan3A_599, %mul3A_728 : i32
        %get3A_730 = arith.constant 13 : i32
        %get3A_731 = arith.index_cast %get3A_730 : i32 to index
        %get3A_732 = arith.index_cast %mul3A_729 : i32 to index
        %get3A_733 = tpu.vector_load %arg10[%get3A_731, %get3A_732] {strides = array<i32>} : memref<32x640xf32, #tpu.memory_space<vmem>>, vector<1x16xf32>,
        %get3A_734 = vector.shape_cast %get3A_733 : vector<1x16xf32> to vector<16xf32>
        %sub3A_735 = arith.subf %get3A_734, %get3A_136 : vector<16xf32>
        %abs3A_736 = math.absf %sub3A_735 : vector<16xf32>
        %mul3A_737 = arith.constant 16 : i32
        %mul3A_738 = arith.muli %scan3A_599, %mul3A_737 : i32
        %get3A_739 = arith.constant 14 : i32
        %get3A_740 = arith.index_cast %get3A_739 : i32 to index
        %get3A_741 = arith.index_cast %mul3A_738 : i32 to index
        %get3A_742 = tpu.vector_load %arg10[%get3A_740, %get3A_741] {strides = array<i32>} : memref<32x640xf32, #tpu.memory_space<vmem>>, vector<1x16xf32>,
        %get3A_743 = vector.shape_cast %get3A_742 : vector<1x16xf32> to vector<16xf32>
        %sub3A_744 = arith.subf %get3A_743, %get3A_140 : vector<16xf32>
        %abs3A_745 = math.absf %sub3A_744 : vector<16xf32>
        %mul3A_746 = arith.constant 16 : i32
        %mul3A_747 = arith.muli %scan3A_599, %mul3A_746 : i32
        %get3A_748 = arith.constant 15 : i32
        %get3A_749 = arith.index_cast %get3A_748 : i32 to index
        %get3A_750 = arith.index_cast %mul3A_747 : i32 to index
        %get3A_751 = tpu.vector_load %arg10[%get3A_749, %get3A_750] {strides = array<i32>} : memref<32x640xf32, #tpu.memory_space<vmem>>, vector<1x16xf32>,
        %get3A_752 = vector.shape_cast %get3A_751 : vector<1x16xf32> to vector<16xf32>
        %sub3A_753 = arith.subf %get3A_752, %get3A_144 : vector<16xf32>
        %abs3A_754 = math.absf %sub3A_753 : vector<16xf32>
        %max3A_755 = arith.maximumf %abs3A_691, %abs3A_700 : vector<16xf32>
        %max3A_756 = arith.maximumf %abs3A_709, %abs3A_718 : vector<16xf32>
        %max3A_757 = arith.maximumf %max3A_755, %max3A_756 : vector<16xf32>
        %max3A_758 = arith.maximumf %abs3A_727, %abs3A_736 : vector<16xf32>
        %max3A_759 = arith.maximumf %abs3A_745, %abs3A_754 : vector<16xf32>
        %max3A_760 = arith.maximumf %max3A_758, %max3A_759 : vector<16xf32>
        %max3A_761 = arith.maximumf %max3A_757, %max3A_760 : vector<16xf32>
        %max3A_762 = arith.maximumf %max3A_682, %max3A_761 : vector<16xf32>
        %mul3A_763 = arith.constant 16 : i32
        %mul3A_764 = arith.muli %scan3A_599, %mul3A_763 : i32
        %get3A_765 = arith.constant 16 : i32
        %get3A_766 = arith.index_cast %get3A_765 : i32 to index
        %get3A_767 = arith.index_cast %mul3A_764 : i32 to index
        %get3A_768 = tpu.vector_load %arg10[%get3A_766, %get3A_767] {strides = array<i32>} : memref<32x640xf32, #tpu.memory_space<vmem>>, vector<1x16xf32>,
        %get3A_769 = vector.shape_cast %get3A_768 : vector<1x16xf32> to vector<16xf32>
        %sub3A_770 = arith.subf %get3A_769, %get3A_148 : vector<16xf32>
        %abs3A_771 = math.absf %sub3A_770 : vector<16xf32>
        %mul3A_772 = arith.constant 16 : i32
        %mul3A_773 = arith.muli %scan3A_599, %mul3A_772 : i32
        %get3A_774 = arith.constant 17 : i32
        %get3A_775 = arith.index_cast %get3A_774 : i32 to index
        %get3A_776 = arith.index_cast %mul3A_773 : i32 to index
        %get3A_777 = tpu.vector_load %arg10[%get3A_775, %get3A_776] {strides = array<i32>} : memref<32x640xf32, #tpu.memory_space<vmem>>, vector<1x16xf32>,
        %get3A_778 = vector.shape_cast %get3A_777 : vector<1x16xf32> to vector<16xf32>
        %sub3A_779 = arith.subf %get3A_778, %get3A_152 : vector<16xf32>
        %abs3A_780 = math.absf %sub3A_779 : vector<16xf32>
        %mul3A_781 = arith.constant 16 : i32
        %mul3A_782 = arith.muli %scan3A_599, %mul3A_781 : i32
        %get3A_783 = arith.constant 18 : i32
        %get3A_784 = arith.index_cast %get3A_783 : i32 to index
        %get3A_785 = arith.index_cast %mul3A_782 : i32 to index
        %get3A_786 = tpu.vector_load %arg10[%get3A_784, %get3A_785] {strides = array<i32>} : memref<32x640xf32, #tpu.memory_space<vmem>>, vector<1x16xf32>,
        %get3A_787 = vector.shape_cast %get3A_786 : vector<1x16xf32> to vector<16xf32>
        %sub3A_788 = arith.subf %get3A_787, %get3A_156 : vector<16xf32>
        %abs3A_789 = math.absf %sub3A_788 : vector<16xf32>
        %mul3A_790 = arith.constant 16 : i32
        %mul3A_791 = arith.muli %scan3A_599, %mul3A_790 : i32
        %get3A_792 = arith.constant 19 : i32
        %get3A_793 = arith.index_cast %get3A_792 : i32 to index
        %get3A_794 = arith.index_cast %mul3A_791 : i32 to index
        %get3A_795 = tpu.vector_load %arg10[%get3A_793, %get3A_794] {strides = array<i32>} : memref<32x640xf32, #tpu.memory_space<vmem>>, vector<1x16xf32>,
        %get3A_796 = vector.shape_cast %get3A_795 : vector<1x16xf32> to vector<16xf32>
        %sub3A_797 = arith.subf %get3A_796, %get3A_160 : vector<16xf32>
        %abs3A_798 = math.absf %sub3A_797 : vector<16xf32>
        %mul3A_799 = arith.constant 16 : i32
        %mul3A_800 = arith.muli %scan3A_599, %mul3A_799 : i32
        %get3A_801 = arith.constant 20 : i32
        %get3A_802 = arith.index_cast %get3A_801 : i32 to index
        %get3A_803 = arith.index_cast %mul3A_800 : i32 to index
        %get3A_804 = tpu.vector_load %arg10[%get3A_802, %get3A_803] {strides = array<i32>} : memref<32x640xf32, #tpu.memory_space<vmem>>, vector<1x16xf32>,
        %get3A_805 = vector.shape_cast %get3A_804 : vector<1x16xf32> to vector<16xf32>
        %sub3A_806 = arith.subf %get3A_805, %get3A_164 : vector<16xf32>
        %abs3A_807 = math.absf %sub3A_806 : vector<16xf32>
        %mul3A_808 = arith.constant 16 : i32
        %mul3A_809 = arith.muli %scan3A_599, %mul3A_808 : i32
        %get3A_810 = arith.constant 21 : i32
        %get3A_811 = arith.index_cast %get3A_810 : i32 to index
        %get3A_812 = arith.index_cast %mul3A_809 : i32 to index
        %get3A_813 = tpu.vector_load %arg10[%get3A_811, %get3A_812] {strides = array<i32>} : memref<32x640xf32, #tpu.memory_space<vmem>>, vector<1x16xf32>,
        %get3A_814 = vector.shape_cast %get3A_813 : vector<1x16xf32> to vector<16xf32>
        %sub3A_815 = arith.subf %get3A_814, %get3A_168 : vector<16xf32>
        %abs3A_816 = math.absf %sub3A_815 : vector<16xf32>
        %mul3A_817 = arith.constant 16 : i32
        %mul3A_818 = arith.muli %scan3A_599, %mul3A_817 : i32
        %get3A_819 = arith.constant 22 : i32
        %get3A_820 = arith.index_cast %get3A_819 : i32 to index
        %get3A_821 = arith.index_cast %mul3A_818 : i32 to index
        %get3A_822 = tpu.vector_load %arg10[%get3A_820, %get3A_821] {strides = array<i32>} : memref<32x640xf32, #tpu.memory_space<vmem>>, vector<1x16xf32>,
        %get3A_823 = vector.shape_cast %get3A_822 : vector<1x16xf32> to vector<16xf32>
        %sub3A_824 = arith.subf %get3A_823, %get3A_172 : vector<16xf32>
        %abs3A_825 = math.absf %sub3A_824 : vector<16xf32>
        %mul3A_826 = arith.constant 16 : i32
        %mul3A_827 = arith.muli %scan3A_599, %mul3A_826 : i32
        %get3A_828 = arith.constant 23 : i32
        %get3A_829 = arith.index_cast %get3A_828 : i32 to index
        %get3A_830 = arith.index_cast %mul3A_827 : i32 to index
        %get3A_831 = tpu.vector_load %arg10[%get3A_829, %get3A_830] {strides = array<i32>} : memref<32x640xf32, #tpu.memory_space<vmem>>, vector<1x16xf32>,
        %get3A_832 = vector.shape_cast %get3A_831 : vector<1x16xf32> to vector<16xf32>
        %sub3A_833 = arith.subf %get3A_832, %get3A_176 : vector<16xf32>
        %abs3A_834 = math.absf %sub3A_833 : vector<16xf32>
        %max3A_835 = arith.maximumf %abs3A_771, %abs3A_780 : vector<16xf32>
        %max3A_836 = arith.maximumf %abs3A_789, %abs3A_798 : vector<16xf32>
        %max3A_837 = arith.maximumf %max3A_835, %max3A_836 : vector<16xf32>
        %max3A_838 = arith.maximumf %abs3A_807, %abs3A_816 : vector<16xf32>
        %max3A_839 = arith.maximumf %abs3A_825, %abs3A_834 : vector<16xf32>
        %max3A_840 = arith.maximumf %max3A_838, %max3A_839 : vector<16xf32>
        %max3A_841 = arith.maximumf %max3A_837, %max3A_840 : vector<16xf32>
        %max3A_842 = arith.maximumf %max3A_762, %max3A_841 : vector<16xf32>
        %mul3A_843 = arith.constant 16 : i32
        %mul3A_844 = arith.muli %scan3A_599, %mul3A_843 : i32
        %get3A_845 = arith.constant 24 : i32
        %get3A_846 = arith.index_cast %get3A_845 : i32 to index
        %get3A_847 = arith.index_cast %mul3A_844 : i32 to index
        %get3A_848 = tpu.vector_load %arg10[%get3A_846, %get3A_847] {strides = array<i32>} : memref<32x640xf32, #tpu.memory_space<vmem>>, vector<1x16xf32>,
        %get3A_849 = vector.shape_cast %get3A_848 : vector<1x16xf32> to vector<16xf32>
        %sub3A_850 = arith.subf %get3A_849, %get3A_180 : vector<16xf32>
        %abs3A_851 = math.absf %sub3A_850 : vector<16xf32>
        %mul3A_852 = arith.constant 16 : i32
        %mul3A_853 = arith.muli %scan3A_599, %mul3A_852 : i32
        %get3A_854 = arith.constant 25 : i32
        %get3A_855 = arith.index_cast %get3A_854 : i32 to index
        %get3A_856 = arith.index_cast %mul3A_853 : i32 to index
        %get3A_857 = tpu.vector_load %arg10[%get3A_855, %get3A_856] {strides = array<i32>} : memref<32x640xf32, #tpu.memory_space<vmem>>, vector<1x16xf32>,
        %get3A_858 = vector.shape_cast %get3A_857 : vector<1x16xf32> to vector<16xf32>
        %sub3A_859 = arith.subf %get3A_858, %get3A_184 : vector<16xf32>
        %abs3A_860 = math.absf %sub3A_859 : vector<16xf32>
        %mul3A_861 = arith.constant 16 : i32
        %mul3A_862 = arith.muli %scan3A_599, %mul3A_861 : i32
        %get3A_863 = arith.constant 26 : i32
        %get3A_864 = arith.index_cast %get3A_863 : i32 to index
        %get3A_865 = arith.index_cast %mul3A_862 : i32 to index
        %get3A_866 = tpu.vector_load %arg10[%get3A_864, %get3A_865] {strides = array<i32>} : memref<32x640xf32, #tpu.memory_space<vmem>>, vector<1x16xf32>,
        %get3A_867 = vector.shape_cast %get3A_866 : vector<1x16xf32> to vector<16xf32>
        %sub3A_868 = arith.subf %get3A_867, %get3A_188 : vector<16xf32>
        %abs3A_869 = math.absf %sub3A_868 : vector<16xf32>
        %mul3A_870 = arith.constant 16 : i32
        %mul3A_871 = arith.muli %scan3A_599, %mul3A_870 : i32
        %get3A_872 = arith.constant 27 : i32
        %get3A_873 = arith.index_cast %get3A_872 : i32 to index
        %get3A_874 = arith.index_cast %mul3A_871 : i32 to index
        %get3A_875 = tpu.vector_load %arg10[%get3A_873, %get3A_874] {strides = array<i32>} : memref<32x640xf32, #tpu.memory_space<vmem>>, vector<1x16xf32>,
        %get3A_876 = vector.shape_cast %get3A_875 : vector<1x16xf32> to vector<16xf32>
        %sub3A_877 = arith.subf %get3A_876, %get3A_192 : vector<16xf32>
        %abs3A_878 = math.absf %sub3A_877 : vector<16xf32>
        %mul3A_879 = arith.constant 16 : i32
        %mul3A_880 = arith.muli %scan3A_599, %mul3A_879 : i32
        %get3A_881 = arith.constant 28 : i32
        %get3A_882 = arith.index_cast %get3A_881 : i32 to index
        %get3A_883 = arith.index_cast %mul3A_880 : i32 to index
        %get3A_884 = tpu.vector_load %arg10[%get3A_882, %get3A_883] {strides = array<i32>} : memref<32x640xf32, #tpu.memory_space<vmem>>, vector<1x16xf32>,
        %get3A_885 = vector.shape_cast %get3A_884 : vector<1x16xf32> to vector<16xf32>
        %sub3A_886 = arith.subf %get3A_885, %get3A_196 : vector<16xf32>
        %abs3A_887 = math.absf %sub3A_886 : vector<16xf32>
        %mul3A_888 = arith.constant 16 : i32
        %mul3A_889 = arith.muli %scan3A_599, %mul3A_888 : i32
        %get3A_890 = arith.constant 29 : i32
        %get3A_891 = arith.index_cast %get3A_890 : i32 to index
        %get3A_892 = arith.index_cast %mul3A_889 : i32 to index
        %get3A_893 = tpu.vector_load %arg10[%get3A_891, %get3A_892] {strides = array<i32>} : memref<32x640xf32, #tpu.memory_space<vmem>>, vector<1x16xf32>,
        %get3A_894 = vector.shape_cast %get3A_893 : vector<1x16xf32> to vector<16xf32>
        %sub3A_895 = arith.subf %get3A_894, %get3A_200 : vector<16xf32>
        %abs3A_896 = math.absf %sub3A_895 : vector<16xf32>
        %mul3A_897 = arith.constant 16 : i32
        %mul3A_898 = arith.muli %scan3A_599, %mul3A_897 : i32
        %get3A_899 = arith.constant 30 : i32
        %get3A_900 = arith.index_cast %get3A_899 : i32 to index
        %get3A_901 = arith.index_cast %mul3A_898 : i32 to index
        %get3A_902 = tpu.vector_load %arg10[%get3A_900, %get3A_901] {strides = array<i32>} : memref<32x640xf32, #tpu.memory_space<vmem>>, vector<1x16xf32>,
        %get3A_903 = vector.shape_cast %get3A_902 : vector<1x16xf32> to vector<16xf32>
        %sub3A_904 = arith.subf %get3A_903, %get3A_204 : vector<16xf32>
        %abs3A_905 = math.absf %sub3A_904 : vector<16xf32>
        %mul3A_906 = arith.constant 16 : i32
        %mul3A_907 = arith.muli %scan3A_599, %mul3A_906 : i32
        %get3A_908 = arith.constant 31 : i32
        %get3A_909 = arith.index_cast %get3A_908 : i32 to index
        %get3A_910 = arith.index_cast %mul3A_907 : i32 to index
        %get3A_911 = tpu.vector_load %arg10[%get3A_909, %get3A_910] {strides = array<i32>} : memref<32x640xf32, #tpu.memory_space<vmem>>, vector<1x16xf32>,
        %get3A_912 = vector.shape_cast %get3A_911 : vector<1x16xf32> to vector<16xf32>
        %sub3A_913 = arith.subf %get3A_912, %get3A_208 : vector<16xf32>
        %abs3A_914 = math.absf %sub3A_913 : vector<16xf32>
        %max3A_915 = arith.maximumf %abs3A_851, %abs3A_860 : vector<16xf32>
        %max3A_916 = arith.maximumf %abs3A_869, %abs3A_878 : vector<16xf32>
        %max3A_917 = arith.maximumf %max3A_915, %max3A_916 : vector<16xf32>
        %max3A_918 = arith.maximumf %abs3A_887, %abs3A_896 : vector<16xf32>
        %max3A_919 = arith.maximumf %abs3A_905, %abs3A_914 : vector<16xf32>
        %max3A_920 = arith.maximumf %max3A_918, %max3A_919 : vector<16xf32>
        %max3A_921 = arith.maximumf %max3A_917, %max3A_920 : vector<16xf32>
        %max3A_922 = arith.maximumf %max3A_842, %max3A_921 : vector<16xf32>
        %add3A_923 = arith.addf %max3A_922, %get3A_80 : vector<16xf32>
        %swap3A = arith.index_cast %rem3A_77 : i32 to index
        %swap3A_924 = arith.index_cast %add3A_605 : i32 to index
        %swap3A_925 = tpu.vector_load %arg13[%swap3A, %swap3A_924] {strides = array<i32>} : memref<4x6912xf32, #tpu.memory_space<vmem>>, vector<1x16xf32>,
        %swap3A_926 = vector.shape_cast %swap3A_925 : vector<1x16xf32> to vector<16xf32>
        %swap3A_927 = vector.shape_cast %add3A_923 : vector<16xf32> to vector<1x16xf32>
        tpu.vector_store %arg13[%swap3A, %swap3A_924], %swap3A_927 {strides = array<i32>} : memref<4x6912xf32, #tpu.memory_space<vmem>>, vector<1x16xf32>,
        %scan3A_928 = arith.constant 0 : i32
        scf.yield %scan3A_928 : i32
      }
      %scan3A_215 = arith.constant 36 : i32
      %add3A_216 = arith.constant 1 : i32
      %add3A_217 = arith.addi %mul3A_36, %add3A_216 : i32
      %add3A_218 = arith.constant 2 : i32
      %add3A_219 = arith.addi %add3A_217, %add3A_218 : i32
      %lt3A_220 = arith.constant 48 : i32
      %lt3A_221 = arith.cmpi slt, %add3A_219, %lt3A_220 : i32
      %convert_element_type3A_222 = arith.extui %lt3A_221 : i1 to i32
      %cond3A_223 = arith.constant 0 : i32
      %cond3A_224 = arith.cmpi ne, %convert_element_type3A_222, %cond3A_223 : i32
      scf.if %cond3A_224 {
        %add3A_599 = arith.constant 1 : i32
        %add3A_600 = arith.addi %mul3A_36, %add3A_599 : i32
        %add3A_601 = arith.constant 2 : i32
        %add3A_602 = arith.addi %add3A_600, %add3A_601 : i32
        %jit3A_603 = arith.constant 4 : i32
        %div3A_604 = arith.divsi %add3A_602, %jit3A_603 : i32
        %sign3A_605 = arith.constant 0 : i32
        %sign3A_606 = arith.cmpi sgt, %add3A_602, %sign3A_605 : i32
        %sign3A_607 = arith.extui %sign3A_606 : i1 to i32
        %sign3A_608 = arith.constant 0 : i32
        %sign3A_609 = arith.cmpi slt, %add3A_602, %sign3A_608 : i32
        %sign3A_610 = arith.extui %sign3A_609 : i1 to i32
        %sign3A_611 = arith.subi %sign3A_607, %sign3A_610 : i32
        %sign3A_612 = arith.constant 0 : i32
        %sign3A_613 = arith.cmpi sgt, %jit3A_603, %sign3A_612 : i32
        %sign3A_614 = arith.extui %sign3A_613 : i1 to i32
        %sign3A_615 = arith.constant 0 : i32
        %sign3A_616 = arith.cmpi slt, %jit3A_603, %sign3A_615 : i32
        %sign3A_617 = arith.extui %sign3A_616 : i1 to i32
        %sign3A_618 = arith.subi %sign3A_614, %sign3A_617 : i32
        %ne3A_619 = arith.cmpi ne, %sign3A_611, %sign3A_618 : i32
        %rem3A_620 = arith.remsi %add3A_602, %jit3A_603 : i32
        %ne3A_621 = arith.constant 0 : i32
        %ne3A_622 = arith.cmpi ne, %rem3A_620, %ne3A_621 : i32
        %and3A_623 = arith.andi %ne3A_619, %ne3A_622 : i1
        %sub3A_624 = arith.constant 1 : i32
        %sub3A_625 = arith.subi %div3A_604, %sub3A_624 : i32
        %select_n3A_626 = arith.select %and3A_623, %sub3A_625, %div3A_604 : i32
        %rem3A_627 = arith.constant 4 : i32
        %rem3A_628 = arith.remsi %add3A_602, %rem3A_627 : i32
        %dma_start3A_629 = arith.constant 0 : i32
        %dma_start3A_630 = tpu.memref_slice %arg7[%select_n3A_626, %dma_start3A_629] : memref<12x32xi32, #tpu.memory_space<vmem>> -> memref<1x32xi32, #tpu.memory_space<vmem>>
        %dma_start3A_631 = tpu.memref_squeeze %dma_start3A_630 : memref<1x32xi32, #tpu.memory_space<vmem>> -> memref<32xi32, #tpu.memory_space<vmem>>
        %dma_start3A_632 = arith.constant 0 : i32
        %dma_start3A_633 = arith.constant 0 : i32
        %dma_start3A_634 = tpu.memref_slice %arg2[%rem3A_628, %dma_start3A_632, %dma_start3A_633] : memref<4x384x640xf32, #tpu.memory_space<hbm>> -> memref<1x384x640xf32, #tpu.memory_space<hbm>>
        %dma_start3A_635 = tpu.memref_squeeze %dma_start3A_634 : memref<1x384x640xf32, #tpu.memory_space<hbm>> -> memref<384x640xf32, #tpu.memory_space<hbm>>
        %dma_start3A_636 = arith.constant 0 : i32
        %dma_start3A_637 = arith.constant 0 : i32
        %dma_start3A_638 = tpu.memref_slice %dma_start3A_635[%dma_start3A_636, %dma_start3A_637] : memref<384x640xf32, #tpu.memory_space<hbm>> -> memref<384x640xf32, #tpu.memory_space<hbm>>
        tpu.enqueue_indirect_dma source(%dma_start3A_638 : memref<384x640xf32, #tpu.memory_space<hbm>>) target(%arg10 : memref<32x640xf32, #tpu.memory_space<vmem>>) offsets(%dma_start3A_631 : memref<32xi32, #tpu.memory_space<vmem>>) semaphore(%arg14 : memref<!tpu.dma_semaphore, #tpu.memory_space<semaphore_mem>>)
      } else {
      }
      %dma_wait3A_225 = arith.constant 0 : i32
      %dma_wait3A_226 = arith.constant 0 : i32
      %dma_wait3A_227 = arith.constant 0 : i32
      %dma_wait3A_228 = tpu.memref_slice %arg2[%dma_wait3A_225, %dma_wait3A_226, %dma_wait3A_227] : memref<4x384x640xf32, #tpu.memory_space<hbm>> -> memref<1x384x640xf32, #tpu.memory_space<hbm>>
      %dma_wait3A_229 = tpu.memref_squeeze %dma_wait3A_228 : memref<1x384x640xf32, #tpu.memory_space<hbm>> -> memref<384x640xf32, #tpu.memory_space<hbm>>
      %dma_wait3A_230 = arith.constant 0 : i32
      %dma_wait3A_231 = arith.constant 0 : i32
      %dma_wait3A_232 = tpu.memref_slice %dma_wait3A_229[%dma_wait3A_230, %dma_wait3A_231] : memref<384x640xf32, #tpu.memory_space<hbm>> -> memref<32x640xf32, #tpu.memory_space<hbm>>
      %dma_wait3A_233 = arith.constant 0 : i32
      %dma_wait3A_234 = arith.constant 0 : i32
      %dma_wait3A_235 = tpu.memref_slice %arg2[%dma_wait3A_225, %dma_wait3A_233, %dma_wait3A_234] : memref<4x384x640xf32, #tpu.memory_space<hbm>> -> memref<1x384x640xf32, #tpu.memory_space<hbm>>
      %dma_wait3A_236 = tpu.memref_squeeze %dma_wait3A_235 : memref<1x384x640xf32, #tpu.memory_space<hbm>> -> memref<384x640xf32, #tpu.memory_space<hbm>>
      %dma_wait3A_237 = arith.constant 0 : i32
      %dma_wait3A_238 = arith.constant 0 : i32
      %dma_wait3A_239 = tpu.memref_slice %dma_wait3A_236[%dma_wait3A_237, %dma_wait3A_238] : memref<384x640xf32, #tpu.memory_space<hbm>> -> memref<32x640xf32, #tpu.memory_space<hbm>>
      tpu.wait_dma2 semaphore(%arg15 : memref<!tpu.dma_semaphore, #tpu.memory_space<semaphore_mem>>) src(%dma_wait3A_239 : memref<32x640xf32, #tpu.memory_space<hbm>>) dst(%arg11 : memref<32x640xf32, #tpu.memory_space<vmem>>)
      %add3A_240 = arith.constant 1 : i32
      %add3A_241 = arith.addi %mul3A_36, %add3A_240 : i32
      %jit3A_242 = arith.constant 4 : i32
      %div3A_243 = arith.divsi %add3A_241, %jit3A_242 : i32
      %sign3A_244 = arith.constant 0 : i32
      %sign3A_245 = arith.cmpi sgt, %add3A_241, %sign3A_244 : i32
      %sign3A_246 = arith.extui %sign3A_245 : i1 to i32
      %sign3A_247 = arith.constant 0 : i32
      %sign3A_248 = arith.cmpi slt, %add3A_241, %sign3A_247 : i32
      %sign3A_249 = arith.extui %sign3A_248 : i1 to i32
      %sign3A_250 = arith.subi %sign3A_246, %sign3A_249 : i32
      %sign3A_251 = arith.constant 0 : i32
      %sign3A_252 = arith.cmpi sgt, %jit3A_242, %sign3A_251 : i32
      %sign3A_253 = arith.extui %sign3A_252 : i1 to i32
      %sign3A_254 = arith.constant 0 : i32
      %sign3A_255 = arith.cmpi slt, %jit3A_242, %sign3A_254 : i32
      %sign3A_256 = arith.extui %sign3A_255 : i1 to i32
      %sign3A_257 = arith.subi %sign3A_253, %sign3A_256 : i32
      %ne3A_258 = arith.cmpi ne, %sign3A_250, %sign3A_257 : i32
      %rem3A_259 = arith.remsi %add3A_241, %jit3A_242 : i32
      %ne3A_260 = arith.constant 0 : i32
      %ne3A_261 = arith.cmpi ne, %rem3A_259, %ne3A_260 : i32
      %and3A_262 = arith.andi %ne3A_258, %ne3A_261 : i1
      %sub3A_263 = arith.constant 1 : i32
      %sub3A_264 = arith.subi %div3A_243, %sub3A_263 : i32
      %select_n3A_265 = arith.select %and3A_262, %sub3A_264, %div3A_243 : i32
      %rem3A_266 = arith.constant 4 : i32
      %rem3A_267 = arith.remsi %add3A_241, %rem3A_266 : i32
      %get3A_268 = arith.index_cast %select_n3A_265 : i32 to index
      %get3A_269 = arith.constant 0 : index
      %get3A_270 = tpu.vector_load %arg9[%get3A_268, %get3A_269] {strides = array<i32>} : memref<12x16xf32, #tpu.memory_space<vmem>>, vector<1x16xf32>,
      %get3A_271 = vector.shape_cast %get3A_270 : vector<1x16xf32> to vector<16xf32>
      %get3A_272 = arith.index_cast %select_n3A_265 : i32 to index
      %get3A_273 = arith.constant 0 : index
      %get3A_274 = tpu.vector_load %arg8[%get3A_272, %get3A_273] {strides = array<i32>} : memref<12x512xf32, #tpu.memory_space<vmem>>, vector<1x16xf32>,
      %get3A_275 = vector.shape_cast %get3A_274 : vector<1x16xf32> to vector<16xf32>
      %get3A_276 = arith.index_cast %select_n3A_265 : i32 to index
      %get3A_277 = arith.constant 16 : index
      %get3A_278 = tpu.vector_load %arg8[%get3A_276, %get3A_277] {strides = array<i32>} : memref<12x512xf32, #tpu.memory_space<vmem>>, vector<1x16xf32>,
      %get3A_279 = vector.shape_cast %get3A_278 : vector<1x16xf32> to vector<16xf32>
      %get3A_280 = arith.index_cast %select_n3A_265 : i32 to index
      %get3A_281 = arith.constant 32 : index
      %get3A_282 = tpu.vector_load %arg8[%get3A_280, %get3A_281] {strides = array<i32>} : memref<12x512xf32, #tpu.memory_space<vmem>>, vector<1x16xf32>,
      %get3A_283 = vector.shape_cast %get3A_282 : vector<1x16xf32> to vector<16xf32>
      %get3A_284 = arith.index_cast %select_n3A_265 : i32 to index
      %get3A_285 = arith.constant 48 : index
      %get3A_286 = tpu.vector_load %arg8[%get3A_284, %get3A_285] {strides = array<i32>} : memref<12x512xf32, #tpu.memory_space<vmem>>, vector<1x16xf32>,
      %get3A_287 = vector.shape_cast %get3A_286 : vector<1x16xf32> to vector<16xf32>
      %get3A_288 = arith.index_cast %select_n3A_265 : i32 to index
      %get3A_289 = arith.constant 64 : index
      %get3A_290 = tpu.vector_load %arg8[%get3A_288, %get3A_289] {strides = array<i32>} : memref<12x512xf32, #tpu.memory_space<vmem>>, vector<1x16xf32>,
      %get3A_291 = vector.shape_cast %get3A_290 : vector<1x16xf32> to vector<16xf32>
      %get3A_292 = arith.index_cast %select_n3A_265 : i32 to index
      %get3A_293 = arith.constant 80 : index
      %get3A_294 = tpu.vector_load %arg8[%get3A_292, %get3A_293] {strides = array<i32>} : memref<12x512xf32, #tpu.memory_space<vmem>>, vector<1x16xf32>,
      %get3A_295 = vector.shape_cast %get3A_294 : vector<1x16xf32> to vector<16xf32>
      %get3A_296 = arith.index_cast %select_n3A_265 : i32 to index
      %get3A_297 = arith.constant 96 : index
      %get3A_298 = tpu.vector_load %arg8[%get3A_296, %get3A_297] {strides = array<i32>} : memref<12x512xf32, #tpu.memory_space<vmem>>, vector<1x16xf32>,
      %get3A_299 = vector.shape_cast %get3A_298 : vector<1x16xf32> to vector<16xf32>
      %get3A_300 = arith.index_cast %select_n3A_265 : i32 to index
      %get3A_301 = arith.constant 112 : index
      %get3A_302 = tpu.vector_load %arg8[%get3A_300, %get3A_301] {strides = array<i32>} : memref<12x512xf32, #tpu.memory_space<vmem>>, vector<1x16xf32>,
      %get3A_303 = vector.shape_cast %get3A_302 : vector<1x16xf32> to vector<16xf32>
      %get3A_304 = arith.index_cast %select_n3A_265 : i32 to index
      %get3A_305 = arith.constant 128 : index
      %get3A_306 = tpu.vector_load %arg8[%get3A_304, %get3A_305] {strides = array<i32>} : memref<12x512xf32, #tpu.memory_space<vmem>>, vector<1x16xf32>,
      %get3A_307 = vector.shape_cast %get3A_306 : vector<1x16xf32> to vector<16xf32>
      %get3A_308 = arith.index_cast %select_n3A_265 : i32 to index
      %get3A_309 = arith.constant 144 : index
      %get3A_310 = tpu.vector_load %arg8[%get3A_308, %get3A_309] {strides = array<i32>} : memref<12x512xf32, #tpu.memory_space<vmem>>, vector<1x16xf32>,
      %get3A_311 = vector.shape_cast %get3A_310 : vector<1x16xf32> to vector<16xf32>
      %get3A_312 = arith.index_cast %select_n3A_265 : i32 to index
      %get3A_313 = arith.constant 160 : index
      %get3A_314 = tpu.vector_load %arg8[%get3A_312, %get3A_313] {strides = array<i32>} : memref<12x512xf32, #tpu.memory_space<vmem>>, vector<1x16xf32>,
      %get3A_315 = vector.shape_cast %get3A_314 : vector<1x16xf32> to vector<16xf32>
      %get3A_316 = arith.index_cast %select_n3A_265 : i32 to index
      %get3A_317 = arith.constant 176 : index
      %get3A_318 = tpu.vector_load %arg8[%get3A_316, %get3A_317] {strides = array<i32>} : memref<12x512xf32, #tpu.memory_space<vmem>>, vector<1x16xf32>,
      %get3A_319 = vector.shape_cast %get3A_318 : vector<1x16xf32> to vector<16xf32>
      %get3A_320 = arith.index_cast %select_n3A_265 : i32 to index
      %get3A_321 = arith.constant 192 : index
      %get3A_322 = tpu.vector_load %arg8[%get3A_320, %get3A_321] {strides = array<i32>} : memref<12x512xf32, #tpu.memory_space<vmem>>, vector<1x16xf32>,
      %get3A_323 = vector.shape_cast %get3A_322 : vector<1x16xf32> to vector<16xf32>
      %get3A_324 = arith.index_cast %select_n3A_265 : i32 to index
      %get3A_325 = arith.constant 208 : index
      %get3A_326 = tpu.vector_load %arg8[%get3A_324, %get3A_325] {strides = array<i32>} : memref<12x512xf32, #tpu.memory_space<vmem>>, vector<1x16xf32>,
      %get3A_327 = vector.shape_cast %get3A_326 : vector<1x16xf32> to vector<16xf32>
      %get3A_328 = arith.index_cast %select_n3A_265 : i32 to index
      %get3A_329 = arith.constant 224 : index
      %get3A_330 = tpu.vector_load %arg8[%get3A_328, %get3A_329] {strides = array<i32>} : memref<12x512xf32, #tpu.memory_space<vmem>>, vector<1x16xf32>,
      %get3A_331 = vector.shape_cast %get3A_330 : vector<1x16xf32> to vector<16xf32>
      %get3A_332 = arith.index_cast %select_n3A_265 : i32 to index
      %get3A_333 = arith.constant 240 : index
      %get3A_334 = tpu.vector_load %arg8[%get3A_332, %get3A_333] {strides = array<i32>} : memref<12x512xf32, #tpu.memory_space<vmem>>, vector<1x16xf32>,
      %get3A_335 = vector.shape_cast %get3A_334 : vector<1x16xf32> to vector<16xf32>
      %get3A_336 = arith.index_cast %select_n3A_265 : i32 to index
      %get3A_337 = arith.constant 256 : index
      %get3A_338 = tpu.vector_load %arg8[%get3A_336, %get3A_337] {strides = array<i32>} : memref<12x512xf32, #tpu.memory_space<vmem>>, vector<1x16xf32>,
      %get3A_339 = vector.shape_cast %get3A_338 : vector<1x16xf32> to vector<16xf32>
      %get3A_340 = arith.index_cast %select_n3A_265 : i32 to index
      %get3A_341 = arith.constant 272 : index
      %get3A_342 = tpu.vector_load %arg8[%get3A_340, %get3A_341] {strides = array<i32>} : memref<12x512xf32, #tpu.memory_space<vmem>>, vector<1x16xf32>,
      %get3A_343 = vector.shape_cast %get3A_342 : vector<1x16xf32> to vector<16xf32>
      %get3A_344 = arith.index_cast %select_n3A_265 : i32 to index
      %get3A_345 = arith.constant 288 : index
      %get3A_346 = tpu.vector_load %arg8[%get3A_344, %get3A_345] {strides = array<i32>} : memref<12x512xf32, #tpu.memory_space<vmem>>, vector<1x16xf32>,
      %get3A_347 = vector.shape_cast %get3A_346 : vector<1x16xf32> to vector<16xf32>
      %get3A_348 = arith.index_cast %select_n3A_265 : i32 to index
      %get3A_349 = arith.constant 304 : index
      %get3A_350 = tpu.vector_load %arg8[%get3A_348, %get3A_349] {strides = array<i32>} : memref<12x512xf32, #tpu.memory_space<vmem>>, vector<1x16xf32>,
      %get3A_351 = vector.shape_cast %get3A_350 : vector<1x16xf32> to vector<16xf32>
      %get3A_352 = arith.index_cast %select_n3A_265 : i32 to index
      %get3A_353 = arith.constant 320 : index
      %get3A_354 = tpu.vector_load %arg8[%get3A_352, %get3A_353] {strides = array<i32>} : memref<12x512xf32, #tpu.memory_space<vmem>>, vector<1x16xf32>,
      %get3A_355 = vector.shape_cast %get3A_354 : vector<1x16xf32> to vector<16xf32>
      %get3A_356 = arith.index_cast %select_n3A_265 : i32 to index
      %get3A_357 = arith.constant 336 : index
      %get3A_358 = tpu.vector_load %arg8[%get3A_356, %get3A_357] {strides = array<i32>} : memref<12x512xf32, #tpu.memory_space<vmem>>, vector<1x16xf32>,
      %get3A_359 = vector.shape_cast %get3A_358 : vector<1x16xf32> to vector<16xf32>
      %get3A_360 = arith.index_cast %select_n3A_265 : i32 to index
      %get3A_361 = arith.constant 352 : index
      %get3A_362 = tpu.vector_load %arg8[%get3A_360, %get3A_361] {strides = array<i32>} : memref<12x512xf32, #tpu.memory_space<vmem>>, vector<1x16xf32>,
      %get3A_363 = vector.shape_cast %get3A_362 : vector<1x16xf32> to vector<16xf32>
      %get3A_364 = arith.index_cast %select_n3A_265 : i32 to index
      %get3A_365 = arith.constant 368 : index
      %get3A_366 = tpu.vector_load %arg8[%get3A_364, %get3A_365] {strides = array<i32>} : memref<12x512xf32, #tpu.memory_space<vmem>>, vector<1x16xf32>,
      %get3A_367 = vector.shape_cast %get3A_366 : vector<1x16xf32> to vector<16xf32>
      %get3A_368 = arith.index_cast %select_n3A_265 : i32 to index
      %get3A_369 = arith.constant 384 : index
      %get3A_370 = tpu.vector_load %arg8[%get3A_368, %get3A_369] {strides = array<i32>} : memref<12x512xf32, #tpu.memory_space<vmem>>, vector<1x16xf32>,
      %get3A_371 = vector.shape_cast %get3A_370 : vector<1x16xf32> to vector<16xf32>
      %get3A_372 = arith.index_cast %select_n3A_265 : i32 to index
      %get3A_373 = arith.constant 400 : index
      %get3A_374 = tpu.vector_load %arg8[%get3A_372, %get3A_373] {strides = array<i32>} : memref<12x512xf32, #tpu.memory_space<vmem>>, vector<1x16xf32>,
      %get3A_375 = vector.shape_cast %get3A_374 : vector<1x16xf32> to vector<16xf32>
      %get3A_376 = arith.index_cast %select_n3A_265 : i32 to index
      %get3A_377 = arith.constant 416 : index
      %get3A_378 = tpu.vector_load %arg8[%get3A_376, %get3A_377] {strides = array<i32>} : memref<12x512xf32, #tpu.memory_space<vmem>>, vector<1x16xf32>,
      %get3A_379 = vector.shape_cast %get3A_378 : vector<1x16xf32> to vector<16xf32>
      %get3A_380 = arith.index_cast %select_n3A_265 : i32 to index
      %get3A_381 = arith.constant 432 : index
      %get3A_382 = tpu.vector_load %arg8[%get3A_380, %get3A_381] {strides = array<i32>} : memref<12x512xf32, #tpu.memory_space<vmem>>, vector<1x16xf32>,
      %get3A_383 = vector.shape_cast %get3A_382 : vector<1x16xf32> to vector<16xf32>
      %get3A_384 = arith.index_cast %select_n3A_265 : i32 to index
      %get3A_385 = arith.constant 448 : index
      %get3A_386 = tpu.vector_load %arg8[%get3A_384, %get3A_385] {strides = array<i32>} : memref<12x512xf32, #tpu.memory_space<vmem>>, vector<1x16xf32>,
      %get3A_387 = vector.shape_cast %get3A_386 : vector<1x16xf32> to vector<16xf32>
      %get3A_388 = arith.index_cast %select_n3A_265 : i32 to index
      %get3A_389 = arith.constant 464 : index
      %get3A_390 = tpu.vector_load %arg8[%get3A_388, %get3A_389] {strides = array<i32>} : memref<12x512xf32, #tpu.memory_space<vmem>>, vector<1x16xf32>,
      %get3A_391 = vector.shape_cast %get3A_390 : vector<1x16xf32> to vector<16xf32>
      %get3A_392 = arith.index_cast %select_n3A_265 : i32 to index
      %get3A_393 = arith.constant 480 : index
      %get3A_394 = tpu.vector_load %arg8[%get3A_392, %get3A_393] {strides = array<i32>} : memref<12x512xf32, #tpu.memory_space<vmem>>, vector<1x16xf32>,
      %get3A_395 = vector.shape_cast %get3A_394 : vector<1x16xf32> to vector<16xf32>
      %get3A_396 = arith.index_cast %select_n3A_265 : i32 to index
      %get3A_397 = arith.constant 496 : index
      %get3A_398 = tpu.vector_load %arg8[%get3A_396, %get3A_397] {strides = array<i32>} : memref<12x512xf32, #tpu.memory_space<vmem>>, vector<1x16xf32>,
      %get3A_399 = vector.shape_cast %get3A_398 : vector<1x16xf32> to vector<16xf32>
      %scan3A_400 = arith.constant 0 : i32
      %scan3A_401 = arith.constant 0 : i32
      %scan3A_402 = arith.constant 36 : i32
      %scan3A_403 = arith.addi %scan3A_401, %scan3A_402 : i32
      %scan3A_404 = arith.constant 1 : i32
      %scan3A_405 = scf.for %scan3A_599 = %scan3A_401 to %scan3A_403 step %scan3A_404 iter_args(%scan3A_600 = %scan3A_400) -> (i32)  : i32 {
        %mul3A_601 = arith.constant 576 : i32
        %mul3A_602 = arith.muli %select_n3A_265, %mul3A_601 : i32
        %mul3A_603 = arith.constant 16 : i32
        %mul3A_604 = arith.muli %scan3A_599, %mul3A_603 : i32
        %add3A_605 = arith.addi %mul3A_602, %mul3A_604 : i32
        %mul3A_606 = arith.constant 16 : i32
        %mul3A_607 = arith.muli %scan3A_599, %mul3A_606 : i32
        %get3A_608 = arith.constant 0 : i32
        %get3A_609 = arith.index_cast %get3A_608 : i32 to index
        %get3A_610 = arith.index_cast %mul3A_607 : i32 to index
        %get3A_611 = tpu.vector_load %arg11[%get3A_609, %get3A_610] {strides = array<i32>} : memref<32x640xf32, #tpu.memory_space<vmem>>, vector<1x16xf32>,
        %get3A_612 = vector.shape_cast %get3A_611 : vector<1x16xf32> to vector<16xf32>
        %sub3A_613 = arith.subf %get3A_612, %get3A_275 : vector<16xf32>
        %abs3A = math.absf %sub3A_613 : vector<16xf32>
        %mul3A_614 = arith.constant 16 : i32
        %mul3A_615 = arith.muli %scan3A_599, %mul3A_614 : i32
        %get3A_616 = arith.constant 1 : i32
        %get3A_617 = arith.index_cast %get3A_616 : i32 to index
        %get3A_618 = arith.index_cast %mul3A_615 : i32 to index
        %get3A_619 = tpu.vector_load %arg11[%get3A_617, %get3A_618] {strides = array<i32>} : memref<32x640xf32, #tpu.memory_space<vmem>>, vector<1x16xf32>,
        %get3A_620 = vector.shape_cast %get3A_619 : vector<1x16xf32> to vector<16xf32>
        %sub3A_621 = arith.subf %get3A_620, %get3A_279 : vector<16xf32>
        %abs3A_622 = math.absf %sub3A_621 : vector<16xf32>
        %mul3A_623 = arith.constant 16 : i32
        %mul3A_624 = arith.muli %scan3A_599, %mul3A_623 : i32
        %get3A_625 = arith.constant 2 : i32
        %get3A_626 = arith.index_cast %get3A_625 : i32 to index
        %get3A_627 = arith.index_cast %mul3A_624 : i32 to index
        %get3A_628 = tpu.vector_load %arg11[%get3A_626, %get3A_627] {strides = array<i32>} : memref<32x640xf32, #tpu.memory_space<vmem>>, vector<1x16xf32>,
        %get3A_629 = vector.shape_cast %get3A_628 : vector<1x16xf32> to vector<16xf32>
        %sub3A_630 = arith.subf %get3A_629, %get3A_283 : vector<16xf32>
        %abs3A_631 = math.absf %sub3A_630 : vector<16xf32>
        %mul3A_632 = arith.constant 16 : i32
        %mul3A_633 = arith.muli %scan3A_599, %mul3A_632 : i32
        %get3A_634 = arith.constant 3 : i32
        %get3A_635 = arith.index_cast %get3A_634 : i32 to index
        %get3A_636 = arith.index_cast %mul3A_633 : i32 to index
        %get3A_637 = tpu.vector_load %arg11[%get3A_635, %get3A_636] {strides = array<i32>} : memref<32x640xf32, #tpu.memory_space<vmem>>, vector<1x16xf32>,
        %get3A_638 = vector.shape_cast %get3A_637 : vector<1x16xf32> to vector<16xf32>
        %sub3A_639 = arith.subf %get3A_638, %get3A_287 : vector<16xf32>
        %abs3A_640 = math.absf %sub3A_639 : vector<16xf32>
        %mul3A_641 = arith.constant 16 : i32
        %mul3A_642 = arith.muli %scan3A_599, %mul3A_641 : i32
        %get3A_643 = arith.constant 4 : i32
        %get3A_644 = arith.index_cast %get3A_643 : i32 to index
        %get3A_645 = arith.index_cast %mul3A_642 : i32 to index
        %get3A_646 = tpu.vector_load %arg11[%get3A_644, %get3A_645] {strides = array<i32>} : memref<32x640xf32, #tpu.memory_space<vmem>>, vector<1x16xf32>,
        %get3A_647 = vector.shape_cast %get3A_646 : vector<1x16xf32> to vector<16xf32>
        %sub3A_648 = arith.subf %get3A_647, %get3A_291 : vector<16xf32>
        %abs3A_649 = math.absf %sub3A_648 : vector<16xf32>
        %mul3A_650 = arith.constant 16 : i32
        %mul3A_651 = arith.muli %scan3A_599, %mul3A_650 : i32
        %get3A_652 = arith.constant 5 : i32
        %get3A_653 = arith.index_cast %get3A_652 : i32 to index
        %get3A_654 = arith.index_cast %mul3A_651 : i32 to index
        %get3A_655 = tpu.vector_load %arg11[%get3A_653, %get3A_654] {strides = array<i32>} : memref<32x640xf32, #tpu.memory_space<vmem>>, vector<1x16xf32>,
        %get3A_656 = vector.shape_cast %get3A_655 : vector<1x16xf32> to vector<16xf32>
        %sub3A_657 = arith.subf %get3A_656, %get3A_295 : vector<16xf32>
        %abs3A_658 = math.absf %sub3A_657 : vector<16xf32>
        %mul3A_659 = arith.constant 16 : i32
        %mul3A_660 = arith.muli %scan3A_599, %mul3A_659 : i32
        %get3A_661 = arith.constant 6 : i32
        %get3A_662 = arith.index_cast %get3A_661 : i32 to index
        %get3A_663 = arith.index_cast %mul3A_660 : i32 to index
        %get3A_664 = tpu.vector_load %arg11[%get3A_662, %get3A_663] {strides = array<i32>} : memref<32x640xf32, #tpu.memory_space<vmem>>, vector<1x16xf32>,
        %get3A_665 = vector.shape_cast %get3A_664 : vector<1x16xf32> to vector<16xf32>
        %sub3A_666 = arith.subf %get3A_665, %get3A_299 : vector<16xf32>
        %abs3A_667 = math.absf %sub3A_666 : vector<16xf32>
        %mul3A_668 = arith.constant 16 : i32
        %mul3A_669 = arith.muli %scan3A_599, %mul3A_668 : i32
        %get3A_670 = arith.constant 7 : i32
        %get3A_671 = arith.index_cast %get3A_670 : i32 to index
        %get3A_672 = arith.index_cast %mul3A_669 : i32 to index
        %get3A_673 = tpu.vector_load %arg11[%get3A_671, %get3A_672] {strides = array<i32>} : memref<32x640xf32, #tpu.memory_space<vmem>>, vector<1x16xf32>,
        %get3A_674 = vector.shape_cast %get3A_673 : vector<1x16xf32> to vector<16xf32>
        %sub3A_675 = arith.subf %get3A_674, %get3A_303 : vector<16xf32>
        %abs3A_676 = math.absf %sub3A_675 : vector<16xf32>
        %max3A = arith.maximumf %abs3A, %abs3A_622 : vector<16xf32>
        %max3A_677 = arith.maximumf %abs3A_631, %abs3A_640 : vector<16xf32>
        %max3A_678 = arith.maximumf %max3A, %max3A_677 : vector<16xf32>
        %max3A_679 = arith.maximumf %abs3A_649, %abs3A_658 : vector<16xf32>
        %max3A_680 = arith.maximumf %abs3A_667, %abs3A_676 : vector<16xf32>
        %max3A_681 = arith.maximumf %max3A_679, %max3A_680 : vector<16xf32>
        %max3A_682 = arith.maximumf %max3A_678, %max3A_681 : vector<16xf32>
        %mul3A_683 = arith.constant 16 : i32
        %mul3A_684 = arith.muli %scan3A_599, %mul3A_683 : i32
        %get3A_685 = arith.constant 8 : i32
        %get3A_686 = arith.index_cast %get3A_685 : i32 to index
        %get3A_687 = arith.index_cast %mul3A_684 : i32 to index
        %get3A_688 = tpu.vector_load %arg11[%get3A_686, %get3A_687] {strides = array<i32>} : memref<32x640xf32, #tpu.memory_space<vmem>>, vector<1x16xf32>,
        %get3A_689 = vector.shape_cast %get3A_688 : vector<1x16xf32> to vector<16xf32>
        %sub3A_690 = arith.subf %get3A_689, %get3A_307 : vector<16xf32>
        %abs3A_691 = math.absf %sub3A_690 : vector<16xf32>
        %mul3A_692 = arith.constant 16 : i32
        %mul3A_693 = arith.muli %scan3A_599, %mul3A_692 : i32
        %get3A_694 = arith.constant 9 : i32
        %get3A_695 = arith.index_cast %get3A_694 : i32 to index
        %get3A_696 = arith.index_cast %mul3A_693 : i32 to index
        %get3A_697 = tpu.vector_load %arg11[%get3A_695, %get3A_696] {strides = array<i32>} : memref<32x640xf32, #tpu.memory_space<vmem>>, vector<1x16xf32>,
        %get3A_698 = vector.shape_cast %get3A_697 : vector<1x16xf32> to vector<16xf32>
        %sub3A_699 = arith.subf %get3A_698, %get3A_311 : vector<16xf32>
        %abs3A_700 = math.absf %sub3A_699 : vector<16xf32>
        %mul3A_701 = arith.constant 16 : i32
        %mul3A_702 = arith.muli %scan3A_599, %mul3A_701 : i32
        %get3A_703 = arith.constant 10 : i32
        %get3A_704 = arith.index_cast %get3A_703 : i32 to index
        %get3A_705 = arith.index_cast %mul3A_702 : i32 to index
        %get3A_706 = tpu.vector_load %arg11[%get3A_704, %get3A_705] {strides = array<i32>} : memref<32x640xf32, #tpu.memory_space<vmem>>, vector<1x16xf32>,
        %get3A_707 = vector.shape_cast %get3A_706 : vector<1x16xf32> to vector<16xf32>
        %sub3A_708 = arith.subf %get3A_707, %get3A_315 : vector<16xf32>
        %abs3A_709 = math.absf %sub3A_708 : vector<16xf32>
        %mul3A_710 = arith.constant 16 : i32
        %mul3A_711 = arith.muli %scan3A_599, %mul3A_710 : i32
        %get3A_712 = arith.constant 11 : i32
        %get3A_713 = arith.index_cast %get3A_712 : i32 to index
        %get3A_714 = arith.index_cast %mul3A_711 : i32 to index
        %get3A_715 = tpu.vector_load %arg11[%get3A_713, %get3A_714] {strides = array<i32>} : memref<32x640xf32, #tpu.memory_space<vmem>>, vector<1x16xf32>,
        %get3A_716 = vector.shape_cast %get3A_715 : vector<1x16xf32> to vector<16xf32>
        %sub3A_717 = arith.subf %get3A_716, %get3A_319 : vector<16xf32>
        %abs3A_718 = math.absf %sub3A_717 : vector<16xf32>
        %mul3A_719 = arith.constant 16 : i32
        %mul3A_720 = arith.muli %scan3A_599, %mul3A_719 : i32
        %get3A_721 = arith.constant 12 : i32
        %get3A_722 = arith.index_cast %get3A_721 : i32 to index
        %get3A_723 = arith.index_cast %mul3A_720 : i32 to index
        %get3A_724 = tpu.vector_load %arg11[%get3A_722, %get3A_723] {strides = array<i32>} : memref<32x640xf32, #tpu.memory_space<vmem>>, vector<1x16xf32>,
        %get3A_725 = vector.shape_cast %get3A_724 : vector<1x16xf32> to vector<16xf32>
        %sub3A_726 = arith.subf %get3A_725, %get3A_323 : vector<16xf32>
        %abs3A_727 = math.absf %sub3A_726 : vector<16xf32>
        %mul3A_728 = arith.constant 16 : i32
        %mul3A_729 = arith.muli %scan3A_599, %mul3A_728 : i32
        %get3A_730 = arith.constant 13 : i32
        %get3A_731 = arith.index_cast %get3A_730 : i32 to index
        %get3A_732 = arith.index_cast %mul3A_729 : i32 to index
        %get3A_733 = tpu.vector_load %arg11[%get3A_731, %get3A_732] {strides = array<i32>} : memref<32x640xf32, #tpu.memory_space<vmem>>, vector<1x16xf32>,
        %get3A_734 = vector.shape_cast %get3A_733 : vector<1x16xf32> to vector<16xf32>
        %sub3A_735 = arith.subf %get3A_734, %get3A_327 : vector<16xf32>
        %abs3A_736 = math.absf %sub3A_735 : vector<16xf32>
        %mul3A_737 = arith.constant 16 : i32
        %mul3A_738 = arith.muli %scan3A_599, %mul3A_737 : i32
        %get3A_739 = arith.constant 14 : i32
        %get3A_740 = arith.index_cast %get3A_739 : i32 to index
        %get3A_741 = arith.index_cast %mul3A_738 : i32 to index
        %get3A_742 = tpu.vector_load %arg11[%get3A_740, %get3A_741] {strides = array<i32>} : memref<32x640xf32, #tpu.memory_space<vmem>>, vector<1x16xf32>,
        %get3A_743 = vector.shape_cast %get3A_742 : vector<1x16xf32> to vector<16xf32>
        %sub3A_744 = arith.subf %get3A_743, %get3A_331 : vector<16xf32>
        %abs3A_745 = math.absf %sub3A_744 : vector<16xf32>
        %mul3A_746 = arith.constant 16 : i32
        %mul3A_747 = arith.muli %scan3A_599, %mul3A_746 : i32
        %get3A_748 = arith.constant 15 : i32
        %get3A_749 = arith.index_cast %get3A_748 : i32 to index
        %get3A_750 = arith.index_cast %mul3A_747 : i32 to index
        %get3A_751 = tpu.vector_load %arg11[%get3A_749, %get3A_750] {strides = array<i32>} : memref<32x640xf32, #tpu.memory_space<vmem>>, vector<1x16xf32>,
        %get3A_752 = vector.shape_cast %get3A_751 : vector<1x16xf32> to vector<16xf32>
        %sub3A_753 = arith.subf %get3A_752, %get3A_335 : vector<16xf32>
        %abs3A_754 = math.absf %sub3A_753 : vector<16xf32>
        %max3A_755 = arith.maximumf %abs3A_691, %abs3A_700 : vector<16xf32>
        %max3A_756 = arith.maximumf %abs3A_709, %abs3A_718 : vector<16xf32>
        %max3A_757 = arith.maximumf %max3A_755, %max3A_756 : vector<16xf32>
        %max3A_758 = arith.maximumf %abs3A_727, %abs3A_736 : vector<16xf32>
        %max3A_759 = arith.maximumf %abs3A_745, %abs3A_754 : vector<16xf32>
        %max3A_760 = arith.maximumf %max3A_758, %max3A_759 : vector<16xf32>
        %max3A_761 = arith.maximumf %max3A_757, %max3A_760 : vector<16xf32>
        %max3A_762 = arith.maximumf %max3A_682, %max3A_761 : vector<16xf32>
        %mul3A_763 = arith.constant 16 : i32
        %mul3A_764 = arith.muli %scan3A_599, %mul3A_763 : i32
        %get3A_765 = arith.constant 16 : i32
        %get3A_766 = arith.index_cast %get3A_765 : i32 to index
        %get3A_767 = arith.index_cast %mul3A_764 : i32 to index
        %get3A_768 = tpu.vector_load %arg11[%get3A_766, %get3A_767] {strides = array<i32>} : memref<32x640xf32, #tpu.memory_space<vmem>>, vector<1x16xf32>,
        %get3A_769 = vector.shape_cast %get3A_768 : vector<1x16xf32> to vector<16xf32>
        %sub3A_770 = arith.subf %get3A_769, %get3A_339 : vector<16xf32>
        %abs3A_771 = math.absf %sub3A_770 : vector<16xf32>
        %mul3A_772 = arith.constant 16 : i32
        %mul3A_773 = arith.muli %scan3A_599, %mul3A_772 : i32
        %get3A_774 = arith.constant 17 : i32
        %get3A_775 = arith.index_cast %get3A_774 : i32 to index
        %get3A_776 = arith.index_cast %mul3A_773 : i32 to index
        %get3A_777 = tpu.vector_load %arg11[%get3A_775, %get3A_776] {strides = array<i32>} : memref<32x640xf32, #tpu.memory_space<vmem>>, vector<1x16xf32>,
        %get3A_778 = vector.shape_cast %get3A_777 : vector<1x16xf32> to vector<16xf32>
        %sub3A_779 = arith.subf %get3A_778, %get3A_343 : vector<16xf32>
        %abs3A_780 = math.absf %sub3A_779 : vector<16xf32>
        %mul3A_781 = arith.constant 16 : i32
        %mul3A_782 = arith.muli %scan3A_599, %mul3A_781 : i32
        %get3A_783 = arith.constant 18 : i32
        %get3A_784 = arith.index_cast %get3A_783 : i32 to index
        %get3A_785 = arith.index_cast %mul3A_782 : i32 to index
        %get3A_786 = tpu.vector_load %arg11[%get3A_784, %get3A_785] {strides = array<i32>} : memref<32x640xf32, #tpu.memory_space<vmem>>, vector<1x16xf32>,
        %get3A_787 = vector.shape_cast %get3A_786 : vector<1x16xf32> to vector<16xf32>
        %sub3A_788 = arith.subf %get3A_787, %get3A_347 : vector<16xf32>
        %abs3A_789 = math.absf %sub3A_788 : vector<16xf32>
        %mul3A_790 = arith.constant 16 : i32
        %mul3A_791 = arith.muli %scan3A_599, %mul3A_790 : i32
        %get3A_792 = arith.constant 19 : i32
        %get3A_793 = arith.index_cast %get3A_792 : i32 to index
        %get3A_794 = arith.index_cast %mul3A_791 : i32 to index
        %get3A_795 = tpu.vector_load %arg11[%get3A_793, %get3A_794] {strides = array<i32>} : memref<32x640xf32, #tpu.memory_space<vmem>>, vector<1x16xf32>,
        %get3A_796 = vector.shape_cast %get3A_795 : vector<1x16xf32> to vector<16xf32>
        %sub3A_797 = arith.subf %get3A_796, %get3A_351 : vector<16xf32>
        %abs3A_798 = math.absf %sub3A_797 : vector<16xf32>
        %mul3A_799 = arith.constant 16 : i32
        %mul3A_800 = arith.muli %scan3A_599, %mul3A_799 : i32
        %get3A_801 = arith.constant 20 : i32
        %get3A_802 = arith.index_cast %get3A_801 : i32 to index
        %get3A_803 = arith.index_cast %mul3A_800 : i32 to index
        %get3A_804 = tpu.vector_load %arg11[%get3A_802, %get3A_803] {strides = array<i32>} : memref<32x640xf32, #tpu.memory_space<vmem>>, vector<1x16xf32>,
        %get3A_805 = vector.shape_cast %get3A_804 : vector<1x16xf32> to vector<16xf32>
        %sub3A_806 = arith.subf %get3A_805, %get3A_355 : vector<16xf32>
        %abs3A_807 = math.absf %sub3A_806 : vector<16xf32>
        %mul3A_808 = arith.constant 16 : i32
        %mul3A_809 = arith.muli %scan3A_599, %mul3A_808 : i32
        %get3A_810 = arith.constant 21 : i32
        %get3A_811 = arith.index_cast %get3A_810 : i32 to index
        %get3A_812 = arith.index_cast %mul3A_809 : i32 to index
        %get3A_813 = tpu.vector_load %arg11[%get3A_811, %get3A_812] {strides = array<i32>} : memref<32x640xf32, #tpu.memory_space<vmem>>, vector<1x16xf32>,
        %get3A_814 = vector.shape_cast %get3A_813 : vector<1x16xf32> to vector<16xf32>
        %sub3A_815 = arith.subf %get3A_814, %get3A_359 : vector<16xf32>
        %abs3A_816 = math.absf %sub3A_815 : vector<16xf32>
        %mul3A_817 = arith.constant 16 : i32
        %mul3A_818 = arith.muli %scan3A_599, %mul3A_817 : i32
        %get3A_819 = arith.constant 22 : i32
        %get3A_820 = arith.index_cast %get3A_819 : i32 to index
        %get3A_821 = arith.index_cast %mul3A_818 : i32 to index
        %get3A_822 = tpu.vector_load %arg11[%get3A_820, %get3A_821] {strides = array<i32>} : memref<32x640xf32, #tpu.memory_space<vmem>>, vector<1x16xf32>,
        %get3A_823 = vector.shape_cast %get3A_822 : vector<1x16xf32> to vector<16xf32>
        %sub3A_824 = arith.subf %get3A_823, %get3A_363 : vector<16xf32>
        %abs3A_825 = math.absf %sub3A_824 : vector<16xf32>
        %mul3A_826 = arith.constant 16 : i32
        %mul3A_827 = arith.muli %scan3A_599, %mul3A_826 : i32
        %get3A_828 = arith.constant 23 : i32
        %get3A_829 = arith.index_cast %get3A_828 : i32 to index
        %get3A_830 = arith.index_cast %mul3A_827 : i32 to index
        %get3A_831 = tpu.vector_load %arg11[%get3A_829, %get3A_830] {strides = array<i32>} : memref<32x640xf32, #tpu.memory_space<vmem>>, vector<1x16xf32>,
        %get3A_832 = vector.shape_cast %get3A_831 : vector<1x16xf32> to vector<16xf32>
        %sub3A_833 = arith.subf %get3A_832, %get3A_367 : vector<16xf32>
        %abs3A_834 = math.absf %sub3A_833 : vector<16xf32>
        %max3A_835 = arith.maximumf %abs3A_771, %abs3A_780 : vector<16xf32>
        %max3A_836 = arith.maximumf %abs3A_789, %abs3A_798 : vector<16xf32>
        %max3A_837 = arith.maximumf %max3A_835, %max3A_836 : vector<16xf32>
        %max3A_838 = arith.maximumf %abs3A_807, %abs3A_816 : vector<16xf32>
        %max3A_839 = arith.maximumf %abs3A_825, %abs3A_834 : vector<16xf32>
        %max3A_840 = arith.maximumf %max3A_838, %max3A_839 : vector<16xf32>
        %max3A_841 = arith.maximumf %max3A_837, %max3A_840 : vector<16xf32>
        %max3A_842 = arith.maximumf %max3A_762, %max3A_841 : vector<16xf32>
        %mul3A_843 = arith.constant 16 : i32
        %mul3A_844 = arith.muli %scan3A_599, %mul3A_843 : i32
        %get3A_845 = arith.constant 24 : i32
        %get3A_846 = arith.index_cast %get3A_845 : i32 to index
        %get3A_847 = arith.index_cast %mul3A_844 : i32 to index
        %get3A_848 = tpu.vector_load %arg11[%get3A_846, %get3A_847] {strides = array<i32>} : memref<32x640xf32, #tpu.memory_space<vmem>>, vector<1x16xf32>,
        %get3A_849 = vector.shape_cast %get3A_848 : vector<1x16xf32> to vector<16xf32>
        %sub3A_850 = arith.subf %get3A_849, %get3A_371 : vector<16xf32>
        %abs3A_851 = math.absf %sub3A_850 : vector<16xf32>
        %mul3A_852 = arith.constant 16 : i32
        %mul3A_853 = arith.muli %scan3A_599, %mul3A_852 : i32
        %get3A_854 = arith.constant 25 : i32
        %get3A_855 = arith.index_cast %get3A_854 : i32 to index
        %get3A_856 = arith.index_cast %mul3A_853 : i32 to index
        %get3A_857 = tpu.vector_load %arg11[%get3A_855, %get3A_856] {strides = array<i32>} : memref<32x640xf32, #tpu.memory_space<vmem>>, vector<1x16xf32>,
        %get3A_858 = vector.shape_cast %get3A_857 : vector<1x16xf32> to vector<16xf32>
        %sub3A_859 = arith.subf %get3A_858, %get3A_375 : vector<16xf32>
        %abs3A_860 = math.absf %sub3A_859 : vector<16xf32>
        %mul3A_861 = arith.constant 16 : i32
        %mul3A_862 = arith.muli %scan3A_599, %mul3A_861 : i32
        %get3A_863 = arith.constant 26 : i32
        %get3A_864 = arith.index_cast %get3A_863 : i32 to index
        %get3A_865 = arith.index_cast %mul3A_862 : i32 to index
        %get3A_866 = tpu.vector_load %arg11[%get3A_864, %get3A_865] {strides = array<i32>} : memref<32x640xf32, #tpu.memory_space<vmem>>, vector<1x16xf32>,
        %get3A_867 = vector.shape_cast %get3A_866 : vector<1x16xf32> to vector<16xf32>
        %sub3A_868 = arith.subf %get3A_867, %get3A_379 : vector<16xf32>
        %abs3A_869 = math.absf %sub3A_868 : vector<16xf32>
        %mul3A_870 = arith.constant 16 : i32
        %mul3A_871 = arith.muli %scan3A_599, %mul3A_870 : i32
        %get3A_872 = arith.constant 27 : i32
        %get3A_873 = arith.index_cast %get3A_872 : i32 to index
        %get3A_874 = arith.index_cast %mul3A_871 : i32 to index
        %get3A_875 = tpu.vector_load %arg11[%get3A_873, %get3A_874] {strides = array<i32>} : memref<32x640xf32, #tpu.memory_space<vmem>>, vector<1x16xf32>,
        %get3A_876 = vector.shape_cast %get3A_875 : vector<1x16xf32> to vector<16xf32>
        %sub3A_877 = arith.subf %get3A_876, %get3A_383 : vector<16xf32>
        %abs3A_878 = math.absf %sub3A_877 : vector<16xf32>
        %mul3A_879 = arith.constant 16 : i32
        %mul3A_880 = arith.muli %scan3A_599, %mul3A_879 : i32
        %get3A_881 = arith.constant 28 : i32
        %get3A_882 = arith.index_cast %get3A_881 : i32 to index
        %get3A_883 = arith.index_cast %mul3A_880 : i32 to index
        %get3A_884 = tpu.vector_load %arg11[%get3A_882, %get3A_883] {strides = array<i32>} : memref<32x640xf32, #tpu.memory_space<vmem>>, vector<1x16xf32>,
        %get3A_885 = vector.shape_cast %get3A_884 : vector<1x16xf32> to vector<16xf32>
        %sub3A_886 = arith.subf %get3A_885, %get3A_387 : vector<16xf32>
        %abs3A_887 = math.absf %sub3A_886 : vector<16xf32>
        %mul3A_888 = arith.constant 16 : i32
        %mul3A_889 = arith.muli %scan3A_599, %mul3A_888 : i32
        %get3A_890 = arith.constant 29 : i32
        %get3A_891 = arith.index_cast %get3A_890 : i32 to index
        %get3A_892 = arith.index_cast %mul3A_889 : i32 to index
        %get3A_893 = tpu.vector_load %arg11[%get3A_891, %get3A_892] {strides = array<i32>} : memref<32x640xf32, #tpu.memory_space<vmem>>, vector<1x16xf32>,
        %get3A_894 = vector.shape_cast %get3A_893 : vector<1x16xf32> to vector<16xf32>
        %sub3A_895 = arith.subf %get3A_894, %get3A_391 : vector<16xf32>
        %abs3A_896 = math.absf %sub3A_895 : vector<16xf32>
        %mul3A_897 = arith.constant 16 : i32
        %mul3A_898 = arith.muli %scan3A_599, %mul3A_897 : i32
        %get3A_899 = arith.constant 30 : i32
        %get3A_900 = arith.index_cast %get3A_899 : i32 to index
        %get3A_901 = arith.index_cast %mul3A_898 : i32 to index
        %get3A_902 = tpu.vector_load %arg11[%get3A_900, %get3A_901] {strides = array<i32>} : memref<32x640xf32, #tpu.memory_space<vmem>>, vector<1x16xf32>,
        %get3A_903 = vector.shape_cast %get3A_902 : vector<1x16xf32> to vector<16xf32>
        %sub3A_904 = arith.subf %get3A_903, %get3A_395 : vector<16xf32>
        %abs3A_905 = math.absf %sub3A_904 : vector<16xf32>
        %mul3A_906 = arith.constant 16 : i32
        %mul3A_907 = arith.muli %scan3A_599, %mul3A_906 : i32
        %get3A_908 = arith.constant 31 : i32
        %get3A_909 = arith.index_cast %get3A_908 : i32 to index
        %get3A_910 = arith.index_cast %mul3A_907 : i32 to index
        %get3A_911 = tpu.vector_load %arg11[%get3A_909, %get3A_910] {strides = array<i32>} : memref<32x640xf32, #tpu.memory_space<vmem>>, vector<1x16xf32>,
        %get3A_912 = vector.shape_cast %get3A_911 : vector<1x16xf32> to vector<16xf32>
        %sub3A_913 = arith.subf %get3A_912, %get3A_399 : vector<16xf32>
        %abs3A_914 = math.absf %sub3A_913 : vector<16xf32>
        %max3A_915 = arith.maximumf %abs3A_851, %abs3A_860 : vector<16xf32>
        %max3A_916 = arith.maximumf %abs3A_869, %abs3A_878 : vector<16xf32>
        %max3A_917 = arith.maximumf %max3A_915, %max3A_916 : vector<16xf32>
        %max3A_918 = arith.maximumf %abs3A_887, %abs3A_896 : vector<16xf32>
        %max3A_919 = arith.maximumf %abs3A_905, %abs3A_914 : vector<16xf32>
        %max3A_920 = arith.maximumf %max3A_918, %max3A_919 : vector<16xf32>
        %max3A_921 = arith.maximumf %max3A_917, %max3A_920 : vector<16xf32>
        %max3A_922 = arith.maximumf %max3A_842, %max3A_921 : vector<16xf32>
        %add3A_923 = arith.addf %max3A_922, %get3A_271 : vector<16xf32>
        %swap3A = arith.index_cast %rem3A_267 : i32 to index
        %swap3A_924 = arith.index_cast %add3A_605 : i32 to index
        %swap3A_925 = tpu.vector_load %arg13[%swap3A, %swap3A_924] {strides = array<i32>} : memref<4x6912xf32, #tpu.memory_space<vmem>>, vector<1x16xf32>,
        %swap3A_926 = vector.shape_cast %swap3A_925 : vector<1x16xf32> to vector<16xf32>
        %swap3A_927 = vector.shape_cast %add3A_923 : vector<16xf32> to vector<1x16xf32>
        tpu.vector_store %arg13[%swap3A, %swap3A_924], %swap3A_927 {strides = array<i32>} : memref<4x6912xf32, #tpu.memory_space<vmem>>, vector<1x16xf32>,
        %scan3A_928 = arith.constant 0 : i32
        scf.yield %scan3A_928 : i32
      }
      %scan3A_406 = arith.constant 36 : i32
      %add3A_407 = arith.constant 2 : i32
      %add3A_408 = arith.addi %mul3A_36, %add3A_407 : i32
      %add3A_409 = arith.constant 2 : i32
      %add3A_410 = arith.addi %add3A_408, %add3A_409 : i32
      %lt3A_411 = arith.constant 48 : i32
      %lt3A_412 = arith.cmpi slt, %add3A_410, %lt3A_411 : i32
      %convert_element_type3A_413 = arith.extui %lt3A_412 : i1 to i32
      %cond3A_414 = arith.constant 0 : i32
      %cond3A_415 = arith.cmpi ne, %convert_element_type3A_413, %cond3A_414 : i32
      scf.if %cond3A_415 {
        %add3A_599 = arith.constant 2 : i32
        %add3A_600 = arith.addi %mul3A_36, %add3A_599 : i32
        %add3A_601 = arith.constant 2 : i32
        %add3A_602 = arith.addi %add3A_600, %add3A_601 : i32
        %jit3A_603 = arith.constant 4 : i32
        %div3A_604 = arith.divsi %add3A_602, %jit3A_603 : i32
        %sign3A_605 = arith.constant 0 : i32
        %sign3A_606 = arith.cmpi sgt, %add3A_602, %sign3A_605 : i32
        %sign3A_607 = arith.extui %sign3A_606 : i1 to i32
        %sign3A_608 = arith.constant 0 : i32
        %sign3A_609 = arith.cmpi slt, %add3A_602, %sign3A_608 : i32
        %sign3A_610 = arith.extui %sign3A_609 : i1 to i32
        %sign3A_611 = arith.subi %sign3A_607, %sign3A_610 : i32
        %sign3A_612 = arith.constant 0 : i32
        %sign3A_613 = arith.cmpi sgt, %jit3A_603, %sign3A_612 : i32
        %sign3A_614 = arith.extui %sign3A_613 : i1 to i32
        %sign3A_615 = arith.constant 0 : i32
        %sign3A_616 = arith.cmpi slt, %jit3A_603, %sign3A_615 : i32
        %sign3A_617 = arith.extui %sign3A_616 : i1 to i32
        %sign3A_618 = arith.subi %sign3A_614, %sign3A_617 : i32
        %ne3A_619 = arith.cmpi ne, %sign3A_611, %sign3A_618 : i32
        %rem3A_620 = arith.remsi %add3A_602, %jit3A_603 : i32
        %ne3A_621 = arith.constant 0 : i32
        %ne3A_622 = arith.cmpi ne, %rem3A_620, %ne3A_621 : i32
        %and3A_623 = arith.andi %ne3A_619, %ne3A_622 : i1
        %sub3A_624 = arith.constant 1 : i32
        %sub3A_625 = arith.subi %div3A_604, %sub3A_624 : i32
        %select_n3A_626 = arith.select %and3A_623, %sub3A_625, %div3A_604 : i32
        %rem3A_627 = arith.constant 4 : i32
        %rem3A_628 = arith.remsi %add3A_602, %rem3A_627 : i32
        %dma_start3A_629 = arith.constant 0 : i32
        %dma_start3A_630 = tpu.memref_slice %arg7[%select_n3A_626, %dma_start3A_629] : memref<12x32xi32, #tpu.memory_space<vmem>> -> memref<1x32xi32, #tpu.memory_space<vmem>>
        %dma_start3A_631 = tpu.memref_squeeze %dma_start3A_630 : memref<1x32xi32, #tpu.memory_space<vmem>> -> memref<32xi32, #tpu.memory_space<vmem>>
        %dma_start3A_632 = arith.constant 0 : i32
        %dma_start3A_633 = arith.constant 0 : i32
        %dma_start3A_634 = tpu.memref_slice %arg2[%rem3A_628, %dma_start3A_632, %dma_start3A_633] : memref<4x384x640xf32, #tpu.memory_space<hbm>> -> memref<1x384x640xf32, #tpu.memory_space<hbm>>
        %dma_start3A_635 = tpu.memref_squeeze %dma_start3A_634 : memref<1x384x640xf32, #tpu.memory_space<hbm>> -> memref<384x640xf32, #tpu.memory_space<hbm>>
        %dma_start3A_636 = arith.constant 0 : i32
        %dma_start3A_637 = arith.constant 0 : i32
        %dma_start3A_638 = tpu.memref_slice %dma_start3A_635[%dma_start3A_636, %dma_start3A_637] : memref<384x640xf32, #tpu.memory_space<hbm>> -> memref<384x640xf32, #tpu.memory_space<hbm>>
        tpu.enqueue_indirect_dma source(%dma_start3A_638 : memref<384x640xf32, #tpu.memory_space<hbm>>) target(%arg11 : memref<32x640xf32, #tpu.memory_space<vmem>>) offsets(%dma_start3A_631 : memref<32xi32, #tpu.memory_space<vmem>>) semaphore(%arg15 : memref<!tpu.dma_semaphore, #tpu.memory_space<semaphore_mem>>)
      } else {
      }
      %dma_wait3A_416 = arith.constant 0 : i32
      %dma_wait3A_417 = arith.constant 0 : i32
      %dma_wait3A_418 = arith.constant 0 : i32
      %dma_wait3A_419 = tpu.memref_slice %arg2[%dma_wait3A_416, %dma_wait3A_417, %dma_wait3A_418] : memref<4x384x640xf32, #tpu.memory_space<hbm>> -> memref<1x384x640xf32, #tpu.memory_space<hbm>>
      %dma_wait3A_420 = tpu.memref_squeeze %dma_wait3A_419 : memref<1x384x640xf32, #tpu.memory_space<hbm>> -> memref<384x640xf32, #tpu.memory_space<hbm>>
      %dma_wait3A_421 = arith.constant 0 : i32
      %dma_wait3A_422 = arith.constant 0 : i32
      %dma_wait3A_423 = tpu.memref_slice %dma_wait3A_420[%dma_wait3A_421, %dma_wait3A_422] : memref<384x640xf32, #tpu.memory_space<hbm>> -> memref<32x640xf32, #tpu.memory_space<hbm>>
      %dma_wait3A_424 = arith.constant 0 : i32
      %dma_wait3A_425 = arith.constant 0 : i32
      %dma_wait3A_426 = tpu.memref_slice %arg2[%dma_wait3A_416, %dma_wait3A_424, %dma_wait3A_425] : memref<4x384x640xf32, #tpu.memory_space<hbm>> -> memref<1x384x640xf32, #tpu.memory_space<hbm>>
      %dma_wait3A_427 = tpu.memref_squeeze %dma_wait3A_426 : memref<1x384x640xf32, #tpu.memory_space<hbm>> -> memref<384x640xf32, #tpu.memory_space<hbm>>
      %dma_wait3A_428 = arith.constant 0 : i32
      %dma_wait3A_429 = arith.constant 0 : i32
      %dma_wait3A_430 = tpu.memref_slice %dma_wait3A_427[%dma_wait3A_428, %dma_wait3A_429] : memref<384x640xf32, #tpu.memory_space<hbm>> -> memref<32x640xf32, #tpu.memory_space<hbm>>
      tpu.wait_dma2 semaphore(%arg16 : memref<!tpu.dma_semaphore, #tpu.memory_space<semaphore_mem>>) src(%dma_wait3A_430 : memref<32x640xf32, #tpu.memory_space<hbm>>) dst(%arg12 : memref<32x640xf32, #tpu.memory_space<vmem>>)
      %add3A_431 = arith.constant 2 : i32
      %add3A_432 = arith.addi %mul3A_36, %add3A_431 : i32
      %jit3A_433 = arith.constant 4 : i32
      %div3A_434 = arith.divsi %add3A_432, %jit3A_433 : i32
      %sign3A_435 = arith.constant 0 : i32
      %sign3A_436 = arith.cmpi sgt, %add3A_432, %sign3A_435 : i32
      %sign3A_437 = arith.extui %sign3A_436 : i1 to i32
      %sign3A_438 = arith.constant 0 : i32
      %sign3A_439 = arith.cmpi slt, %add3A_432, %sign3A_438 : i32
      %sign3A_440 = arith.extui %sign3A_439 : i1 to i32
      %sign3A_441 = arith.subi %sign3A_437, %sign3A_440 : i32
      %sign3A_442 = arith.constant 0 : i32
      %sign3A_443 = arith.cmpi sgt, %jit3A_433, %sign3A_442 : i32
      %sign3A_444 = arith.extui %sign3A_443 : i1 to i32
      %sign3A_445 = arith.constant 0 : i32
      %sign3A_446 = arith.cmpi slt, %jit3A_433, %sign3A_445 : i32
      %sign3A_447 = arith.extui %sign3A_446 : i1 to i32
      %sign3A_448 = arith.subi %sign3A_444, %sign3A_447 : i32
      %ne3A_449 = arith.cmpi ne, %sign3A_441, %sign3A_448 : i32
      %rem3A_450 = arith.remsi %add3A_432, %jit3A_433 : i32
      %ne3A_451 = arith.constant 0 : i32
      %ne3A_452 = arith.cmpi ne, %rem3A_450, %ne3A_451 : i32
      %and3A_453 = arith.andi %ne3A_449, %ne3A_452 : i1
      %sub3A_454 = arith.constant 1 : i32
      %sub3A_455 = arith.subi %div3A_434, %sub3A_454 : i32
      %select_n3A_456 = arith.select %and3A_453, %sub3A_455, %div3A_434 : i32
      %rem3A_457 = arith.constant 4 : i32
      %rem3A_458 = arith.remsi %add3A_432, %rem3A_457 : i32
      %get3A_459 = arith.index_cast %select_n3A_456 : i32 to index
      %get3A_460 = arith.constant 0 : index
      %get3A_461 = tpu.vector_load %arg9[%get3A_459, %get3A_460] {strides = array<i32>} : memref<12x16xf32, #tpu.memory_space<vmem>>, vector<1x16xf32>,
      %get3A_462 = vector.shape_cast %get3A_461 : vector<1x16xf32> to vector<16xf32>
      %get3A_463 = arith.index_cast %select_n3A_456 : i32 to index
      %get3A_464 = arith.constant 0 : index
      %get3A_465 = tpu.vector_load %arg8[%get3A_463, %get3A_464] {strides = array<i32>} : memref<12x512xf32, #tpu.memory_space<vmem>>, vector<1x16xf32>,
      %get3A_466 = vector.shape_cast %get3A_465 : vector<1x16xf32> to vector<16xf32>
      %get3A_467 = arith.index_cast %select_n3A_456 : i32 to index
      %get3A_468 = arith.constant 16 : index
      %get3A_469 = tpu.vector_load %arg8[%get3A_467, %get3A_468] {strides = array<i32>} : memref<12x512xf32, #tpu.memory_space<vmem>>, vector<1x16xf32>,
      %get3A_470 = vector.shape_cast %get3A_469 : vector<1x16xf32> to vector<16xf32>
      %get3A_471 = arith.index_cast %select_n3A_456 : i32 to index
      %get3A_472 = arith.constant 32 : index
      %get3A_473 = tpu.vector_load %arg8[%get3A_471, %get3A_472] {strides = array<i32>} : memref<12x512xf32, #tpu.memory_space<vmem>>, vector<1x16xf32>,
      %get3A_474 = vector.shape_cast %get3A_473 : vector<1x16xf32> to vector<16xf32>
      %get3A_475 = arith.index_cast %select_n3A_456 : i32 to index
      %get3A_476 = arith.constant 48 : index
      %get3A_477 = tpu.vector_load %arg8[%get3A_475, %get3A_476] {strides = array<i32>} : memref<12x512xf32, #tpu.memory_space<vmem>>, vector<1x16xf32>,
      %get3A_478 = vector.shape_cast %get3A_477 : vector<1x16xf32> to vector<16xf32>
      %get3A_479 = arith.index_cast %select_n3A_456 : i32 to index
      %get3A_480 = arith.constant 64 : index
      %get3A_481 = tpu.vector_load %arg8[%get3A_479, %get3A_480] {strides = array<i32>} : memref<12x512xf32, #tpu.memory_space<vmem>>, vector<1x16xf32>,
      %get3A_482 = vector.shape_cast %get3A_481 : vector<1x16xf32> to vector<16xf32>
      %get3A_483 = arith.index_cast %select_n3A_456 : i32 to index
      %get3A_484 = arith.constant 80 : index
      %get3A_485 = tpu.vector_load %arg8[%get3A_483, %get3A_484] {strides = array<i32>} : memref<12x512xf32, #tpu.memory_space<vmem>>, vector<1x16xf32>,
      %get3A_486 = vector.shape_cast %get3A_485 : vector<1x16xf32> to vector<16xf32>
      %get3A_487 = arith.index_cast %select_n3A_456 : i32 to index
      %get3A_488 = arith.constant 96 : index
      %get3A_489 = tpu.vector_load %arg8[%get3A_487, %get3A_488] {strides = array<i32>} : memref<12x512xf32, #tpu.memory_space<vmem>>, vector<1x16xf32>,
      %get3A_490 = vector.shape_cast %get3A_489 : vector<1x16xf32> to vector<16xf32>
      %get3A_491 = arith.index_cast %select_n3A_456 : i32 to index
      %get3A_492 = arith.constant 112 : index
      %get3A_493 = tpu.vector_load %arg8[%get3A_491, %get3A_492] {strides = array<i32>} : memref<12x512xf32, #tpu.memory_space<vmem>>, vector<1x16xf32>,
      %get3A_494 = vector.shape_cast %get3A_493 : vector<1x16xf32> to vector<16xf32>
      %get3A_495 = arith.index_cast %select_n3A_456 : i32 to index
      %get3A_496 = arith.constant 128 : index
      %get3A_497 = tpu.vector_load %arg8[%get3A_495, %get3A_496] {strides = array<i32>} : memref<12x512xf32, #tpu.memory_space<vmem>>, vector<1x16xf32>,
      %get3A_498 = vector.shape_cast %get3A_497 : vector<1x16xf32> to vector<16xf32>
      %get3A_499 = arith.index_cast %select_n3A_456 : i32 to index
      %get3A_500 = arith.constant 144 : index
      %get3A_501 = tpu.vector_load %arg8[%get3A_499, %get3A_500] {strides = array<i32>} : memref<12x512xf32, #tpu.memory_space<vmem>>, vector<1x16xf32>,
      %get3A_502 = vector.shape_cast %get3A_501 : vector<1x16xf32> to vector<16xf32>
      %get3A_503 = arith.index_cast %select_n3A_456 : i32 to index
      %get3A_504 = arith.constant 160 : index
      %get3A_505 = tpu.vector_load %arg8[%get3A_503, %get3A_504] {strides = array<i32>} : memref<12x512xf32, #tpu.memory_space<vmem>>, vector<1x16xf32>,
      %get3A_506 = vector.shape_cast %get3A_505 : vector<1x16xf32> to vector<16xf32>
      %get3A_507 = arith.index_cast %select_n3A_456 : i32 to index
      %get3A_508 = arith.constant 176 : index
      %get3A_509 = tpu.vector_load %arg8[%get3A_507, %get3A_508] {strides = array<i32>} : memref<12x512xf32, #tpu.memory_space<vmem>>, vector<1x16xf32>,
      %get3A_510 = vector.shape_cast %get3A_509 : vector<1x16xf32> to vector<16xf32>
      %get3A_511 = arith.index_cast %select_n3A_456 : i32 to index
      %get3A_512 = arith.constant 192 : index
      %get3A_513 = tpu.vector_load %arg8[%get3A_511, %get3A_512] {strides = array<i32>} : memref<12x512xf32, #tpu.memory_space<vmem>>, vector<1x16xf32>,
      %get3A_514 = vector.shape_cast %get3A_513 : vector<1x16xf32> to vector<16xf32>
      %get3A_515 = arith.index_cast %select_n3A_456 : i32 to index
      %get3A_516 = arith.constant 208 : index
      %get3A_517 = tpu.vector_load %arg8[%get3A_515, %get3A_516] {strides = array<i32>} : memref<12x512xf32, #tpu.memory_space<vmem>>, vector<1x16xf32>,
      %get3A_518 = vector.shape_cast %get3A_517 : vector<1x16xf32> to vector<16xf32>
      %get3A_519 = arith.index_cast %select_n3A_456 : i32 to index
      %get3A_520 = arith.constant 224 : index
      %get3A_521 = tpu.vector_load %arg8[%get3A_519, %get3A_520] {strides = array<i32>} : memref<12x512xf32, #tpu.memory_space<vmem>>, vector<1x16xf32>,
      %get3A_522 = vector.shape_cast %get3A_521 : vector<1x16xf32> to vector<16xf32>
      %get3A_523 = arith.index_cast %select_n3A_456 : i32 to index
      %get3A_524 = arith.constant 240 : index
      %get3A_525 = tpu.vector_load %arg8[%get3A_523, %get3A_524] {strides = array<i32>} : memref<12x512xf32, #tpu.memory_space<vmem>>, vector<1x16xf32>,
      %get3A_526 = vector.shape_cast %get3A_525 : vector<1x16xf32> to vector<16xf32>
      %get3A_527 = arith.index_cast %select_n3A_456 : i32 to index
      %get3A_528 = arith.constant 256 : index
      %get3A_529 = tpu.vector_load %arg8[%get3A_527, %get3A_528] {strides = array<i32>} : memref<12x512xf32, #tpu.memory_space<vmem>>, vector<1x16xf32>,
      %get3A_530 = vector.shape_cast %get3A_529 : vector<1x16xf32> to vector<16xf32>
      %get3A_531 = arith.index_cast %select_n3A_456 : i32 to index
      %get3A_532 = arith.constant 272 : index
      %get3A_533 = tpu.vector_load %arg8[%get3A_531, %get3A_532] {strides = array<i32>} : memref<12x512xf32, #tpu.memory_space<vmem>>, vector<1x16xf32>,
      %get3A_534 = vector.shape_cast %get3A_533 : vector<1x16xf32> to vector<16xf32>
      %get3A_535 = arith.index_cast %select_n3A_456 : i32 to index
      %get3A_536 = arith.constant 288 : index
      %get3A_537 = tpu.vector_load %arg8[%get3A_535, %get3A_536] {strides = array<i32>} : memref<12x512xf32, #tpu.memory_space<vmem>>, vector<1x16xf32>,
      %get3A_538 = vector.shape_cast %get3A_537 : vector<1x16xf32> to vector<16xf32>
      %get3A_539 = arith.index_cast %select_n3A_456 : i32 to index
      %get3A_540 = arith.constant 304 : index
      %get3A_541 = tpu.vector_load %arg8[%get3A_539, %get3A_540] {strides = array<i32>} : memref<12x512xf32, #tpu.memory_space<vmem>>, vector<1x16xf32>,
      %get3A_542 = vector.shape_cast %get3A_541 : vector<1x16xf32> to vector<16xf32>
      %get3A_543 = arith.index_cast %select_n3A_456 : i32 to index
      %get3A_544 = arith.constant 320 : index
      %get3A_545 = tpu.vector_load %arg8[%get3A_543, %get3A_544] {strides = array<i32>} : memref<12x512xf32, #tpu.memory_space<vmem>>, vector<1x16xf32>,
      %get3A_546 = vector.shape_cast %get3A_545 : vector<1x16xf32> to vector<16xf32>
      %get3A_547 = arith.index_cast %select_n3A_456 : i32 to index
      %get3A_548 = arith.constant 336 : index
      %get3A_549 = tpu.vector_load %arg8[%get3A_547, %get3A_548] {strides = array<i32>} : memref<12x512xf32, #tpu.memory_space<vmem>>, vector<1x16xf32>,
      %get3A_550 = vector.shape_cast %get3A_549 : vector<1x16xf32> to vector<16xf32>
      %get3A_551 = arith.index_cast %select_n3A_456 : i32 to index
      %get3A_552 = arith.constant 352 : index
      %get3A_553 = tpu.vector_load %arg8[%get3A_551, %get3A_552] {strides = array<i32>} : memref<12x512xf32, #tpu.memory_space<vmem>>, vector<1x16xf32>,
      %get3A_554 = vector.shape_cast %get3A_553 : vector<1x16xf32> to vector<16xf32>
      %get3A_555 = arith.index_cast %select_n3A_456 : i32 to index
      %get3A_556 = arith.constant 368 : index
      %get3A_557 = tpu.vector_load %arg8[%get3A_555, %get3A_556] {strides = array<i32>} : memref<12x512xf32, #tpu.memory_space<vmem>>, vector<1x16xf32>,
      %get3A_558 = vector.shape_cast %get3A_557 : vector<1x16xf32> to vector<16xf32>
      %get3A_559 = arith.index_cast %select_n3A_456 : i32 to index
      %get3A_560 = arith.constant 384 : index
      %get3A_561 = tpu.vector_load %arg8[%get3A_559, %get3A_560] {strides = array<i32>} : memref<12x512xf32, #tpu.memory_space<vmem>>, vector<1x16xf32>,
      %get3A_562 = vector.shape_cast %get3A_561 : vector<1x16xf32> to vector<16xf32>
      %get3A_563 = arith.index_cast %select_n3A_456 : i32 to index
      %get3A_564 = arith.constant 400 : index
      %get3A_565 = tpu.vector_load %arg8[%get3A_563, %get3A_564] {strides = array<i32>} : memref<12x512xf32, #tpu.memory_space<vmem>>, vector<1x16xf32>,
      %get3A_566 = vector.shape_cast %get3A_565 : vector<1x16xf32> to vector<16xf32>
      %get3A_567 = arith.index_cast %select_n3A_456 : i32 to index
      %get3A_568 = arith.constant 416 : index
      %get3A_569 = tpu.vector_load %arg8[%get3A_567, %get3A_568] {strides = array<i32>} : memref<12x512xf32, #tpu.memory_space<vmem>>, vector<1x16xf32>,
      %get3A_570 = vector.shape_cast %get3A_569 : vector<1x16xf32> to vector<16xf32>
      %get3A_571 = arith.index_cast %select_n3A_456 : i32 to index
      %get3A_572 = arith.constant 432 : index
      %get3A_573 = tpu.vector_load %arg8[%get3A_571, %get3A_572] {strides = array<i32>} : memref<12x512xf32, #tpu.memory_space<vmem>>, vector<1x16xf32>,
      %get3A_574 = vector.shape_cast %get3A_573 : vector<1x16xf32> to vector<16xf32>
      %get3A_575 = arith.index_cast %select_n3A_456 : i32 to index
      %get3A_576 = arith.constant 448 : index
      %get3A_577 = tpu.vector_load %arg8[%get3A_575, %get3A_576] {strides = array<i32>} : memref<12x512xf32, #tpu.memory_space<vmem>>, vector<1x16xf32>,
      %get3A_578 = vector.shape_cast %get3A_577 : vector<1x16xf32> to vector<16xf32>
      %get3A_579 = arith.index_cast %select_n3A_456 : i32 to index
      %get3A_580 = arith.constant 464 : index
      %get3A_581 = tpu.vector_load %arg8[%get3A_579, %get3A_580] {strides = array<i32>} : memref<12x512xf32, #tpu.memory_space<vmem>>, vector<1x16xf32>,
      %get3A_582 = vector.shape_cast %get3A_581 : vector<1x16xf32> to vector<16xf32>
      %get3A_583 = arith.index_cast %select_n3A_456 : i32 to index
      %get3A_584 = arith.constant 480 : index
      %get3A_585 = tpu.vector_load %arg8[%get3A_583, %get3A_584] {strides = array<i32>} : memref<12x512xf32, #tpu.memory_space<vmem>>, vector<1x16xf32>,
      %get3A_586 = vector.shape_cast %get3A_585 : vector<1x16xf32> to vector<16xf32>
      %get3A_587 = arith.index_cast %select_n3A_456 : i32 to index
      %get3A_588 = arith.constant 496 : index
      %get3A_589 = tpu.vector_load %arg8[%get3A_587, %get3A_588] {strides = array<i32>} : memref<12x512xf32, #tpu.memory_space<vmem>>, vector<1x16xf32>,
      %get3A_590 = vector.shape_cast %get3A_589 : vector<1x16xf32> to vector<16xf32>
      %scan3A_591 = arith.constant 0 : i32
      %scan3A_592 = arith.constant 0 : i32
      %scan3A_593 = arith.constant 36 : i32
      %scan3A_594 = arith.addi %scan3A_592, %scan3A_593 : i32
      %scan3A_595 = arith.constant 1 : i32
      %scan3A_596 = scf.for %scan3A_599 = %scan3A_592 to %scan3A_594 step %scan3A_595 iter_args(%scan3A_600 = %scan3A_591) -> (i32)  : i32 {
        %mul3A_601 = arith.constant 576 : i32
        %mul3A_602 = arith.muli %select_n3A_456, %mul3A_601 : i32
        %mul3A_603 = arith.constant 16 : i32
        %mul3A_604 = arith.muli %scan3A_599, %mul3A_603 : i32
        %add3A_605 = arith.addi %mul3A_602, %mul3A_604 : i32
        %mul3A_606 = arith.constant 16 : i32
        %mul3A_607 = arith.muli %scan3A_599, %mul3A_606 : i32
        %get3A_608 = arith.constant 0 : i32
        %get3A_609 = arith.index_cast %get3A_608 : i32 to index
        %get3A_610 = arith.index_cast %mul3A_607 : i32 to index
        %get3A_611 = tpu.vector_load %arg12[%get3A_609, %get3A_610] {strides = array<i32>} : memref<32x640xf32, #tpu.memory_space<vmem>>, vector<1x16xf32>,
        %get3A_612 = vector.shape_cast %get3A_611 : vector<1x16xf32> to vector<16xf32>
        %sub3A_613 = arith.subf %get3A_612, %get3A_466 : vector<16xf32>
        %abs3A = math.absf %sub3A_613 : vector<16xf32>
        %mul3A_614 = arith.constant 16 : i32
        %mul3A_615 = arith.muli %scan3A_599, %mul3A_614 : i32
        %get3A_616 = arith.constant 1 : i32
        %get3A_617 = arith.index_cast %get3A_616 : i32 to index
        %get3A_618 = arith.index_cast %mul3A_615 : i32 to index
        %get3A_619 = tpu.vector_load %arg12[%get3A_617, %get3A_618] {strides = array<i32>} : memref<32x640xf32, #tpu.memory_space<vmem>>, vector<1x16xf32>,
        %get3A_620 = vector.shape_cast %get3A_619 : vector<1x16xf32> to vector<16xf32>
        %sub3A_621 = arith.subf %get3A_620, %get3A_470 : vector<16xf32>
        %abs3A_622 = math.absf %sub3A_621 : vector<16xf32>
        %mul3A_623 = arith.constant 16 : i32
        %mul3A_624 = arith.muli %scan3A_599, %mul3A_623 : i32
        %get3A_625 = arith.constant 2 : i32
        %get3A_626 = arith.index_cast %get3A_625 : i32 to index
        %get3A_627 = arith.index_cast %mul3A_624 : i32 to index
        %get3A_628 = tpu.vector_load %arg12[%get3A_626, %get3A_627] {strides = array<i32>} : memref<32x640xf32, #tpu.memory_space<vmem>>, vector<1x16xf32>,
        %get3A_629 = vector.shape_cast %get3A_628 : vector<1x16xf32> to vector<16xf32>
        %sub3A_630 = arith.subf %get3A_629, %get3A_474 : vector<16xf32>
        %abs3A_631 = math.absf %sub3A_630 : vector<16xf32>
        %mul3A_632 = arith.constant 16 : i32
        %mul3A_633 = arith.muli %scan3A_599, %mul3A_632 : i32
        %get3A_634 = arith.constant 3 : i32
        %get3A_635 = arith.index_cast %get3A_634 : i32 to index
        %get3A_636 = arith.index_cast %mul3A_633 : i32 to index
        %get3A_637 = tpu.vector_load %arg12[%get3A_635, %get3A_636] {strides = array<i32>} : memref<32x640xf32, #tpu.memory_space<vmem>>, vector<1x16xf32>,
        %get3A_638 = vector.shape_cast %get3A_637 : vector<1x16xf32> to vector<16xf32>
        %sub3A_639 = arith.subf %get3A_638, %get3A_478 : vector<16xf32>
        %abs3A_640 = math.absf %sub3A_639 : vector<16xf32>
        %mul3A_641 = arith.constant 16 : i32
        %mul3A_642 = arith.muli %scan3A_599, %mul3A_641 : i32
        %get3A_643 = arith.constant 4 : i32
        %get3A_644 = arith.index_cast %get3A_643 : i32 to index
        %get3A_645 = arith.index_cast %mul3A_642 : i32 to index
        %get3A_646 = tpu.vector_load %arg12[%get3A_644, %get3A_645] {strides = array<i32>} : memref<32x640xf32, #tpu.memory_space<vmem>>, vector<1x16xf32>,
        %get3A_647 = vector.shape_cast %get3A_646 : vector<1x16xf32> to vector<16xf32>
        %sub3A_648 = arith.subf %get3A_647, %get3A_482 : vector<16xf32>
        %abs3A_649 = math.absf %sub3A_648 : vector<16xf32>
        %mul3A_650 = arith.constant 16 : i32
        %mul3A_651 = arith.muli %scan3A_599, %mul3A_650 : i32
        %get3A_652 = arith.constant 5 : i32
        %get3A_653 = arith.index_cast %get3A_652 : i32 to index
        %get3A_654 = arith.index_cast %mul3A_651 : i32 to index
        %get3A_655 = tpu.vector_load %arg12[%get3A_653, %get3A_654] {strides = array<i32>} : memref<32x640xf32, #tpu.memory_space<vmem>>, vector<1x16xf32>,
        %get3A_656 = vector.shape_cast %get3A_655 : vector<1x16xf32> to vector<16xf32>
        %sub3A_657 = arith.subf %get3A_656, %get3A_486 : vector<16xf32>
        %abs3A_658 = math.absf %sub3A_657 : vector<16xf32>
        %mul3A_659 = arith.constant 16 : i32
        %mul3A_660 = arith.muli %scan3A_599, %mul3A_659 : i32
        %get3A_661 = arith.constant 6 : i32
        %get3A_662 = arith.index_cast %get3A_661 : i32 to index
        %get3A_663 = arith.index_cast %mul3A_660 : i32 to index
        %get3A_664 = tpu.vector_load %arg12[%get3A_662, %get3A_663] {strides = array<i32>} : memref<32x640xf32, #tpu.memory_space<vmem>>, vector<1x16xf32>,
        %get3A_665 = vector.shape_cast %get3A_664 : vector<1x16xf32> to vector<16xf32>
        %sub3A_666 = arith.subf %get3A_665, %get3A_490 : vector<16xf32>
        %abs3A_667 = math.absf %sub3A_666 : vector<16xf32>
        %mul3A_668 = arith.constant 16 : i32
        %mul3A_669 = arith.muli %scan3A_599, %mul3A_668 : i32
        %get3A_670 = arith.constant 7 : i32
        %get3A_671 = arith.index_cast %get3A_670 : i32 to index
        %get3A_672 = arith.index_cast %mul3A_669 : i32 to index
        %get3A_673 = tpu.vector_load %arg12[%get3A_671, %get3A_672] {strides = array<i32>} : memref<32x640xf32, #tpu.memory_space<vmem>>, vector<1x16xf32>,
        %get3A_674 = vector.shape_cast %get3A_673 : vector<1x16xf32> to vector<16xf32>
        %sub3A_675 = arith.subf %get3A_674, %get3A_494 : vector<16xf32>
        %abs3A_676 = math.absf %sub3A_675 : vector<16xf32>
        %max3A = arith.maximumf %abs3A, %abs3A_622 : vector<16xf32>
        %max3A_677 = arith.maximumf %abs3A_631, %abs3A_640 : vector<16xf32>
        %max3A_678 = arith.maximumf %max3A, %max3A_677 : vector<16xf32>
        %max3A_679 = arith.maximumf %abs3A_649, %abs3A_658 : vector<16xf32>
        %max3A_680 = arith.maximumf %abs3A_667, %abs3A_676 : vector<16xf32>
        %max3A_681 = arith.maximumf %max3A_679, %max3A_680 : vector<16xf32>
        %max3A_682 = arith.maximumf %max3A_678, %max3A_681 : vector<16xf32>
        %mul3A_683 = arith.constant 16 : i32
        %mul3A_684 = arith.muli %scan3A_599, %mul3A_683 : i32
        %get3A_685 = arith.constant 8 : i32
        %get3A_686 = arith.index_cast %get3A_685 : i32 to index
        %get3A_687 = arith.index_cast %mul3A_684 : i32 to index
        %get3A_688 = tpu.vector_load %arg12[%get3A_686, %get3A_687] {strides = array<i32>} : memref<32x640xf32, #tpu.memory_space<vmem>>, vector<1x16xf32>,
        %get3A_689 = vector.shape_cast %get3A_688 : vector<1x16xf32> to vector<16xf32>
        %sub3A_690 = arith.subf %get3A_689, %get3A_498 : vector<16xf32>
        %abs3A_691 = math.absf %sub3A_690 : vector<16xf32>
        %mul3A_692 = arith.constant 16 : i32
        %mul3A_693 = arith.muli %scan3A_599, %mul3A_692 : i32
        %get3A_694 = arith.constant 9 : i32
        %get3A_695 = arith.index_cast %get3A_694 : i32 to index
        %get3A_696 = arith.index_cast %mul3A_693 : i32 to index
        %get3A_697 = tpu.vector_load %arg12[%get3A_695, %get3A_696] {strides = array<i32>} : memref<32x640xf32, #tpu.memory_space<vmem>>, vector<1x16xf32>,
        %get3A_698 = vector.shape_cast %get3A_697 : vector<1x16xf32> to vector<16xf32>
        %sub3A_699 = arith.subf %get3A_698, %get3A_502 : vector<16xf32>
        %abs3A_700 = math.absf %sub3A_699 : vector<16xf32>
        %mul3A_701 = arith.constant 16 : i32
        %mul3A_702 = arith.muli %scan3A_599, %mul3A_701 : i32
        %get3A_703 = arith.constant 10 : i32
        %get3A_704 = arith.index_cast %get3A_703 : i32 to index
        %get3A_705 = arith.index_cast %mul3A_702 : i32 to index
        %get3A_706 = tpu.vector_load %arg12[%get3A_704, %get3A_705] {strides = array<i32>} : memref<32x640xf32, #tpu.memory_space<vmem>>, vector<1x16xf32>,
        %get3A_707 = vector.shape_cast %get3A_706 : vector<1x16xf32> to vector<16xf32>
        %sub3A_708 = arith.subf %get3A_707, %get3A_506 : vector<16xf32>
        %abs3A_709 = math.absf %sub3A_708 : vector<16xf32>
        %mul3A_710 = arith.constant 16 : i32
        %mul3A_711 = arith.muli %scan3A_599, %mul3A_710 : i32
        %get3A_712 = arith.constant 11 : i32
        %get3A_713 = arith.index_cast %get3A_712 : i32 to index
        %get3A_714 = arith.index_cast %mul3A_711 : i32 to index
        %get3A_715 = tpu.vector_load %arg12[%get3A_713, %get3A_714] {strides = array<i32>} : memref<32x640xf32, #tpu.memory_space<vmem>>, vector<1x16xf32>,
        %get3A_716 = vector.shape_cast %get3A_715 : vector<1x16xf32> to vector<16xf32>
        %sub3A_717 = arith.subf %get3A_716, %get3A_510 : vector<16xf32>
        %abs3A_718 = math.absf %sub3A_717 : vector<16xf32>
        %mul3A_719 = arith.constant 16 : i32
        %mul3A_720 = arith.muli %scan3A_599, %mul3A_719 : i32
        %get3A_721 = arith.constant 12 : i32
        %get3A_722 = arith.index_cast %get3A_721 : i32 to index
        %get3A_723 = arith.index_cast %mul3A_720 : i32 to index
        %get3A_724 = tpu.vector_load %arg12[%get3A_722, %get3A_723] {strides = array<i32>} : memref<32x640xf32, #tpu.memory_space<vmem>>, vector<1x16xf32>,
        %get3A_725 = vector.shape_cast %get3A_724 : vector<1x16xf32> to vector<16xf32>
        %sub3A_726 = arith.subf %get3A_725, %get3A_514 : vector<16xf32>
        %abs3A_727 = math.absf %sub3A_726 : vector<16xf32>
        %mul3A_728 = arith.constant 16 : i32
        %mul3A_729 = arith.muli %scan3A_599, %mul3A_728 : i32
        %get3A_730 = arith.constant 13 : i32
        %get3A_731 = arith.index_cast %get3A_730 : i32 to index
        %get3A_732 = arith.index_cast %mul3A_729 : i32 to index
        %get3A_733 = tpu.vector_load %arg12[%get3A_731, %get3A_732] {strides = array<i32>} : memref<32x640xf32, #tpu.memory_space<vmem>>, vector<1x16xf32>,
        %get3A_734 = vector.shape_cast %get3A_733 : vector<1x16xf32> to vector<16xf32>
        %sub3A_735 = arith.subf %get3A_734, %get3A_518 : vector<16xf32>
        %abs3A_736 = math.absf %sub3A_735 : vector<16xf32>
        %mul3A_737 = arith.constant 16 : i32
        %mul3A_738 = arith.muli %scan3A_599, %mul3A_737 : i32
        %get3A_739 = arith.constant 14 : i32
        %get3A_740 = arith.index_cast %get3A_739 : i32 to index
        %get3A_741 = arith.index_cast %mul3A_738 : i32 to index
        %get3A_742 = tpu.vector_load %arg12[%get3A_740, %get3A_741] {strides = array<i32>} : memref<32x640xf32, #tpu.memory_space<vmem>>, vector<1x16xf32>,
        %get3A_743 = vector.shape_cast %get3A_742 : vector<1x16xf32> to vector<16xf32>
        %sub3A_744 = arith.subf %get3A_743, %get3A_522 : vector<16xf32>
        %abs3A_745 = math.absf %sub3A_744 : vector<16xf32>
        %mul3A_746 = arith.constant 16 : i32
        %mul3A_747 = arith.muli %scan3A_599, %mul3A_746 : i32
        %get3A_748 = arith.constant 15 : i32
        %get3A_749 = arith.index_cast %get3A_748 : i32 to index
        %get3A_750 = arith.index_cast %mul3A_747 : i32 to index
        %get3A_751 = tpu.vector_load %arg12[%get3A_749, %get3A_750] {strides = array<i32>} : memref<32x640xf32, #tpu.memory_space<vmem>>, vector<1x16xf32>,
        %get3A_752 = vector.shape_cast %get3A_751 : vector<1x16xf32> to vector<16xf32>
        %sub3A_753 = arith.subf %get3A_752, %get3A_526 : vector<16xf32>
        %abs3A_754 = math.absf %sub3A_753 : vector<16xf32>
        %max3A_755 = arith.maximumf %abs3A_691, %abs3A_700 : vector<16xf32>
        %max3A_756 = arith.maximumf %abs3A_709, %abs3A_718 : vector<16xf32>
        %max3A_757 = arith.maximumf %max3A_755, %max3A_756 : vector<16xf32>
        %max3A_758 = arith.maximumf %abs3A_727, %abs3A_736 : vector<16xf32>
        %max3A_759 = arith.maximumf %abs3A_745, %abs3A_754 : vector<16xf32>
        %max3A_760 = arith.maximumf %max3A_758, %max3A_759 : vector<16xf32>
        %max3A_761 = arith.maximumf %max3A_757, %max3A_760 : vector<16xf32>
        %max3A_762 = arith.maximumf %max3A_682, %max3A_761 : vector<16xf32>
        %mul3A_763 = arith.constant 16 : i32
        %mul3A_764 = arith.muli %scan3A_599, %mul3A_763 : i32
        %get3A_765 = arith.constant 16 : i32
        %get3A_766 = arith.index_cast %get3A_765 : i32 to index
        %get3A_767 = arith.index_cast %mul3A_764 : i32 to index
        %get3A_768 = tpu.vector_load %arg12[%get3A_766, %get3A_767] {strides = array<i32>} : memref<32x640xf32, #tpu.memory_space<vmem>>, vector<1x16xf32>,
        %get3A_769 = vector.shape_cast %get3A_768 : vector<1x16xf32> to vector<16xf32>
        %sub3A_770 = arith.subf %get3A_769, %get3A_530 : vector<16xf32>
        %abs3A_771 = math.absf %sub3A_770 : vector<16xf32>
        %mul3A_772 = arith.constant 16 : i32
        %mul3A_773 = arith.muli %scan3A_599, %mul3A_772 : i32
        %get3A_774 = arith.constant 17 : i32
        %get3A_775 = arith.index_cast %get3A_774 : i32 to index
        %get3A_776 = arith.index_cast %mul3A_773 : i32 to index
        %get3A_777 = tpu.vector_load %arg12[%get3A_775, %get3A_776] {strides = array<i32>} : memref<32x640xf32, #tpu.memory_space<vmem>>, vector<1x16xf32>,
        %get3A_778 = vector.shape_cast %get3A_777 : vector<1x16xf32> to vector<16xf32>
        %sub3A_779 = arith.subf %get3A_778, %get3A_534 : vector<16xf32>
        %abs3A_780 = math.absf %sub3A_779 : vector<16xf32>
        %mul3A_781 = arith.constant 16 : i32
        %mul3A_782 = arith.muli %scan3A_599, %mul3A_781 : i32
        %get3A_783 = arith.constant 18 : i32
        %get3A_784 = arith.index_cast %get3A_783 : i32 to index
        %get3A_785 = arith.index_cast %mul3A_782 : i32 to index
        %get3A_786 = tpu.vector_load %arg12[%get3A_784, %get3A_785] {strides = array<i32>} : memref<32x640xf32, #tpu.memory_space<vmem>>, vector<1x16xf32>,
        %get3A_787 = vector.shape_cast %get3A_786 : vector<1x16xf32> to vector<16xf32>
        %sub3A_788 = arith.subf %get3A_787, %get3A_538 : vector<16xf32>
        %abs3A_789 = math.absf %sub3A_788 : vector<16xf32>
        %mul3A_790 = arith.constant 16 : i32
        %mul3A_791 = arith.muli %scan3A_599, %mul3A_790 : i32
        %get3A_792 = arith.constant 19 : i32
        %get3A_793 = arith.index_cast %get3A_792 : i32 to index
        %get3A_794 = arith.index_cast %mul3A_791 : i32 to index
        %get3A_795 = tpu.vector_load %arg12[%get3A_793, %get3A_794] {strides = array<i32>} : memref<32x640xf32, #tpu.memory_space<vmem>>, vector<1x16xf32>,
        %get3A_796 = vector.shape_cast %get3A_795 : vector<1x16xf32> to vector<16xf32>
        %sub3A_797 = arith.subf %get3A_796, %get3A_542 : vector<16xf32>
        %abs3A_798 = math.absf %sub3A_797 : vector<16xf32>
        %mul3A_799 = arith.constant 16 : i32
        %mul3A_800 = arith.muli %scan3A_599, %mul3A_799 : i32
        %get3A_801 = arith.constant 20 : i32
        %get3A_802 = arith.index_cast %get3A_801 : i32 to index
        %get3A_803 = arith.index_cast %mul3A_800 : i32 to index
        %get3A_804 = tpu.vector_load %arg12[%get3A_802, %get3A_803] {strides = array<i32>} : memref<32x640xf32, #tpu.memory_space<vmem>>, vector<1x16xf32>,
        %get3A_805 = vector.shape_cast %get3A_804 : vector<1x16xf32> to vector<16xf32>
        %sub3A_806 = arith.subf %get3A_805, %get3A_546 : vector<16xf32>
        %abs3A_807 = math.absf %sub3A_806 : vector<16xf32>
        %mul3A_808 = arith.constant 16 : i32
        %mul3A_809 = arith.muli %scan3A_599, %mul3A_808 : i32
        %get3A_810 = arith.constant 21 : i32
        %get3A_811 = arith.index_cast %get3A_810 : i32 to index
        %get3A_812 = arith.index_cast %mul3A_809 : i32 to index
        %get3A_813 = tpu.vector_load %arg12[%get3A_811, %get3A_812] {strides = array<i32>} : memref<32x640xf32, #tpu.memory_space<vmem>>, vector<1x16xf32>,
        %get3A_814 = vector.shape_cast %get3A_813 : vector<1x16xf32> to vector<16xf32>
        %sub3A_815 = arith.subf %get3A_814, %get3A_550 : vector<16xf32>
        %abs3A_816 = math.absf %sub3A_815 : vector<16xf32>
        %mul3A_817 = arith.constant 16 : i32
        %mul3A_818 = arith.muli %scan3A_599, %mul3A_817 : i32
        %get3A_819 = arith.constant 22 : i32
        %get3A_820 = arith.index_cast %get3A_819 : i32 to index
        %get3A_821 = arith.index_cast %mul3A_818 : i32 to index
        %get3A_822 = tpu.vector_load %arg12[%get3A_820, %get3A_821] {strides = array<i32>} : memref<32x640xf32, #tpu.memory_space<vmem>>, vector<1x16xf32>,
        %get3A_823 = vector.shape_cast %get3A_822 : vector<1x16xf32> to vector<16xf32>
        %sub3A_824 = arith.subf %get3A_823, %get3A_554 : vector<16xf32>
        %abs3A_825 = math.absf %sub3A_824 : vector<16xf32>
        %mul3A_826 = arith.constant 16 : i32
        %mul3A_827 = arith.muli %scan3A_599, %mul3A_826 : i32
        %get3A_828 = arith.constant 23 : i32
        %get3A_829 = arith.index_cast %get3A_828 : i32 to index
        %get3A_830 = arith.index_cast %mul3A_827 : i32 to index
        %get3A_831 = tpu.vector_load %arg12[%get3A_829, %get3A_830] {strides = array<i32>} : memref<32x640xf32, #tpu.memory_space<vmem>>, vector<1x16xf32>,
        %get3A_832 = vector.shape_cast %get3A_831 : vector<1x16xf32> to vector<16xf32>
        %sub3A_833 = arith.subf %get3A_832, %get3A_558 : vector<16xf32>
        %abs3A_834 = math.absf %sub3A_833 : vector<16xf32>
        %max3A_835 = arith.maximumf %abs3A_771, %abs3A_780 : vector<16xf32>
        %max3A_836 = arith.maximumf %abs3A_789, %abs3A_798 : vector<16xf32>
        %max3A_837 = arith.maximumf %max3A_835, %max3A_836 : vector<16xf32>
        %max3A_838 = arith.maximumf %abs3A_807, %abs3A_816 : vector<16xf32>
        %max3A_839 = arith.maximumf %abs3A_825, %abs3A_834 : vector<16xf32>
        %max3A_840 = arith.maximumf %max3A_838, %max3A_839 : vector<16xf32>
        %max3A_841 = arith.maximumf %max3A_837, %max3A_840 : vector<16xf32>
        %max3A_842 = arith.maximumf %max3A_762, %max3A_841 : vector<16xf32>
        %mul3A_843 = arith.constant 16 : i32
        %mul3A_844 = arith.muli %scan3A_599, %mul3A_843 : i32
        %get3A_845 = arith.constant 24 : i32
        %get3A_846 = arith.index_cast %get3A_845 : i32 to index
        %get3A_847 = arith.index_cast %mul3A_844 : i32 to index
        %get3A_848 = tpu.vector_load %arg12[%get3A_846, %get3A_847] {strides = array<i32>} : memref<32x640xf32, #tpu.memory_space<vmem>>, vector<1x16xf32>,
        %get3A_849 = vector.shape_cast %get3A_848 : vector<1x16xf32> to vector<16xf32>
        %sub3A_850 = arith.subf %get3A_849, %get3A_562 : vector<16xf32>
        %abs3A_851 = math.absf %sub3A_850 : vector<16xf32>
        %mul3A_852 = arith.constant 16 : i32
        %mul3A_853 = arith.muli %scan3A_599, %mul3A_852 : i32
        %get3A_854 = arith.constant 25 : i32
        %get3A_855 = arith.index_cast %get3A_854 : i32 to index
        %get3A_856 = arith.index_cast %mul3A_853 : i32 to index
        %get3A_857 = tpu.vector_load %arg12[%get3A_855, %get3A_856] {strides = array<i32>} : memref<32x640xf32, #tpu.memory_space<vmem>>, vector<1x16xf32>,
        %get3A_858 = vector.shape_cast %get3A_857 : vector<1x16xf32> to vector<16xf32>
        %sub3A_859 = arith.subf %get3A_858, %get3A_566 : vector<16xf32>
        %abs3A_860 = math.absf %sub3A_859 : vector<16xf32>
        %mul3A_861 = arith.constant 16 : i32
        %mul3A_862 = arith.muli %scan3A_599, %mul3A_861 : i32
        %get3A_863 = arith.constant 26 : i32
        %get3A_864 = arith.index_cast %get3A_863 : i32 to index
        %get3A_865 = arith.index_cast %mul3A_862 : i32 to index
        %get3A_866 = tpu.vector_load %arg12[%get3A_864, %get3A_865] {strides = array<i32>} : memref<32x640xf32, #tpu.memory_space<vmem>>, vector<1x16xf32>,
        %get3A_867 = vector.shape_cast %get3A_866 : vector<1x16xf32> to vector<16xf32>
        %sub3A_868 = arith.subf %get3A_867, %get3A_570 : vector<16xf32>
        %abs3A_869 = math.absf %sub3A_868 : vector<16xf32>
        %mul3A_870 = arith.constant 16 : i32
        %mul3A_871 = arith.muli %scan3A_599, %mul3A_870 : i32
        %get3A_872 = arith.constant 27 : i32
        %get3A_873 = arith.index_cast %get3A_872 : i32 to index
        %get3A_874 = arith.index_cast %mul3A_871 : i32 to index
        %get3A_875 = tpu.vector_load %arg12[%get3A_873, %get3A_874] {strides = array<i32>} : memref<32x640xf32, #tpu.memory_space<vmem>>, vector<1x16xf32>,
        %get3A_876 = vector.shape_cast %get3A_875 : vector<1x16xf32> to vector<16xf32>
        %sub3A_877 = arith.subf %get3A_876, %get3A_574 : vector<16xf32>
        %abs3A_878 = math.absf %sub3A_877 : vector<16xf32>
        %mul3A_879 = arith.constant 16 : i32
        %mul3A_880 = arith.muli %scan3A_599, %mul3A_879 : i32
        %get3A_881 = arith.constant 28 : i32
        %get3A_882 = arith.index_cast %get3A_881 : i32 to index
        %get3A_883 = arith.index_cast %mul3A_880 : i32 to index
        %get3A_884 = tpu.vector_load %arg12[%get3A_882, %get3A_883] {strides = array<i32>} : memref<32x640xf32, #tpu.memory_space<vmem>>, vector<1x16xf32>,
        %get3A_885 = vector.shape_cast %get3A_884 : vector<1x16xf32> to vector<16xf32>
        %sub3A_886 = arith.subf %get3A_885, %get3A_578 : vector<16xf32>
        %abs3A_887 = math.absf %sub3A_886 : vector<16xf32>
        %mul3A_888 = arith.constant 16 : i32
        %mul3A_889 = arith.muli %scan3A_599, %mul3A_888 : i32
        %get3A_890 = arith.constant 29 : i32
        %get3A_891 = arith.index_cast %get3A_890 : i32 to index
        %get3A_892 = arith.index_cast %mul3A_889 : i32 to index
        %get3A_893 = tpu.vector_load %arg12[%get3A_891, %get3A_892] {strides = array<i32>} : memref<32x640xf32, #tpu.memory_space<vmem>>, vector<1x16xf32>,
        %get3A_894 = vector.shape_cast %get3A_893 : vector<1x16xf32> to vector<16xf32>
        %sub3A_895 = arith.subf %get3A_894, %get3A_582 : vector<16xf32>
        %abs3A_896 = math.absf %sub3A_895 : vector<16xf32>
        %mul3A_897 = arith.constant 16 : i32
        %mul3A_898 = arith.muli %scan3A_599, %mul3A_897 : i32
        %get3A_899 = arith.constant 30 : i32
        %get3A_900 = arith.index_cast %get3A_899 : i32 to index
        %get3A_901 = arith.index_cast %mul3A_898 : i32 to index
        %get3A_902 = tpu.vector_load %arg12[%get3A_900, %get3A_901] {strides = array<i32>} : memref<32x640xf32, #tpu.memory_space<vmem>>, vector<1x16xf32>,
        %get3A_903 = vector.shape_cast %get3A_902 : vector<1x16xf32> to vector<16xf32>
        %sub3A_904 = arith.subf %get3A_903, %get3A_586 : vector<16xf32>
        %abs3A_905 = math.absf %sub3A_904 : vector<16xf32>
        %mul3A_906 = arith.constant 16 : i32
        %mul3A_907 = arith.muli %scan3A_599, %mul3A_906 : i32
        %get3A_908 = arith.constant 31 : i32
        %get3A_909 = arith.index_cast %get3A_908 : i32 to index
        %get3A_910 = arith.index_cast %mul3A_907 : i32 to index
        %get3A_911 = tpu.vector_load %arg12[%get3A_909, %get3A_910] {strides = array<i32>} : memref<32x640xf32, #tpu.memory_space<vmem>>, vector<1x16xf32>,
        %get3A_912 = vector.shape_cast %get3A_911 : vector<1x16xf32> to vector<16xf32>
        %sub3A_913 = arith.subf %get3A_912, %get3A_590 : vector<16xf32>
        %abs3A_914 = math.absf %sub3A_913 : vector<16xf32>
        %max3A_915 = arith.maximumf %abs3A_851, %abs3A_860 : vector<16xf32>
        %max3A_916 = arith.maximumf %abs3A_869, %abs3A_878 : vector<16xf32>
        %max3A_917 = arith.maximumf %max3A_915, %max3A_916 : vector<16xf32>
        %max3A_918 = arith.maximumf %abs3A_887, %abs3A_896 : vector<16xf32>
        %max3A_919 = arith.maximumf %abs3A_905, %abs3A_914 : vector<16xf32>
        %max3A_920 = arith.maximumf %max3A_918, %max3A_919 : vector<16xf32>
        %max3A_921 = arith.maximumf %max3A_917, %max3A_920 : vector<16xf32>
        %max3A_922 = arith.maximumf %max3A_842, %max3A_921 : vector<16xf32>
        %add3A_923 = arith.addf %max3A_922, %get3A_462 : vector<16xf32>
        %swap3A = arith.index_cast %rem3A_458 : i32 to index
        %swap3A_924 = arith.index_cast %add3A_605 : i32 to index
        %swap3A_925 = tpu.vector_load %arg13[%swap3A, %swap3A_924] {strides = array<i32>} : memref<4x6912xf32, #tpu.memory_space<vmem>>, vector<1x16xf32>,
        %swap3A_926 = vector.shape_cast %swap3A_925 : vector<1x16xf32> to vector<16xf32>
        %swap3A_927 = vector.shape_cast %add3A_923 : vector<16xf32> to vector<1x16xf32>
        tpu.vector_store %arg13[%swap3A, %swap3A_924], %swap3A_927 {strides = array<i32>} : memref<4x6912xf32, #tpu.memory_space<vmem>>, vector<1x16xf32>,
        %scan3A_928 = arith.constant 0 : i32
        scf.yield %scan3A_928 : i32
      }
      %scan3A_597 = arith.constant 36 : i32
      %scan3A_598 = arith.constant 0 : i32
      scf.yield %scan3A_598 : i32
    }
    %scan3A_32 = arith.constant 16 : i32
    "tpu.region"() ({
      %run_scoped3A = tpu.sem_alloc : memref<!tpu.dma_semaphore, #tpu.memory_space<semaphore_mem>>
      %dma_start3A_33 = arith.constant 0 : i32
      %dma_start3A_34 = arith.constant 0 : i32
      %dma_start3A_35 = tpu.memref_slice %arg6[%dma_start3A_33, %add3A, %dma_start3A_34] : memref<4x32x6912xf32, #tpu.memory_space<hbm>> -> memref<4x1x6912xf32, #tpu.memory_space<hbm>>
      %dma_start3A_36 = tpu.memref_squeeze %dma_start3A_35 : memref<4x1x6912xf32, #tpu.memory_space<hbm>> -> memref<4x6912xf32, #tpu.memory_space<hbm>>
      %dma_start3A_37 = arith.constant 0 : i32
      %dma_start3A_38 = arith.constant 0 : i32
      %dma_start3A_39 = tpu.memref_slice %arg6[%dma_start3A_37, %add3A, %dma_start3A_38] : memref<4x32x6912xf32, #tpu.memory_space<hbm>> -> memref<4x1x6912xf32, #tpu.memory_space<hbm>>
      %dma_start3A_40 = tpu.memref_squeeze %dma_start3A_39 : memref<4x1x6912xf32, #tpu.memory_space<hbm>> -> memref<4x6912xf32, #tpu.memory_space<hbm>>
      tpu.enqueue_dma source(%arg13 : memref<4x6912xf32, #tpu.memory_space<vmem>>) target(%dma_start3A_40 : memref<4x6912xf32, #tpu.memory_space<hbm>>) target_semaphore(%run_scoped3A : memref<!tpu.dma_semaphore, #tpu.memory_space<semaphore_mem>>)
      %dma_wait3A = arith.constant 0 : i32
      %dma_wait3A_41 = arith.constant 0 : i32
      %dma_wait3A_42 = tpu.memref_slice %arg6[%dma_wait3A, %add3A, %dma_wait3A_41] : memref<4x32x6912xf32, #tpu.memory_space<hbm>> -> memref<4x1x6912xf32, #tpu.memory_space<hbm>>
      %dma_wait3A_43 = tpu.memref_squeeze %dma_wait3A_42 : memref<4x1x6912xf32, #tpu.memory_space<hbm>> -> memref<4x6912xf32, #tpu.memory_space<hbm>>
      %dma_wait3A_44 = arith.constant 0 : i32
      %dma_wait3A_45 = arith.constant 0 : i32
      %dma_wait3A_46 = tpu.memref_slice %arg6[%dma_wait3A_44, %add3A, %dma_wait3A_45] : memref<4x32x6912xf32, #tpu.memory_space<hbm>> -> memref<4x1x6912xf32, #tpu.memory_space<hbm>>
      %dma_wait3A_47 = tpu.memref_squeeze %dma_wait3A_46 : memref<4x1x6912xf32, #tpu.memory_space<hbm>> -> memref<4x6912xf32, #tpu.memory_space<hbm>>
      tpu.wait_dma2 semaphore(%run_scoped3A : memref<!tpu.dma_semaphore, #tpu.memory_space<semaphore_mem>>) src(%arg13 : memref<4x6912xf32, #tpu.memory_space<vmem>>) dst(%dma_wait3A_47 : memref<4x6912xf32, #tpu.memory_space<hbm>>)
      tpu.yield
    }) : () -> ()
    return
  }
}

</mosaic_0001>

<sc_bundles>
// kernel: _dist_conv.3.cloned.1.call-start
scs
__scs_entry_jumppad:
0x0: {  	(pc) =	sbr.rel $0x88, $3  }
0x1: {  	(tag) =	ssettag $0x0;
	lr =	simm.s32 $0x1  }
0x2: {  	[smem:$0x3F9D] =	sst lr;
	_ =	strace $0xD0000000  }
0x3: {  	_ = 	snop  }
0x4: {  	_ = 	snop  }
0x5: {  	_ = 	snop  }
0x6: {  	_ = 	snop  }
0x7: {  	_ = 	snop  }
__scs_overlays_trampoline_lowered:
0x8: {  	[smem:$0x3FAC] =	sst s0  }
0x9: {  	[smem:$0x3FAD] =	sst s1  }
0xa: {  	[smem:$0x3FAE] =	sst s2  }
0xb: {  	[smem:$0x3FAF] =	sst s3  }
0xc: {  	[smem:$0x3FB0] =	sst s4  }
0xd: {  	[smem:$0x3FB1] =	sst s5  }
0xe: {  	[smem:$0x3FB2] =	sst s6  }
0xf: {  	[smem:$0x3FB3] =	sst s7  }
0x10: {  	[smem:$0x3FB4] =	sst s8  }
0x11: {  	[smem:$0x3FB5] =	sst s9;
	s0 =	simm.s32 @!p0 $0x0  }
0x12: {  	s1 =	sld [smem:$0x3F9B];
	s0 =	simm.s32 @p0 $0x1  }
0x13: {  	[smem:$0x3FB6] =	sst s0;
	s0 =	simm.s32 @!p1 $0x0  }
0x14: {  	s2 =	sld [smem:$0x3F9A];
	s0 =	simm.s32 @p1 $0x1  }
0x15: {  	[smem:$0x3FB7] =	sst s0;
	s0 =	simm.s32 @!p2 $0x0  }
0x16: {  	s3 =	sld [smem:$0x3FDB];
	s0 =	simm.s32 @p2 $0x1  }
0x17: {  	s4 =	simm.s32 $0x1BF5;
	[smem:$0x3FB9] =	sst s0  }
0x18: {  	s0 =	sld [smem:$0x3F9C];
	_ =	swait.ge [sflag:s4], $0x0  }
0x19: {  	s7 =	sld [smem:$0x3F9D]  }
0x1a: {  	s8 =	sadd.s32 $0xFFFFE003, lr  }
0x1b: {  	s9 =	sadd.s32 $0xFFFFFEF7, lr;
	s5 =	simm.s32 $0xFFFFFFFF;
	p2 =	slt.u32 s8, $0xFFFFF086  }
0x1c: {  	p1 =	slt.u32 s9, $0xF7A;
	s5 =	simm.s32 @!p2 $0x0  }
0x1d: {  	s5 =	simm.s32 @p1 $0x1;
	p0 =	seq.s32 s7, s2  }
0x1e: {  	s7 =	smul.u32 @!p0 $0xF7A, s2;
	p2 =	seq.s32 @!p0 s5, $0x0  }
0x1f: {  	s9 =	smul.u32 $0xF7A, s1;
	s8 =	simm.s32 @!p0 $0x1BF5;
	p2 =	por !p2, p0  }
0x20: {  	[sflag:s8] =	ssyncset.s32 @!p0 $0xFFFFF086;
	s6 =	sadd.s32 @!p0 s3, s7;
	s7 =	simm.s32 @!p0 $0x108  }
0x21: {  	s3 =	sadd.s32 s3, s9;
	s6 =	sadd.s32 @!p0 $0x88, s6;
	s7 =	simm.s32 @p2 $0x1082  }
0x22: {  	[simem:s7], [sflag:s8] =	dma.local @!p0 [hbm:s6], $0xF7A  }
0x23: {  	s9 =	sor.u32 $0xD0000000, s2;
	s6 =	simm.s32 $0x108;
	_ =	swait.ge @!p0 [sflag:s8], $0x0  }
0x24: {  	s3 =	sadd.s32 $0x88, s3;
	s6 =	simm.s32 @!p1 $0x1082;
	[sflag:s4] =	ssyncset.s32 $0xFFFFF086  }
0x25: {  	[simem:s6], [sflag:s4] =	dma.local [hbm:s3], $0xF7A  }
0x26: {  	[smem:$0x3F9D] =	sst s1;
	(tag) =	ssettag s2;
	_ =	strace s9  }
0x27: {  	s1 =	sld [smem:$0x3FAD]  }
0x28: {  	s2 =	sld [smem:$0x3FAE]  }
0x29: {  	s4 =	sld [smem:$0x3FB0]  }
0x2a: {  	p0 =	seq.s32 s5, $0x0;
	s5 =	sld [smem:$0x3FB1]  }
0x2b: {  	s6 =	sld [smem:$0x3FB2]  }
0x2c: {  	s7 =	sld [smem:$0x3FB3]  }
0x2d: {  	s3 =	simm.s32 $0x108;
	s8 =	sld [smem:$0x3FB4]  }
0x2e: {  	s3 =	simm.s32 @!p0 $0x1082;
	s9 =	sld [smem:$0x3FB5]  }
0x2f: {  	lr =	sadd.s32 s0, s3;
	s0 =	sld [smem:$0x3FAC]  }
0x30: {  	s3 =	sld [smem:$0x3FAF]  }
0x31: {  	[smem:$0x3FB8] =	sst s10  }
0x32: {  	s10 =	sld [smem:$0x3FB6];
	_ =	sdelay $0x3  }
0x33: {  	p0 =	seq.s32 s10, $0x1;
	s10 =	sld [smem:$0x3FB8];
	_ =	sdelay $0x3  }
0x34: {  	[smem:$0x3FB8] =	sst s10  }
0x35: {  	s10 =	sld [smem:$0x3FB7];
	_ =	sdelay $0x3  }
0x36: {  	p1 =	seq.s32 s10, $0x1;
	s10 =	sld [smem:$0x3FB8];
	_ =	sdelay $0x3  }
0x37: {  	[smem:$0x3FB8] =	sst s10  }
0x38: {  	s10 =	sld [smem:$0x3FB9]  }
0x39: {  	_ = 	snop;
	(pc) =	sbr.ind lr, $3  }
0x3a: {  	_ = 	snop  }
0x3b: {  	_ = 	snop  }
0x3c: {  	p2 =	seq.s32 s10, $0x1;
	s10 =	sld [smem:$0x3FB8]  }
0x3d: {  	_ =	shalt  }
0x3e: {  	_ =	shalt  }
0x3f: {  	_ =	shalt  }
0x40: {  	_ =	shalt  }
0x41: {  	_ =	shalt  }
0x42: {  	_ =	shalt  }
0x43: {  	_ =	shalt  }
0x44: {  	_ =	shalt  }
0x45: {  	_ =	shalt  }
0x46: {  	_ =	shalt  }
0x47: {  	_ =	shalt  }
0x48: {  	_ =	shalt  }
0x49: {  	_ =	shalt  }
0x4a: {  	_ =	shalt  }
0x4b: {  	_ =	shalt  }
0x4c: {  	_ =	shalt  }
0x4d: {  	_ =	shalt  }
0x4e: {  	_ =	shalt  }
0x4f: {  	_ =	shalt  }
0x50: {  	_ =	shalt  }
0x51: {  	_ =	shalt  }
0x52: {  	_ =	shalt  }
0x53: {  	_ =	shalt  }
0x54: {  	_ =	shalt  }
0x55: {  	_ =	shalt  }
0x56: {  	_ =	shalt  }
0x57: {  	_ =	shalt  }
0x58: {  	_ =	shalt  }
0x59: {  	_ =	shalt  }
0x5a: {  	_ =	shalt  }
0x5b: {  	_ =	shalt  }
0x5c: {  	_ =	shalt  }
0x5d: {  	_ =	shalt  }
0x5e: {  	_ =	shalt  }
0x5f: {  	_ =	shalt  }
0x60: {  	_ =	shalt  }
0x61: {  	_ =	shalt  }
0x62: {  	_ =	shalt  }
0x63: {  	_ =	shalt  }
0x64: {  	_ =	shalt  }
0x65: {  	_ =	shalt  }
0x66: {  	_ =	shalt  }
0x67: {  	_ =	shalt  }
0x68: {  	_ =	shalt  }
0x69: {  	_ =	shalt  }
0x6a: {  	_ =	shalt  }
0x6b: {  	_ =	shalt  }
0x6c: {  	_ =	shalt  }
0x6d: {  	_ =	shalt  }
0x6e: {  	_ =	shalt  }
0x6f: {  	_ =	shalt  }
0x70: {  	_ =	shalt  }
0x71: {  	_ =	shalt  }
0x72: {  	_ =	shalt  }
0x73: {  	_ =	shalt  }
0x74: {  	_ =	shalt  }
0x75: {  	_ =	shalt  }
0x76: {  	_ =	shalt  }
0x77: {  	_ =	shalt  }
0x78: {  	_ =	shalt  }
0x79: {  	_ =	shalt  }
0x7a: {  	_ =	shalt  }
0x7b: {  	_ =	shalt  }
0x7c: {  	_ =	shalt  }
0x7d: {  	_ =	shalt  }
0x7e: {  	_ =	shalt  }
0x7f: {  	_ =	shalt  }
0x80: {  	_ =	shalt  }
0x81: {  	_ =	shalt  }
0x82: {  	_ =	shalt  }
0x83: {  	_ =	shalt  }
0x84: {  	_ =	shalt  }
0x85: {  	_ =	shalt  }
0x86: {  	_ =	shalt  }
0x87: {  	_ =	shalt  }
.Lfunc_end0:
.L_simem_size_0:
called_computation_lowered:
.L_overlay_start_0:
0x88: {  	s2 =	sld [smem:$0x3FD9]  }
0x89: {  	s3 =	sld [smem:$0x3FFE];
	_ =	sdelay $0x1  }
0x8a: {  	s1 =	srdreg.scid  }
0x8b: {  	s0 =	sand.u32 $0x1, s1  }
0x8c: {  	s17 =	sshll.u32 s0, $0xA;
	s2 =	sadd.s32 s3, s2  }
0x8d: {  	s2 =	sadd.s32 s2, s17  }
0x8e: {  	[smem:$0x3FC4] =	sst s2  }
0x8f: {  	_ = 	snop  }
0x90: {  	s2 =	sld [smem:$0x3FD0];
	(tm) =	ssettm $0x1  }
0x91: {  	s18 =	sld [smem:$0x3FFB];
	_ =	sdelay $0x3  }
0x92: {  	_ =	strace s18  }
0x93: {  	s3 =	sld [smem:$0x3FFC];
	_ =	sdelay $0x3  }
0x94: {  	_ =	strace s3  }
0x95: {  	s3 =	sld [smem:$0x3FFD];
	_ =	sdelay $0x3  }
0x96: {  	_ =	strace s3  }
0x97: {  	_ =	strace $0x8FFFFFFF  }
0x98: {  	s19 =	sld [smem:$0x3FDB];
	_ =	sdelay $0x1  }
0x99: {  	s4 =	simm.s32 $_scs_section_size  }
0x9a: {  	s5 =	simm.s32 $_size__tile_overlayer_lowered;
	s6 =	simm.s32 $_tile_overlayer_lowered  }
0x9b: {  	s22 =	simm.s32 $0x1BFF;
	s21 =	sshll.u32 s6, $0x1;
	s3 =	sadd.s32 s4, s19  }
0x9c: {  	s7 =	simm.s32 $0x0;
	s20 =	sshll.u32 s5, $0x1;
	s5 =	sadd.s32 s21, s3  }
0x9d: {  	[timem:s7], [sflag:s22] =	dma.local [hbm:s5], s20  }
0x9e: {  	_ =	swait.ge [sflag:s22], s20  }
0x9f: {  	s4 =	ssub.s32 $0x0, s20;
	[sflag:s22] =	ssyncset.done $0x0  }
0xa0: {  	[sflag:s22] =	ssyncadd.s32 s4;
	_ =	sdelay $0x1  }
0xa1: {  	s23 =	simm.s32 $0x1B8B  }
0xa2: {  	_ =	swait.ge [sflag:s23], $0x1  }
0xa3: {  	[sflag:s23] =	ssyncset.done $0x0  }
0xa4: {  	s25 =	simm.s32 $0x1B8E;
	s24 =	sld [smem:$0x3FFE];
	[sflag:s23] =	ssyncadd.s32 $0xFFFFFFFF  }
0xa5: {  	s26 =	simm.s32 $execute0_lowered;
	[smem:$0x3FD2] =	sst s25  }
0xa6: {  	s5 =	sshll.u32 s26, $0x1;
	_ =	strace $0x80000046;
	[dreg:$0x1] =	wrdreg $0xFFFFFFFF  }
0xa7: {  	s28 =	simm.s32 $_size_execute0_lowered;
	s3 =	sadd.s32 s3, s5;
	[dreg:$0x0] =	wrdreg $0x0  }
0xa8: {  	s5 =	sshll.u32 s28, $0x1;
	[dreg:$0x2] =	wrdreg s3  }
0xa9: {  	[dreg:$0x3] =	wrdreg s5  }
0xaa: {  	[dreg:$0x4] =	wrdreg $0xC0  }
0xab: {  	_ =	task [dreg:s7], $0x5FFFF  }
0xac: {  	[dreg:$0x1] =	wrdreg $0xFFFFFFFF  }
0xad: {  	[dreg:$0x0] =	wrdreg $0x60  }
0xae: {  	[dreg:$0x2] =	wrdreg s24  }
0xaf: {  	[dreg:$0x3] =	wrdreg s2  }
0xb0: {  	[dreg:$0x4] =	wrdreg $0x9  }
0xb1: {  	_ =	task.clear_ibuf [dreg:s7], $0x5FFFF;
	_ =	strace $0x90000046  }
0xb2: {  	s29 =	simm.s32 $0x9;
	_ =	strace $0x80000048  }
0xb3: {  	_ =	swait.ge [sflag:s29], $0x1  }
0xb4: {  	[sflag:s29] =	ssyncadd.s32 $0xFFFFFFFF  }
0xb5: {  	_ =	strace $0x90000048  }
0xb6: {  	_ =	sfence  }
0xb7: {  	s30 =	sld [smem:$0x0];
	_ =	sdelay $0x2  }
0xb8: {  	s31 =	sshll.u32 s1, $0xD;
	s1 =	sshrl.u32 s1, $0x2  }
0xb9: {  	s3 =	sand.u32 $0x4000, s31;
	s1 =	sadd.s32 s1, s30  }
0xba: {  	s0 =	sor.u32 s3, s0;
	s1 =	sshll.u32 s1, $0x11  }
0xbb: {  	s0 =	sor.u32 s1, s0  }
0xbc: {  	s0 =	sadd.s32 $0x8F2B, s0  }
0xbd: {  	[sflag:s0] =	ssyncadd.remote.s32 $0x1  }
0xbe: {  	_ =	sfence.sel $0xFFFF  }
0xbf: {  	[dreg:$0x0] =	wrdreg $0xFFFFFFFF;
	(pc) =	sbr.abs _section_cstart, $3  }
0xc0: {  	[dreg:$0x1] =	wrdreg $0xFFFFFFFF  }
0xc1: {  	_ =	task.clear_ibuf [dreg:s7], $0x2FFFF;
	_ =	strace $0x9FFFFFFF  }
0xc2: {  	(tm) =	ssettm $0x7FFFFFFF  }
0xc3: {  	_ =	shalt  }
tec
execute0_lowered:
.L_overlay_start_1:
0x0: {  	(tag) =	ssettag $0x1  }
0x1: {  	s0 =	rddreg [dreg:$0x0]  }
0x2: {  	s1 =	rddreg [dreg:$0x1];
	s2 =	srdreg.scid  }
0x3: {  	s7 =	stileid.u32;
	s4 =	simm.s32 $0x0;
	s30 =	simm.s32 $0x11400  }
0x4: {  	s31 =	simm.s32 $0x11C00;
	s13 =	simm.s32 $0x3;
	s14 =	simm.s32 $0x80  }
0x5: {  	s15 =	simm.s32 $0x36000;
	s2 =	sand.u32 $0x1, s2;
	s3 =	sshll.u32 s7, $0x1  }
0x6: {  	[smem:$0x7FF] =	sst s4;
	s7 =	sshrl.u32 s7, $0x2;
	s26 =	sadd.s32 $0xC500, s0  }
0x7: {  	s28 =	sadd.s32 $0xC600, s0;
	s23 =	sor.u32 s2, s3;
	_ =	strace $0x80000047  }
0x8: {  	s3 =	sadd.s32 $0xC400, s0;
	s2 =	ssub.s32 $0x2, s2;
	[dreg:$0x6] =	wrdreg s26  }
0x9: {  	s7 =	smul.u32 $0xD800, s7;
	[dreg:$0x7] =	wrdreg s28;
	s5 =	sshll.u32 s23, $0xA  }
0xa: {  	s6 =	sshll.u32 s23, $0x8;
	s8 =	sshrl.u32 s2, $0x1;
	s4 =	sshll.u32 s23, $0x7  }
0xb: {  	s5 =	sadd.s32 s5, s0;
	s6 =	sadd.s32 s6, s0;
	s0 =	sadd.s32 $0x13C00, s0  }
0xc: {  	s2 =	ssub.s32 s2, s8;
	s24 =	sadd.s32 $0x400, s6;
	[dreg:$0x8] =	wrdreg s0  }
0xd: {  	s4 =	sand.u32 $0x380, s4;
	s5 =	sadd.s32 $0x4400, s5;
	[dreg:$0x3] =	wrdreg s24  }
0xe: {  	s25 =	sadd.s32 $0x2400, s6;
	s4 =	sor.u32 s7, s4;
	[dreg:$0x4] =	wrdreg s5  }
0xf: {  	v2 =	vlaneseq.u32;
	s29 =	smax.u32 s2, $0x1;
	s0 =	simm.s32 $0x1;
	[dreg:$0x5] =	wrdreg s25  }
0x10: {  	vm0 =	vmmov $0xffff;
	vm1 =	vmmov $0xff;
	v1 =	vshrl.u32 v2, $0x3;
	s4 =	sshrl.u32 s4, $0x3;
	[dreg:$0x9] =	wrdreg s29;
	s5 =	simm.s32 $0x0  }
0x11: {  	v0 =	vand.u32 $0x7, v2;
	v2 =	vor.u32 $0x8, v2;
	v1 =	vmul.u32 $0x8, v1;
	s10 =	sadd.s32 s1, s4;
	s4 =	simm.s32 $0x4;
	s1 =	simm.s32 $0x2  }
.LBB2_1:
0x12: {  	[dreg:$0xa] =	wrdreg s5  }
0x13: {  	s5 =	simm.s32 $0x0;
	s2 =	rddreg [dreg:$0x3]  }
0x14: {  	[tilespmem:s5], [sflag:$0x4] =	stream.linear.gather [hbm4b:s2+s5], $0x600, $0x38;
	[tilespmem:$0x18C00] =	vst v63  }
0x15: {  	_ =	swait.ge [sflag:s4], $0x600  }
0x16: {  	[sflag:s4] =	ssyncset.done $0x0  }
0x17: {  	s6 =	simm.s32 $0x800;
	s16 =	rddreg [dreg:$0x4];
	[sflag:s4] =	ssyncadd.s32 $0xFFFFFA00  }
0x18: {  	[tilespmem:s6], [sflag:$0x4] =	stream.linear.gather [hbm4b:s16+s5], $0x2000, $0x38;
	[tilespmem:$0x18C00] =	vst v63  }
0x19: {  	_ =	swait.ge [sflag:s4], $0x2000  }
0x1a: {  	[sflag:s4] =	ssyncset.done $0x0  }
0x1b: {  	s18 =	simm.s32 $0x2800;
	s17 =	rddreg [dreg:$0x5];
	[sflag:s4] =	ssyncadd.s32 $0xFFFFE000  }
0x1c: {  	[tilespmem:s18], [sflag:$0x4] =	stream.linear.gather [hbm4b:s17+s5], $0x600, $0x38;
	[tilespmem:$0x18C00] =	vst v63  }
0x1d: {  	_ =	swait.ge [sflag:s4], $0x600  }
0x1e: {  	[sflag:s4] =	ssyncset.done $0x0  }
0x1f: {  	[sflag:s4] =	ssyncadd.s32 $0xFFFFFA00  }
0x20: {  	v3 =	vld [tilespmem:$0x0];
	_ =	sdelay $0x4  }
0x21: {  	v4 =	vshrl.u32 v3, $0x3  }
0x22: {  	v4 =	vmul.u32 $0x28, v4  }
0x23: {  	v3 =	vand.u32 $0x7, v3  }
0x24: {  	v3 =	vor.u32 v3, v4  }
0x25: {  	v4 =	vperm.xlane v3, v0;
	_ =	sdelay $0x1  }
0x26: {  	v4 =	vadd.s32 v1, v4;
	_ =	sdelay $0x3  }
0x27: {  	s19 =	simm.s32 $0x3000;
	v3 =	vperm.xlane v3, v2  }
0x28: {  	[tilespmem:s19], [sflag:$0x1] =	stream.indirect_vreg.gather [hbm4b:s3+s5], $0x80, v4, vm0, $0xb8;
	[tilespmem:$0x18C00] =	vst v63  }
0x29: {  	s21 =	simm.s32 $0x3800;
	s20 =	rddreg [dreg:$0x6];
	v3 =	vadd.s32 v1, v3  }
0x2a: {  	[tilespmem:s21], [sflag:$0x1] =	stream.indirect_vreg.gather [hbm4b:s20+s5], $0x80, v4, vm0, $0xb8;
	[tilespmem:$0x18C00] =	vst v63  }
0x2b: {  	s23 =	simm.s32 $0x4000;
	s22 =	rddreg [dreg:$0x7]  }
0x2c: {  	[tilespmem:s23], [sflag:$0x1] =	stream.indirect_vreg.gather [hbm4b:s22+s5], $0x80, v4, vm1, $0xb8;
	[tilespmem:$0x18C00] =	vst v63  }
0x2d: {  	s24 =	simm.s32 $0x4400  }
0x2e: {  	[tilespmem:s24], [sflag:$0x1] =	stream.indirect_vreg.gather [hbm4b:s3+s5], $0x80, v3, vm0, $0xb8;
	[tilespmem:$0x18C00] =	vst v63  }
0x2f: {  	s25 =	simm.s32 $0x4C00  }
0x30: {  	[tilespmem:s25], [sflag:$0x1] =	stream.indirect_vreg.gather [hbm4b:s20+s5], $0x80, v3, vm0, $0xb8;
	[tilespmem:$0x18C00] =	vst v63  }
0x31: {  	s26 =	simm.s32 $0x5400  }
0x32: {  	[tilespmem:s26], [sflag:$0x1] =	stream.indirect_vreg.gather [hbm4b:s22+s5], $0x80, v3, vm1, $0xb8;
	[tilespmem:$0x18C00] =	vst v63  }
0x33: {  	v3 =	vld [tilespmem:$0x10];
	_ =	sdelay $0x4  }
0x34: {  	v61 =	vshrl.u32 v3, $0x3  }
0x35: {  	v4 =	vmul.u32 $0x28, v61  }
0x36: {  	v3 =	vand.u32 $0x7, v3  }
0x37: {  	v3 =	vor.u32 v3, v4  }
0x38: {  	v4 =	vperm.xlane v3, v0;
	_ =	sdelay $0x1  }
0x39: {  	v4 =	vadd.s32 v1, v4;
	_ =	sdelay $0x3  }
0x3a: {  	s28 =	simm.s32 $0x5800;
	v3 =	vperm.xlane v3, v2  }
0x3b: {  	[tilespmem:s28], [sflag:$0x1] =	stream.indirect_vreg.gather [hbm4b:s3+s5], $0x80, v4, vm0, $0xb8;
	[tilespmem:$0x18C00] =	vst v63  }
0x3c: {  	s29 =	simm.s32 $0x6000;
	v3 =	vadd.s32 v1, v3  }
0x3d: {  	[tilespmem:s29], [sflag:$0x1] =	stream.indirect_vreg.gather [hbm4b:s20+s5], $0x80, v4, vm0, $0xb8;
	[tilespmem:$0x18C00] =	vst v63  }
0x3e: {  	s7 =	simm.s32 $0x6800  }
0x3f: {  	[tilespmem:s7], [sflag:$0x1] =	stream.indirect_vreg.gather [hbm4b:s22+s5], $0x80, v4, vm1, $0xb8;
	[tilespmem:$0x18C00] =	vst v63  }
0x40: {  	s8 =	simm.s32 $0x6C00  }
0x41: {  	[tilespmem:s8], [sflag:$0x1] =	stream.indirect_vreg.gather [hbm4b:s3+s5], $0x80, v3, vm0, $0xb8;
	[tilespmem:$0x18C00] =	vst v63  }
0x42: {  	s9 =	simm.s32 $0x7400  }
0x43: {  	[tilespmem:s9], [sflag:$0x1] =	stream.indirect_vreg.gather [hbm4b:s20+s5], $0x80, v3, vm0, $0xb8;
	[tilespmem:$0x18C00] =	vst v63  }
0x44: {  	s11 =	simm.s32 $0x7C00  }
0x45: {  	[tilespmem:s11], [sflag:$0x1] =	stream.indirect_vreg.gather [hbm4b:s22+s5], $0x80, v3, vm1, $0xb8;
	[tilespmem:$0x18C00] =	vst v63  }
0x46: {  	v3 =	vld [tilespmem:$0x0];
	_ =	sdelay $0x4  }
0x47: {  	v62 =	vshrl.u32 v3, $0x3  }
0x48: {  	v4 =	vmul.u32 $0x28, v62  }
0x49: {  	v3 =	vand.u32 $0x7, v3  }
0x4a: {  	v3 =	vor.u32 v3, v4  }
0x4b: {  	v4 =	vperm.xlane v3, v0;
	_ =	sdelay $0x1  }
0x4c: {  	v4 =	vadd.s32 v1, v4;
	_ =	sdelay $0x3  }
0x4d: {  	s16 =	simm.s32 $0x8000;
	s12 =	rddreg [dreg:$0x8];
	v3 =	vperm.xlane v3, v2  }
0x4e: {  	[tilespmem:s16], [sflag:$0x2] =	stream.indirect_vreg.gather [hbm4b:s12+s5], $0x80, v4, vm0, $0xb8;
	[tilespmem:$0x18C00] =	vst v63  }
0x4f: {  	s18 =	simm.s32 $0x8800;
	s17 =	sadd.s32 $0x100, s12;
	v3 =	vadd.s32 v1, v3  }
0x50: {  	[tilespmem:s18], [sflag:$0x2] =	stream.indirect_vreg.gather [hbm4b:s17+s5], $0x80, v4, vm0, $0xb8;
	[tilespmem:$0x18C00] =	vst v63  }
0x51: {  	s19 =	sadd.s32 $0x200, s12;
	s7 =	simm.s32 $0x9000  }
0x52: {  	[tilespmem:s7], [sflag:$0x2] =	stream.indirect_vreg.gather [hbm4b:s19+s5], $0x80, v4, vm1, $0xb8;
	[tilespmem:$0x18C00] =	vst v63  }
0x53: {  	s20 =	simm.s32 $0x9400  }
0x54: {  	[tilespmem:s20], [sflag:$0x2] =	stream.indirect_vreg.gather [hbm4b:s12+s5], $0x80, v3, vm0, $0xb8;
	[tilespmem:$0x18C00] =	vst v63  }
0x55: {  	s21 =	simm.s32 $0x9C00  }
0x56: {  	[tilespmem:s21], [sflag:$0x2] =	stream.indirect_vreg.gather [hbm4b:s17+s5], $0x80, v3, vm0, $0xb8;
	[tilespmem:$0x18C00] =	vst v63  }
0x57: {  	s22 =	simm.s32 $0xA400  }
0x58: {  	[tilespmem:s22], [sflag:$0x2] =	stream.indirect_vreg.gather [hbm4b:s19+s5], $0x80, v3, vm1, $0xb8;
	[tilespmem:$0x18C00] =	vst v63  }
0x59: {  	v3 =	vld [tilespmem:$0x10];
	_ =	sdelay $0x4  }
0x5a: {  	v63 =	vshrl.u32 v3, $0x3  }
0x5b: {  	v4 =	vmul.u32 $0x28, v63  }
0x5c: {  	v3 =	vand.u32 $0x7, v3  }
0x5d: {  	v3 =	vor.u32 v3, v4  }
0x5e: {  	v4 =	vperm.xlane v3, v0;
	_ =	sdelay $0x1  }
0x5f: {  	v4 =	vadd.s32 v1, v4;
	_ =	sdelay $0x3  }
0x60: {  	s23 =	simm.s32 $0xA800;
	v3 =	vperm.xlane v3, v2  }
0x61: {  	[tilespmem:s23], [sflag:$0x2] =	stream.indirect_vreg.gather [hbm4b:s12+s5], $0x80, v4, vm0, $0xb8;
	[tilespmem:$0x18C00] =	vst v63  }
0x62: {  	s24 =	simm.s32 $0xB000;
	v3 =	vadd.s32 v1, v3  }
0x63: {  	[tilespmem:s24], [sflag:$0x2] =	stream.indirect_vreg.gather [hbm4b:s17+s5], $0x80, v4, vm0, $0xb8;
	[tilespmem:$0x18C00] =	vst v63  }
0x64: {  	s25 =	simm.s32 $0xB800  }
0x65: {  	[tilespmem:s25], [sflag:$0x2] =	stream.indirect_vreg.gather [hbm4b:s19+s5], $0x80, v4, vm1, $0xb8;
	[tilespmem:$0x18C00] =	vst v63  }
0x66: {  	s26 =	simm.s32 $0xBC00  }
0x67: {  	[tilespmem:s26], [sflag:$0x2] =	stream.indirect_vreg.gather [hbm4b:s12+s5], $0x80, v3, vm0, $0xb8;
	[tilespmem:$0x18C00] =	vst v63  }
0x68: {  	s28 =	simm.s32 $0xC400  }
0x69: {  	[tilespmem:s28], [sflag:$0x2] =	stream.indirect_vreg.gather [hbm4b:s17+s5], $0x80, v3, vm0, $0xb8;
	[tilespmem:$0x18C00] =	vst v63  }
0x6a: {  	s4 =	simm.s32 $0x0;
	s29 =	simm.s32 $0xCC00  }
0x6b: {  	[tilespmem:s29], [sflag:$0x2] =	stream.indirect_vreg.gather [hbm4b:s19+s5], $0x80, v3, vm1, $0xb8;
	[tilespmem:$0x18C00] =	vst v63  }
0x6c: {  	s18 =	simm.s32 $0x1;
	s17 =	simm.s32 $0x2;
	s5 =	simm.s32 $0x0  }
.LBB2_2:
0x6d: {  	s8 =	smul.u32 $0x3, s5;
	_ =	sdelay $0x1  }
0x6e: {  	s12 =	sadd.s32 $0x2, s8  }
0x6f: {  	s7 =	sshll.u32 s12, $0x5  }
0x70: {  	s2 =	sand.u32 $0xF80, s7  }
0x71: {  	v3 =	vld [tilespmem:s2+$0x0];
	_ =	sdelay $0x4  }
0x72: {  	v4 =	vshrl.u32 v3, $0x3  }
0x73: {  	v4 =	vmul.u32 $0x28, v4  }
0x74: {  	v3 =	vand.u32 $0x7, v3  }
0x75: {  	v3 =	vor.u32 v3, v4  }
0x76: {  	v4 =	vperm.xlane v3, v0;
	_ =	sdelay $0x1  }
0x77: {  	v4 =	vadd.s32 v1, v4  }
0x78: {  	s6 =	sand.u32 $0x3, s12  }
0x79: {  	s6 =	smul.u32 $0x7800, s6;
	_ =	sdelay $0x1  }
0x7a: {  	s11 =	simm.s32 $0xD000;
	s9 =	sadd.s32 s3, s6;
	s6 =	simm.s32 $0x0;
	v3 =	vperm.xlane v3, v2  }
0x7b: {  	[tilespmem:s11], [sflag:$0x3] =	stream.indirect_vreg.gather [hbm4b:s9+s6], $0x80, v4, vm0, $0xb8;
	[tilespmem:$0x18C00] =	vst v63  }
0x7c: {  	s16 =	simm.s32 $0xD800;
	s23 =	sadd.s32 $0x100, s9;
	v3 =	vadd.s32 v1, v3  }
0x7d: {  	[tilespmem:s16], [sflag:$0x3] =	stream.indirect_vreg.gather [hbm4b:s23+s6], $0x80, v4, vm0, $0xb8;
	[tilespmem:$0x18C00] =	vst v63  }
0x7e: {  	s19 =	simm.s32 $0xE000;
	s24 =	sadd.s32 $0x200, s9  }
0x7f: {  	[tilespmem:s19], [sflag:$0x3] =	stream.indirect_vreg.gather [hbm4b:s24+s6], $0x80, v4, vm1, $0xb8;
	[tilespmem:$0x18C00] =	vst v63  }
0x80: {  	s25 =	simm.s32 $0xE400  }
0x81: {  	[tilespmem:s25], [sflag:$0x3] =	stream.indirect_vreg.gather [hbm4b:s9+s6], $0x80, v3, vm0, $0xb8;
	[tilespmem:$0x18C00] =	vst v63  }
0x82: {  	s26 =	simm.s32 $0xEC00  }
0x83: {  	[tilespmem:s26], [sflag:$0x3] =	stream.indirect_vreg.gather [hbm4b:s23+s6], $0x80, v3, vm0, $0xb8;
	[tilespmem:$0x18C00] =	vst v63  }
0x84: {  	s28 =	simm.s32 $0xF400  }
0x85: {  	[tilespmem:s28], [sflag:$0x3] =	stream.indirect_vreg.gather [hbm4b:s24+s6], $0x80, v3, vm1, $0xb8;
	[tilespmem:$0x18C00] =	vst v63  }
0x86: {  	v3 =	vld [tilespmem:s2+$0x10];
	_ =	sdelay $0x4  }
0x87: {  	v4 =	vshrl.u32 v3, $0x3  }
0x88: {  	v4 =	vmul.u32 $0x28, v4  }
0x89: {  	v3 =	vand.u32 $0x7, v3  }
0x8a: {  	v3 =	vor.u32 v3, v4  }
0x8b: {  	v4 =	vperm.xlane v3, v0;
	_ =	sdelay $0x1  }
0x8c: {  	v4 =	vadd.s32 v1, v4;
	_ =	sdelay $0x3  }
0x8d: {  	s29 =	simm.s32 $0xF800;
	v3 =	vperm.xlane v3, v2  }
0x8e: {  	[tilespmem:s29], [sflag:$0x3] =	stream.indirect_vreg.gather [hbm4b:s9+s6], $0x80, v4, vm0, $0xb8;
	[tilespmem:$0x18C00] =	vst v63  }
0x8f: {  	s19 =	simm.s32 $0x10000;
	v3 =	vadd.s32 v1, v3  }
0x90: {  	[tilespmem:s19], [sflag:$0x3] =	stream.indirect_vreg.gather [hbm4b:s23+s6], $0x80, v4, vm0, $0xb8;
	[tilespmem:$0x18C00] =	vst v63  }
0x91: {  	s20 =	simm.s32 $0x10800  }
0x92: {  	[tilespmem:s20], [sflag:$0x3] =	stream.indirect_vreg.gather [hbm4b:s24+s6], $0x80, v4, vm1, $0xb8;
	[tilespmem:$0x18C00] =	vst v63  }
0x93: {  	s21 =	simm.s32 $0x10C00  }
0x94: {  	[tilespmem:s21], [sflag:$0x3] =	stream.indirect_vreg.gather [hbm4b:s9+s6], $0x80, v3, vm0, $0xb8;
	[tilespmem:$0x18C00] =	vst v63  }
0x95: {  	_ = 	snop  }
0x96: {  	[tilespmem:s30], [sflag:$0x3] =	stream.indirect_vreg.gather [hbm4b:s23+s6], $0x80, v3, vm0, $0xb8;
	[tilespmem:$0x18C00] =	vst v63  }
0x97: {  	_ = 	snop  }
0x98: {  	[tilespmem:s31], [sflag:$0x3] =	stream.indirect_vreg.gather [hbm4b:s24+s6], $0x80, v3, vm1, $0xb8;
	[tilespmem:$0x18C00] =	vst v63  }
0x99: {  	s22 =	sshll.u32 s8, $0x7;
	s23 =	sshll.u32 s8, $0x5;
	_ =	swait.ge [sflag:s0], $0x5000  }
0x9a: {  	s9 =	sand.u32 $0x1000, s22;
	s24 =	sand.u32 $0x380, s23;
	[sflag:s0] =	ssyncset.done $0x0  }
0x9b: {  	s9 =	sor.u32 s24, s9;
	[sflag:s0] =	ssyncadd.s32 $0xFFFFB000  }
0x9c: {  	v11 =	vld [tilespmem:s9+$0x800]  }
0x9d: {  	v12 =	vld [tilespmem:s9+$0x810]  }
0x9e: {  	v13 =	vld [tilespmem:s9+$0x820]  }
0x9f: {  	v14 =	vld [tilespmem:s9+$0x830]  }
0xa0: {  	v15 =	vld [tilespmem:s9+$0x840]  }
0xa1: {  	v18 =	vld [tilespmem:s9+$0x850]  }
0xa2: {  	v16 =	vld [tilespmem:s9+$0x860]  }
0xa3: {  	v17 =	vld [tilespmem:s9+$0x870]  }
0xa4: {  	v10 =	vld [tilespmem:s9+$0xC00]  }
0xa5: {  	v9 =	vld [tilespmem:s9+$0xC10]  }
0xa6: {  	v7 =	vld [tilespmem:s9+$0xC20]  }
0xa7: {  	v8 =	vld [tilespmem:s9+$0xC30]  }
0xa8: {  	v3 =	vld [tilespmem:s9+$0xC40]  }
0xa9: {  	v4 =	vld [tilespmem:s9+$0xC50]  }
0xaa: {  	v5 =	vld [tilespmem:s9+$0xC60]  }
0xab: {  	v19 =	vld [tilespmem:s9+$0x1000]  }
0xac: {  	v20 =	vld [tilespmem:s9+$0x1010]  }
0xad: {  	v21 =	vld [tilespmem:s9+$0x1020]  }
0xae: {  	v22 =	vld [tilespmem:s9+$0x1030]  }
0xaf: {  	v23 =	vld [tilespmem:s9+$0x1040]  }
0xb0: {  	v24 =	vld [tilespmem:s9+$0x1050]  }
0xb1: {  	v27 =	vld [tilespmem:s9+$0x1400]  }
0xb2: {  	v28 =	vld [tilespmem:s9+$0x1410]  }
0xb3: {  	v29 =	vld [tilespmem:s9+$0x1420]  }
0xb4: {  	v30 =	vld [tilespmem:s9+$0x1430]  }
0xb5: {  	v31 =	vld [tilespmem:s9+$0x1440]  }
0xb6: {  	v32 =	vld [tilespmem:s9+$0x1450]  }
0xb7: {  	s25 =	sand.u32 $0x70, s6;
	s26 =	sand.u32 $0x1C00, s6;
	v33 =	vld [tilespmem:s9+$0x1460]  }
0xb8: {  	s28 =	sor.u32 s25, s26;
	v34 =	vld [tilespmem:s9+$0x1470]  }
0xb9: {  	v35 =	vld [tilespmem:s28+$0x6C00]  }
0xba: {  	v36 =	vld [tilespmem:s28+$0x6C80]  }
0xbb: {  	v37 =	vld [tilespmem:s28+$0x6D00]  }
0xbc: {  	v38 =	vld [tilespmem:s28+$0x6D80]  }
0xbd: {  	v39 =	vld [tilespmem:s28+$0x6E00]  }
0xbe: {  	v40 =	vld [tilespmem:s28+$0x6E80]  }
0xbf: {  	v41 =	vld [tilespmem:s28+$0x6F00]  }
0xc0: {  	v42 =	vld [tilespmem:s28+$0x6F80]  }
0xc1: {  	v43 =	vld [tilespmem:s28+$0x5800]  }
0xc2: {  	v44 =	vld [tilespmem:s28+$0x5880]  }
0xc3: {  	v45 =	vld [tilespmem:s28+$0x5900]  }
0xc4: {  	v46 =	vld [tilespmem:s28+$0x5980]  }
0xc5: {  	v47 =	vld [tilespmem:s28+$0x5A00]  }
0xc6: {  	v48 =	vld [tilespmem:s28+$0x5A80];
	v35 =	vsub.f32 v35, v27;
	v36 =	vsub.f32 v36, v28  }
0xc7: {  	v62 =	vld [tilespmem:s28+$0x3100];
	v37 =	vsub.f32 v37, v29;
	v38 =	vsub.f32 v38, v30  }
0xc8: {  	v53 =	vld [tilespmem:s28+$0x3300];
	v39 =	vsub.f32 v39, v31;
	v40 =	vsub.f32 v40, v32  }
0xc9: {  	v6 =	vld [tilespmem:s9+$0xC70];
	v60 =	vsub.f32 v41, v33;
	v61 =	vsub.f32 v42, v34  }
0xca: {  	v25 =	vld [tilespmem:s9+$0x1060];
	v43 =	vsub.f32 v43, v19;
	v44 =	vsub.f32 v44, v20  }
0xcb: {  	v26 =	vld [tilespmem:s9+$0x1070];
	v45 =	vsub.f32 v45, v21;
	v46 =	vsub.f32 v46, v22  }
0xcc: {  	v50 =	vld [tilespmem:s28+$0x5B80];
	v47 =	vsub.f32 v47, v23;
	v48 =	vsub.f32 v48, v24  }
0xcd: {  	v63 =	vld [tilespmem:s28+$0x3180];
	v42 =	vsub.f32 v62, v13;
	v53 =	vsub.f32 v53, v16;
	v35 =	vand.u32 $0x7FFFFFFF, v35  }
0xce: {  	v49 =	vld [tilespmem:s28+$0x5B00];
	v36 =	vand.u32 $0x7FFFFFFF, v36;
	v37 =	vand.u32 $0x7FFFFFFF, v37;
	v38 =	vand.u32 $0x7FFFFFFF, v38  }
0xcf: {  	v51 =	vld [tilespmem:s28+$0x3200];
	v58 =	vand.u32 $0x7FFFFFFF, v39;
	v59 =	vand.u32 $0x7FFFFFFF, v40;
	v40 =	vand.u32 $0x7FFFFFFF, v60  }
0xd0: {  	v52 =	vld [tilespmem:s28+$0x3280];
	v43 =	vand.u32 $0x7FFFFFFF, v43;
	v44 =	vand.u32 $0x7FFFFFFF, v44;
	v41 =	vand.u32 $0x7FFFFFFF, v61  }
0xd1: {  	v62 =	vld [tilespmem:s28+$0x4580];
	v45 =	vand.u32 $0x7FFFFFFF, v45;
	v46 =	vand.u32 $0x7FFFFFFF, v46;
	v60 =	vsub.f32 v50, v26  }
0xd2: {  	s6 =	sor.u32 s6, s6;
	v61 =	vld [tilespmem:s28+$0x4500];
	v39 =	vsub.f32 v63, v14;
	v42 =	vand.u32 $0x7FFFFFFF, v42;
	v53 =	vand.u32 $0x7FFFFFFF, v53  }
0xd3: {  	s6 =	sor.u32 $0x380, s6;
	v35 =	vmax.f32 v35, v36;
	v57 =	vmax.f32 v37, v38;
	v37 =	vld [tilespmem:s28+$0x3000];
	v38 =	vmax.f32 v58, v59  }
0xd4: {  	v43 =	vmax.f32 v43, v44;
	v56 =	vmax.f32 v45, v46;
	v45 =	vld [tilespmem:s6+$0x3000];
	v40 =	vmax.f32 v40, v41  }
0xd5: {  	v41 =	vld [tilespmem:s28+$0x4400];
	v58 =	vand.u32 $0x7FFFFFFF, v48;
	v59 =	vsub.f32 v49, v25;
	v36 =	vmax.f32 v35, v57  }
0xd6: {  	v49 =	vld [tilespmem:s28+$0x4480];
	v57 =	vand.u32 $0x7FFFFFFF, v47;
	v43 =	vmax.f32 v43, v56;
	v48 =	vand.u32 $0x7FFFFFFF, v60  }
0xd7: {  	v35 =	vld [tilespmem:s28+$0x3080];
	v39 =	vand.u32 $0x7FFFFFFF, v39;
	v56 =	vsub.f32 v51, v15;
	v44 =	vmax.f32 v57, v58  }
0xd8: {  	v63 =	vld [tilespmem:s28+$0x4600];
	v47 =	vand.u32 $0x7FFFFFFF, v59;
	v57 =	vsub.f32 v52, v18;
	v39 =	vmax.f32 v42, v39  }
0xd9: {  	v58 =	vld [tilespmem:s28+$0x4680];
	v50 =	vsub.f32 v62, v8;
	v47 =	vmax.f32 v47, v48;
	v48 =	vand.u32 $0x7FFFFFFF, v56  }
0xda: {  	v59 =	vld [tilespmem:s28+$0x4700];
	v51 =	vand.u32 $0x7FFFFFFF, v57;
	v46 =	vsub.f32 v61, v7;
	v37 =	vsub.f32 v37, v11  }
0xdb: {  	v60 =	vld [tilespmem:s28+$0x4780];
	v62 =	vand.u32 $0x7FFFFFFF, v50;
	v45 =	vsub.f32 v45, v17;
	v41 =	vsub.f32 v41, v10  }
0xdc: {  	v48 =	vmax.f32 v48, v51;
	v49 =	vsub.f32 v49, v9;
	v35 =	vsub.f32 v35, v12  }
0xdd: {  	v46 =	vand.u32 $0x7FFFFFFF, v46;
	v37 =	vand.u32 $0x7FFFFFFF, v37;
	v45 =	vand.u32 $0x7FFFFFFF, v45  }
0xde: {  	v41 =	vand.u32 $0x7FFFFFFF, v41;
	v49 =	vand.u32 $0x7FFFFFFF, v49;
	v35 =	vand.u32 $0x7FFFFFFF, v35  }
0xdf: {  	v61 =	vsub.f32 v58, v4;
	v42 =	vsub.f32 v59, v5;
	v35 =	vmax.f32 v37, v35  }
0xe0: {  	v37 =	vsub.f32 v63, v3;
	v39 =	vmax.f32 v35, v39;
	v35 =	vsub.f32 v60, v6  }
0xe1: {  	v46 =	vmax.f32 v46, v62;
	v45 =	vmax.f32 v53, v45;
	v63 =	vand.u32 $0x7FFFFFFF, v61  }
0xe2: {  	v42 =	vand.u32 $0x7FFFFFFF, v42;
	v37 =	vand.u32 $0x7FFFFFFF, v37;
	v35 =	vand.u32 $0x7FFFFFFF, v35  }
0xe3: {  	s29 =	sshrl.u32 s4, $0x2;
	s2 =	sand.u32 $0x3FFFFF80, s23;
	v41 =	vmax.f32 v41, v49;
	v37 =	vmax.f32 v37, v63;
	v42 =	vmax.f32 v42, v35  }
0xe4: {  	s19 =	smul.u32 $0x900, s29;
	v45 =	vmax.f32 v48, v45;
	v41 =	vmax.f32 v41, v46;
	v35 =	vld [tilespmem:s2+$0x2800];
	v37 =	vmax.f32 v37, v42  }
0xe5: {  	s9 =	smul.u32 $0x180, s5;
	v51 =	vmax.f32 v44, v47;
	v39 =	vmax.f32 v39, v45;
	v37 =	vmax.f32 v41, v37  }
0xe6: {  	s21 =	smul.u32 $0x240, s29;
	v38 =	vmax.f32 v38, v40;
	v52 =	vmax.f32 v43, v51;
	v37 =	vmax.f32 v39, v37  }
0xe7: {  	s22 =	simm.s32 $0x10;
	s11 =	sand.u32 $0x180, s9;
	v36 =	vmax.f32 v36, v38;
	v37 =	vmax.f32 v37, v52  }
0xe8: {  	s16 =	sadd.s32 $0x0, s21;
	s23 =	sand.u32 $0x7FFFFE00, s19;
	s20 =	sor.u32 $0x12000, s11;
	v36 =	vmax.f32 v37, v36  }
0xe9: {  	s6 =	sadd.s32 s23, s20;
	s23 =	simm.s32 $0x80;
	s2 =	sand.u32 $0x70, s16;
	v36 =	vadd.f32 v36, v35  }
0xea: {  	s24 =	sand.u32 $0x70, s22;
	s25 =	sand.u32 $0x1C00, s23;
	s2 =	sadd.s32 s2, s6  }
0xeb: {  	s24 =	sor.u32 s24, s25;
	[tilespmem:s2+$0x0] =	vst v36  }
0xec: {  	v36 =	vld [tilespmem:s24+$0x6C00]  }
0xed: {  	v53 =	vld [tilespmem:s24+$0x6C80]  }
0xee: {  	v54 =	vld [tilespmem:s24+$0x6D00]  }
0xef: {  	v55 =	vld [tilespmem:s24+$0x6D80]  }
0xf0: {  	v56 =	vld [tilespmem:s24+$0x6E00]  }
0xf1: {  	v57 =	vld [tilespmem:s24+$0x6E80]  }
0xf2: {  	v58 =	vld [tilespmem:s24+$0x6F00]  }
0xf3: {  	v59 =	vld [tilespmem:s24+$0x6F80]  }
0xf4: {  	v60 =	vld [tilespmem:s24+$0x5800]  }
0xf5: {  	v61 =	vld [tilespmem:s24+$0x5880]  }
0xf6: {  	v62 =	vld [tilespmem:s24+$0x5900];
	v36 =	vsub.f32 v36, v27  }
0xf7: {  	v47 =	vld [tilespmem:s24+$0x5980];
	v37 =	vsub.f32 v53, v28;
	v38 =	vsub.f32 v54, v29  }
0xf8: {  	v48 =	vld [tilespmem:s24+$0x5A00];
	v39 =	vsub.f32 v55, v30;
	v40 =	vsub.f32 v56, v31  }
0xf9: {  	v49 =	vld [tilespmem:s24+$0x5A80];
	v41 =	vsub.f32 v57, v32;
	v58 =	vsub.f32 v58, v33  }
0xfa: {  	v50 =	vld [tilespmem:s24+$0x5B00];
	v59 =	vsub.f32 v59, v34;
	v60 =	vsub.f32 v60, v19  }
0xfb: {  	v51 =	vld [tilespmem:s24+$0x5B80];
	v61 =	vsub.f32 v61, v20;
	v62 =	vsub.f32 v62, v21  }
0xfc: {  	v52 =	vld [tilespmem:s24+$0x3000];
	v36 =	vand.u32 $0x7FFFFFFF, v36;
	v37 =	vand.u32 $0x7FFFFFFF, v37;
	v38 =	vand.u32 $0x7FFFFFFF, v38  }
0xfd: {  	v43 =	vld [tilespmem:s24+$0x3300];
	v39 =	vand.u32 $0x7FFFFFFF, v39;
	v56 =	vand.u32 $0x7FFFFFFF, v40;
	v57 =	vand.u32 $0x7FFFFFFF, v41  }
0xfe: {  	v53 =	vld [tilespmem:s24+$0x3100];
	v42 =	vand.u32 $0x7FFFFFFF, v60;
	v45 =	vand.u32 $0x7FFFFFFF, v61;
	v41 =	vand.u32 $0x7FFFFFFF, v59  }
0xff: {  	v54 =	vld [tilespmem:s24+$0x3180];
	v59 =	vsub.f32 v49, v24;
	v36 =	vmax.f32 v36, v37;
	v63 =	vmax.f32 v38, v39  }
0x100: {  	s26 =	sor.u32 s23, s22;
	v55 =	vld [tilespmem:s24+$0x3200];
	v37 =	vmax.f32 v56, v57;
	v39 =	vand.u32 $0x7FFFFFFF, v58;
	v38 =	vand.u32 $0x7FFFFFFF, v62  }
0x101: {  	s2 =	sor.u32 $0x380, s26;
	v40 =	vld [tilespmem:s24+$0x3080];
	v58 =	vsub.f32 v48, v23;
	v42 =	vmax.f32 v42, v45;
	v62 =	vsub.f32 v50, v25  }
0x102: {  	v46 =	vld [tilespmem:s2+$0x3000];
	v57 =	vsub.f32 v52, v11;
	v36 =	vmax.f32 v36, v63;
	v63 =	vsub.f32 v47, v22  }
0x103: {  	v49 =	vld [tilespmem:s24+$0x4680];
	v39 =	vmax.f32 v39, v41;
	v61 =	vand.u32 $0x7FFFFFFF, v59;
	v60 =	vand.u32 $0x7FFFFFFF, v58  }
0x104: {  	v56 =	vld [tilespmem:s24+$0x3280];
	v59 =	vsub.f32 v53, v13;
	v54 =	vsub.f32 v54, v14;
	v44 =	vand.u32 $0x7FFFFFFF, v63  }
0x105: {  	s28 =	sshrl.u32 s17, $0x2;
	v45 =	vld [tilespmem:s24+$0x4500];
	v52 =	vsub.f32 v55, v15;
	v63 =	vsub.f32 v51, v26;
	v38 =	vmax.f32 v38, v44  }
0x106: {  	s29 =	sshrl.u32 s18, $0x2;
	s11 =	smul.u32 $0x240, s28;
	v48 =	vld [tilespmem:s24+$0x4600];
	v58 =	vsub.f32 v40, v12;
	v40 =	vmax.f32 v60, v61;
	v60 =	vand.u32 $0x7FFFFFFF, v62  }
0x107: {  	s16 =	smul.u32 $0x900, s29;
	v62 =	vand.u32 $0x7FFFFFFF, v57;
	v51 =	vand.u32 $0x7FFFFFFF, v59;
	v38 =	vmax.f32 v42, v38;
	v42 =	vld [tilespmem:s24+$0x4400]  }
0x108: {  	s6 =	smul.u32 $0x900, s28;
	v44 =	vld [tilespmem:s24+$0x4480];
	v54 =	vand.u32 $0x7FFFFFFF, v54;
	v61 =	vand.u32 $0x7FFFFFFF, v63;
	v63 =	vand.u32 $0x7FFFFFFF, v58  }
0x109: {  	s12 =	sshll.u32 s12, $0x7;
	s25 =	simm.s32 $0x20;
	s2 =	smul.u32 $0x240, s29;
	v47 =	vld [tilespmem:s24+$0x4580];
	v53 =	vsub.f32 v56, v18;
	v41 =	vmax.f32 v60, v61;
	v50 =	vmax.f32 v62, v63  }
.LBB2_3:
0x10a: {  	p0 =	sne.s32 s25, $0x230;
	v43 =	vsub.f32 v43, v16;
	v46 =	vsub.f32 v46, v17;
	v51 =	vmax.f32 v51, v54;
	v54 =	vld [tilespmem:s24+$0x4700]  }
0x10b: {  	v52 =	vand.u32 $0x7FFFFFFF, v52;
	v53 =	vand.u32 $0x7FFFFFFF, v53;
	v50 =	vmax.f32 v50, v51;
	v51 =	vld [tilespmem:s24+$0x4780]  }
0x10c: {  	v42 =	vsub.f32 v42, v10;
	v43 =	vand.u32 $0x7FFFFFFF, v43;
	v46 =	vand.u32 $0x7FFFFFFF, v46  }
0x10d: {  	v44 =	vsub.f32 v44, v9;
	v52 =	vmax.f32 v52, v53;
	v43 =	vmax.f32 v43, v46  }
0x10e: {  	v45 =	vsub.f32 v45, v7;
	v42 =	vand.u32 $0x7FFFFFFF, v42;
	v46 =	vsub.f32 v47, v8  }
0x10f: {  	v44 =	vand.u32 $0x7FFFFFFF, v44;
	v47 =	vsub.f32 v48, v3;
	v48 =	vsub.f32 v49, v4  }
0x110: {  	v42 =	vmax.f32 v42, v44;
	v49 =	vsub.f32 v54, v5;
	v51 =	vsub.f32 v51, v6  }
0x111: {  	v44 =	vand.u32 $0x7FFFFFFF, v45;
	v45 =	vand.u32 $0x7FFFFFFF, v46;
	v46 =	vand.u32 $0x7FFFFFFF, v47  }
0x112: {  	v47 =	vand.u32 $0x7FFFFFFF, v48;
	v48 =	vand.u32 $0x7FFFFFFF, v49;
	v49 =	vand.u32 $0x7FFFFFFF, v51  }
0x113: {  	v44 =	vmax.f32 v44, v45;
	v45 =	vmax.f32 v46, v47;
	v46 =	vmax.f32 v48, v49  }
0x114: {  	v43 =	vmax.f32 v52, v43;
	v42 =	vmax.f32 v42, v44;
	v44 =	vmax.f32 v45, v46  }
0x115: {  	v40 =	vmax.f32 v40, v41;
	v43 =	vmax.f32 v50, v43;
	v42 =	vmax.f32 v42, v44  }
0x116: {  	v37 =	vmax.f32 v37, v39;
	v38 =	vmax.f32 v38, v40;
	v41 =	vmax.f32 v43, v42  }
0x117: {  	s19 =	sadd.s32 $0x40, s19;
	v36 =	vmax.f32 v36, v37;
	v38 =	vmax.f32 v41, v38  }
0x118: {  	s24 =	sadd.s32 s22, s21;
	s26 =	sand.u32 $0x7FFFFE00, s19;
	s22 =	smov.u32 s25;
	v36 =	vmax.f32 v38, v36  }
0x119: {  	s23 =	sadd.s32 $0x80, s23;
	s24 =	sand.u32 $0x70, s24;
	s26 =	sadd.s32 s26, s20;
	v36 =	vadd.f32 v36, v35  }
0x11a: {  	s28 =	sand.u32 $0x70, s25;
	s29 =	sand.u32 $0x1C00, s23;
	s26 =	sadd.s32 s24, s26  }
0x11b: {  	s24 =	sor.u32 s28, s29;
	[tilespmem:s26+$0x0] =	vst v36  }
0x11c: {  	v36 =	vld [tilespmem:s24+$0x6C00]  }
0x11d: {  	v37 =	vld [tilespmem:s24+$0x6C80]  }
0x11e: {  	v38 =	vld [tilespmem:s24+$0x6D00]  }
0x11f: {  	v39 =	vld [tilespmem:s24+$0x6D80]  }
0x120: {  	v40 =	vld [tilespmem:s24+$0x6E00]  }
0x121: {  	v41 =	vld [tilespmem:s24+$0x6E80]  }
0x122: {  	v42 =	vld [tilespmem:s24+$0x6F00]  }
0x123: {  	v43 =	vld [tilespmem:s24+$0x6F80]  }
0x124: {  	v44 =	vld [tilespmem:s24+$0x5800]  }
0x125: {  	v45 =	vld [tilespmem:s24+$0x5880]  }
0x126: {  	v46 =	vld [tilespmem:s24+$0x5900]  }
0x127: {  	v36 =	vsub.f32 v36, v27;
	v37 =	vsub.f32 v37, v28;
	v47 =	vld [tilespmem:s24+$0x5980]  }
0x128: {  	v38 =	vsub.f32 v38, v29;
	v39 =	vsub.f32 v39, v30;
	v48 =	vld [tilespmem:s24+$0x5A00]  }
0x129: {  	v36 =	vand.u32 $0x7FFFFFFF, v36;
	v37 =	vand.u32 $0x7FFFFFFF, v37;
	v49 =	vld [tilespmem:s24+$0x5A80]  }
0x12a: {  	v38 =	vand.u32 $0x7FFFFFFF, v38;
	v40 =	vsub.f32 v40, v31;
	v39 =	vand.u32 $0x7FFFFFFF, v39;
	v50 =	vld [tilespmem:s24+$0x5B00]  }
0x12b: {  	v36 =	vmax.f32 v36, v37;
	v41 =	vsub.f32 v41, v32;
	v37 =	vmax.f32 v38, v39;
	v51 =	vld [tilespmem:s24+$0x5B80]  }
0x12c: {  	v38 =	vand.u32 $0x7FFFFFFF, v40;
	v36 =	vmax.f32 v36, v37;
	v52 =	vld [tilespmem:s24+$0x3000]  }
0x12d: {  	v39 =	vsub.f32 v42, v33;
	v37 =	vand.u32 $0x7FFFFFFF, v41;
	v41 =	vsub.f32 v43, v34;
	v40 =	vld [tilespmem:s24+$0x3080]  }
0x12e: {  	v42 =	vsub.f32 v44, v19;
	v37 =	vmax.f32 v38, v37;
	v43 =	vsub.f32 v45, v20;
	v53 =	vld [tilespmem:s24+$0x3100]  }
0x12f: {  	v39 =	vand.u32 $0x7FFFFFFF, v39;
	v38 =	vsub.f32 v46, v21;
	v44 =	vsub.f32 v47, v22;
	v54 =	vld [tilespmem:s24+$0x3180]  }
0x130: {  	v41 =	vand.u32 $0x7FFFFFFF, v41;
	v42 =	vand.u32 $0x7FFFFFFF, v42;
	v45 =	vand.u32 $0x7FFFFFFF, v43;
	v55 =	vld [tilespmem:s24+$0x3200]  }
0x131: {  	s26 =	sor.u32 s23, s25;
	v38 =	vand.u32 $0x7FFFFFFF, v38;
	v47 =	vsub.f32 v48, v23;
	v44 =	vand.u32 $0x7FFFFFFF, v44;
	v56 =	vld [tilespmem:s24+$0x3280]  }
0x132: {  	s26 =	sor.u32 $0x380, s26;
	v42 =	vmax.f32 v42, v45;
	v48 =	vsub.f32 v49, v24;
	v38 =	vmax.f32 v38, v44;
	v43 =	vld [tilespmem:s24+$0x3300]  }
0x133: {  	v39 =	vmax.f32 v39, v41;
	v45 =	vand.u32 $0x7FFFFFFF, v47;
	v38 =	vmax.f32 v42, v38;
	v46 =	vld [tilespmem:s26+$0x3000]  }
0x134: {  	v47 =	vsub.f32 v50, v25;
	v41 =	vand.u32 $0x7FFFFFFF, v48;
	v48 =	vsub.f32 v51, v26;
	v42 =	vld [tilespmem:s24+$0x4400]  }
.Ltmp0:
0x135: {  	v49 =	vsub.f32 v52, v11;
	v50 =	vsub.f32 v40, v12;
	v40 =	vmax.f32 v45, v41;
	v44 =	vld [tilespmem:s24+$0x4480];
	(pc) =	sbr.rel @p0 .LBB2_3-.Ltmp0, $4  }
0x136: {  	v52 =	vand.u32 $0x7FFFFFFF, v47;
	v41 =	vsub.f32 v53, v13;
	v53 =	vand.u32 $0x7FFFFFFF, v48;
	v45 =	vld [tilespmem:s24+$0x4500]  }
0x137: {  	v48 =	vand.u32 $0x7FFFFFFF, v49;
	v49 =	vand.u32 $0x7FFFFFFF, v50;
	v54 =	vsub.f32 v54, v14;
	v47 =	vld [tilespmem:s24+$0x4580]  }
0x138: {  	v51 =	vand.u32 $0x7FFFFFFF, v41;
	v50 =	vmax.f32 v48, v49;
	v41 =	vmax.f32 v52, v53;
	v48 =	vld [tilespmem:s24+$0x4600]  }
0x139: {  	s25 =	sadd.s32 $0x10, s25;
	v52 =	vsub.f32 v55, v15;
	v54 =	vand.u32 $0x7FFFFFFF, v54;
	v53 =	vsub.f32 v56, v18;
	v49 =	vld [tilespmem:s24+$0x4680]  }
0x13a: {  	v11 =	vsub.f32 v43, v16;
	v12 =	vsub.f32 v46, v17;
	v13 =	vmax.f32 v51, v54;
	v14 =	vld [tilespmem:s24+$0x4700]  }
0x13b: {  	v17 =	vld [tilespmem:s24+$0x4780];
	v10 =	vsub.f32 v42, v10;
	v9 =	vsub.f32 v44, v9;
	v15 =	vand.u32 $0x7FFFFFFF, v52  }
0x13c: {  	v16 =	vand.u32 $0x7FFFFFFF, v53;
	v13 =	vmax.f32 v50, v13;
	v7 =	vsub.f32 v45, v7  }
0x13d: {  	v11 =	vand.u32 $0x7FFFFFFF, v11;
	v12 =	vand.u32 $0x7FFFFFFF, v12;
	v15 =	vmax.f32 v15, v16  }
0x13e: {  	v10 =	vand.u32 $0x7FFFFFFF, v10;
	v8 =	vsub.f32 v47, v8;
	v9 =	vand.u32 $0x7FFFFFFF, v9  }
0x13f: {  	v11 =	vmax.f32 v11, v12;
	v3 =	vsub.f32 v48, v3;
	v4 =	vsub.f32 v49, v4  }
0x140: {  	v9 =	vmax.f32 v10, v9;
	v5 =	vsub.f32 v14, v5;
	v6 =	vsub.f32 v17, v6  }
0x141: {  	v7 =	vand.u32 $0x7FFFFFFF, v7;
	v8 =	vand.u32 $0x7FFFFFFF, v8;
	v3 =	vand.u32 $0x7FFFFFFF, v3  }
0x142: {  	v4 =	vand.u32 $0x7FFFFFFF, v4;
	v5 =	vand.u32 $0x7FFFFFFF, v5;
	v6 =	vand.u32 $0x7FFFFFFF, v6  }
0x143: {  	v7 =	vmax.f32 v7, v8;
	v3 =	vmax.f32 v3, v4;
	v4 =	vmax.f32 v5, v6  }
0x144: {  	v5 =	vmax.f32 v15, v11;
	v6 =	vmax.f32 v9, v7;
	v3 =	vmax.f32 v3, v4  }
0x145: {  	v4 =	vmax.f32 v13, v5;
	v5 =	vmax.f32 v40, v41;
	v3 =	vmax.f32 v6, v3  }
0x146: {  	v3 =	vmax.f32 v4, v3;
	v4 =	vmax.f32 v38, v5;
	v5 =	vmax.f32 v37, v39  }
0x147: {  	s19 =	sadd.s32 $0x40, s19;
	v3 =	vmax.f32 v3, v4;
	v4 =	vmax.f32 v36, v5  }
0x148: {  	s21 =	sadd.s32 s22, s21;
	p0 =	seq.s32 s5, $0xF;
	s19 =	sand.u32 $0x7FFFFE00, s19;
	v3 =	vmax.f32 v3, v4  }
0x149: {  	s21 =	sand.u32 $0x70, s21;
	s19 =	sadd.s32 s19, s20;
	s20 =	sadd.s32 @!p0 $0x3, s8;
	v3 =	vadd.f32 v3, v35  }
0x14a: {  	s19 =	sadd.s32 s21, s19;
	s21 =	sshll.u32 @!p0 s20, $0x5  }
0x14b: {  	[tilespmem:s19+$0x0] =	vst v3;
	s19 =	sand.u32 @!p0 $0xF80, s21  }
0x14c: {  	v3 =	vld @!p0 [tilespmem:s19+$0x0];
	_ =	sdelay $0x4  }
0x14d: {  	v4 =	vshrl.u32 @!p0 v3, $0x3  }
0x14e: {  	v4 =	vmul.u32 @!p0 $0x28, v4  }
0x14f: {  	v5 =	vlaneseq.u32 @!p0;
	v3 =	vand.u32 @!p0 $0x7, v3  }
0x150: {  	v6 =	vshrl.u32 @!p0 v5, $0x3;
	v3 =	vor.u32 @!p0 v3, v4;
	v4 =	vand.u32 @!p0 $0x7, v5  }
0x151: {  	v6 =	vmul.u32 @!p0 $0x8, v6;
	v7 =	vperm.xlane @!p0 v3, v4;
	_ =	sdelay $0x1  }
0x152: {  	v7 =	vadd.s32 @!p0 v6, v7  }
0x153: {  	s20 =	sand.u32 @!p0 $0x3, s20  }
0x154: {  	s20 =	smul.u32 @!p0 $0x7800, s20  }
0x155: {  	v5 =	vor.u32 @!p0 $0x8, v5  }
0x156: {  	vm2 =	vmmov @!p0 $0xffff;
	s22 =	simm.s32 @!p0 $0x3000;
	s20 =	sadd.s32 @!p0 s3, s20;
	s21 =	simm.s32 @!p0 $0x0;
	v3 =	vperm.xlane @!p0 v3, v5  }
0x157: {  	[tilespmem:s22], [sflag:$0x1] =	stream.indirect_vreg.gather @!p0 [hbm4b:s20+s21], $0x80, v7, vm2, $0xb8;
	[tilespmem:$0x18C00] =	vst v63  }
0x158: {  	s23 =	simm.s32 @!p0 $0x3800;
	v3 =	vadd.s32 @!p0 v6, v3;
	s22 =	sadd.s32 @!p0 $0x100, s20  }
0x159: {  	[tilespmem:s23], [sflag:$0x1] =	stream.indirect_vreg.gather @!p0 [hbm4b:s22+s21], $0x80, v7, vm2, $0xb8;
	[tilespmem:$0x18C00] =	vst v63  }
0x15a: {  	vm3 =	vmmov @!p0 $0xff;
	s24 =	simm.s32 @!p0 $0x4000;
	s23 =	sadd.s32 @!p0 $0x200, s20  }
0x15b: {  	[tilespmem:s24], [sflag:$0x1] =	stream.indirect_vreg.gather @!p0 [hbm4b:s23+s21], $0x80, v7, vm3, $0xb8;
	[tilespmem:$0x18C00] =	vst v63  }
0x15c: {  	s24 =	simm.s32 @!p0 $0x4400  }
0x15d: {  	[tilespmem:s24], [sflag:$0x1] =	stream.indirect_vreg.gather @!p0 [hbm4b:s20+s21], $0x80, v3, vm2, $0xb8;
	[tilespmem:$0x18C00] =	vst v63  }
0x15e: {  	s24 =	simm.s32 @!p0 $0x4C00  }
0x15f: {  	[tilespmem:s24], [sflag:$0x1] =	stream.indirect_vreg.gather @!p0 [hbm4b:s22+s21], $0x80, v3, vm2, $0xb8;
	[tilespmem:$0x18C00] =	vst v63  }
0x160: {  	s24 =	simm.s32 @!p0 $0x5400  }
0x161: {  	[tilespmem:s24], [sflag:$0x1] =	stream.indirect_vreg.gather @!p0 [hbm4b:s23+s21], $0x80, v3, vm3, $0xb8;
	[tilespmem:$0x18C00] =	vst v63  }
0x162: {  	v3 =	vld @!p0 [tilespmem:s19+$0x10];
	_ =	sdelay $0x4  }
0x163: {  	v7 =	vshrl.u32 @!p0 v3, $0x3  }
0x164: {  	v7 =	vmul.u32 @!p0 $0x28, v7  }
0x165: {  	v3 =	vand.u32 @!p0 $0x7, v3  }
0x166: {  	v3 =	vor.u32 @!p0 v3, v7  }
0x167: {  	v4 =	vperm.xlane @!p0 v3, v4;
	_ =	sdelay $0x1  }
0x168: {  	v4 =	vadd.s32 @!p0 v6, v4;
	_ =	sdelay $0x3  }
0x169: {  	s19 =	simm.s32 @!p0 $0x5800;
	v3 =	vperm.xlane @!p0 v3, v5  }
0x16a: {  	[tilespmem:s19], [sflag:$0x1] =	stream.indirect_vreg.gather @!p0 [hbm4b:s20+s21], $0x80, v4, vm2, $0xb8;
	[tilespmem:$0x18C00] =	vst v63  }
0x16b: {  	v3 =	vadd.s32 @!p0 v6, v3;
	s19 =	simm.s32 @!p0 $0x6000  }
0x16c: {  	[tilespmem:s19], [sflag:$0x1] =	stream.indirect_vreg.gather @!p0 [hbm4b:s22+s21], $0x80, v4, vm2, $0xb8;
	[tilespmem:$0x18C00] =	vst v63  }
0x16d: {  	s19 =	simm.s32 @!p0 $0x6800  }
0x16e: {  	[tilespmem:s19], [sflag:$0x1] =	stream.indirect_vreg.gather @!p0 [hbm4b:s23+s21], $0x80, v4, vm3, $0xb8;
	[tilespmem:$0x18C00] =	vst v63  }
0x16f: {  	s19 =	simm.s32 @!p0 $0x6C00  }
0x170: {  	[tilespmem:s19], [sflag:$0x1] =	stream.indirect_vreg.gather @!p0 [hbm4b:s20+s21], $0x80, v3, vm2, $0xb8;
	[tilespmem:$0x18C00] =	vst v63  }
0x171: {  	s19 =	simm.s32 @!p0 $0x7400  }
0x172: {  	[tilespmem:s19], [sflag:$0x1] =	stream.indirect_vreg.gather @!p0 [hbm4b:s22+s21], $0x80, v3, vm2, $0xb8;
	[tilespmem:$0x18C00] =	vst v63  }
0x173: {  	s19 =	simm.s32 @!p0 $0x7C00  }
0x174: {  	[tilespmem:s19], [sflag:$0x1] =	stream.indirect_vreg.gather @!p0 [hbm4b:s23+s21], $0x80, v3, vm3, $0xb8;
	[tilespmem:$0x18C00] =	vst v63  }
0x175: {  	s23 =	sadd.s32 $0x1, s8  }
0x176: {  	_ =	swait.ge [sflag:s1], $0x5000;
	s20 =	sshll.u32 s23, $0x5;
	s19 =	sshll.u32 s23, $0x7  }
0x177: {  	[sflag:s1] =	ssyncset.done $0x0;
	s24 =	sand.u32 $0x3000, s19;
	s25 =	sand.u32 $0x380, s20  }
0x178: {  	[sflag:s1] =	ssyncadd.s32 $0xFFFFB000;
	s21 =	sor.u32 s25, s24  }
0x179: {  	v11 =	vld [tilespmem:s21+$0x800]  }
0x17a: {  	v12 =	vld [tilespmem:s21+$0x810]  }
0x17b: {  	v13 =	vld [tilespmem:s21+$0x820]  }
0x17c: {  	v14 =	vld [tilespmem:s21+$0x830]  }
0x17d: {  	v15 =	vld [tilespmem:s21+$0x840]  }
0x17e: {  	v18 =	vld [tilespmem:s21+$0x850]  }
0x17f: {  	v16 =	vld [tilespmem:s21+$0x860]  }
0x180: {  	v17 =	vld [tilespmem:s21+$0x870]  }
0x181: {  	v10 =	vld [tilespmem:s21+$0xC00]  }
0x182: {  	v9 =	vld [tilespmem:s21+$0xC10]  }
0x183: {  	v7 =	vld [tilespmem:s21+$0xC20]  }
0x184: {  	v8 =	vld [tilespmem:s21+$0xC30]  }
0x185: {  	v3 =	vld [tilespmem:s21+$0xC40]  }
0x186: {  	v4 =	vld [tilespmem:s21+$0xC50]  }
0x187: {  	v5 =	vld [tilespmem:s21+$0xC60]  }
0x188: {  	v6 =	vld [tilespmem:s21+$0xC70]  }
0x189: {  	v19 =	vld [tilespmem:s21+$0x1000]  }
0x18a: {  	v20 =	vld [tilespmem:s21+$0x1010]  }
0x18b: {  	v21 =	vld [tilespmem:s21+$0x1020]  }
0x18c: {  	v22 =	vld [tilespmem:s21+$0x1030]  }
0x18d: {  	v23 =	vld [tilespmem:s21+$0x1040]  }
0x18e: {  	v24 =	vld [tilespmem:s21+$0x1050]  }
0x18f: {  	v25 =	vld [tilespmem:s21+$0x1060]  }
0x190: {  	v27 =	vld [tilespmem:s21+$0x1400]  }
0x191: {  	v28 =	vld [tilespmem:s21+$0x1410]  }
0x192: {  	v29 =	vld [tilespmem:s21+$0x1420]  }
0x193: {  	v30 =	vld [tilespmem:s21+$0x1430]  }
0x194: {  	v31 =	vld [tilespmem:s21+$0x1440]  }
0x195: {  	s26 =	simm.s32 $0x0;
	v32 =	vld [tilespmem:s21+$0x1450]  }
0x196: {  	s28 =	sand.u32 $0x70, s26;
	s29 =	sand.u32 $0x1C00, s26;
	v33 =	vld [tilespmem:s21+$0x1460]  }
0x197: {  	s23 =	sor.u32 s28, s29;
	v34 =	vld [tilespmem:s21+$0x1470]  }
0x198: {  	v56 =	vld [tilespmem:s23+$0xBC00]  }
0x199: {  	v57 =	vld [tilespmem:s23+$0xBC80]  }
0x19a: {  	v58 =	vld [tilespmem:s23+$0xBD00]  }
0x19b: {  	v59 =	vld [tilespmem:s23+$0xBD80]  }
0x19c: {  	v60 =	vld [tilespmem:s23+$0xBE00]  }
0x19d: {  	v61 =	vld [tilespmem:s23+$0xBE80]  }
0x19e: {  	v62 =	vld [tilespmem:s23+$0xBF00]  }
0x19f: {  	v63 =	vld [tilespmem:s23+$0xBF80]  }
0x1a0: {  	v52 =	vld [tilespmem:s23+$0xA800]  }
0x1a1: {  	v53 =	vld [tilespmem:s23+$0xA880]  }
0x1a2: {  	v54 =	vld [tilespmem:s23+$0xA900]  }
0x1a3: {  	v55 =	vld [tilespmem:s23+$0xA980];
	v35 =	vsub.f32 v56, v27  }
0x1a4: {  	v47 =	vld [tilespmem:s23+$0xAA00];
	v36 =	vsub.f32 v57, v28;
	v37 =	vsub.f32 v58, v29  }
0x1a5: {  	v26 =	vld [tilespmem:s21+$0x1070];
	v38 =	vsub.f32 v59, v30;
	v39 =	vsub.f32 v60, v31  }
0x1a6: {  	v49 =	vld [tilespmem:s23+$0xAB00];
	v40 =	vsub.f32 v61, v32;
	v60 =	vsub.f32 v62, v33  }
0x1a7: {  	v50 =	vld [tilespmem:s23+$0xAB80];
	v61 =	vsub.f32 v63, v34;
	v43 =	vsub.f32 v52, v19  }
0x1a8: {  	v51 =	vld [tilespmem:s23+$0x8200];
	v44 =	vsub.f32 v53, v20;
	v45 =	vsub.f32 v54, v21  }
0x1a9: {  	v56 =	vld [tilespmem:s23+$0xAA80];
	v46 =	vsub.f32 v55, v22;
	v47 =	vsub.f32 v47, v23;
	v35 =	vand.u32 $0x7FFFFFFF, v35  }
0x1aa: {  	v62 =	vld [tilespmem:s23+$0x8100];
	v36 =	vand.u32 $0x7FFFFFFF, v36;
	v37 =	vand.u32 $0x7FFFFFFF, v37;
	v38 =	vand.u32 $0x7FFFFFFF, v38  }
0x1ab: {  	v63 =	vld [tilespmem:s23+$0x8180];
	v58 =	vand.u32 $0x7FFFFFFF, v39;
	v59 =	vand.u32 $0x7FFFFFFF, v40;
	v40 =	vand.u32 $0x7FFFFFFF, v60  }
0x1ac: {  	v52 =	vld [tilespmem:s23+$0x8280];
	v43 =	vand.u32 $0x7FFFFFFF, v43;
	v44 =	vand.u32 $0x7FFFFFFF, v44;
	v41 =	vand.u32 $0x7FFFFFFF, v61  }
0x1ad: {  	v53 =	vld [tilespmem:s23+$0x8300];
	v45 =	vand.u32 $0x7FFFFFFF, v45;
	v46 =	vand.u32 $0x7FFFFFFF, v46;
	v60 =	vsub.f32 v50, v26  }
0x1ae: {  	v61 =	vld [tilespmem:s23+$0x9500];
	v35 =	vmax.f32 v35, v36;
	v57 =	vmax.f32 v37, v38;
	v38 =	vmax.f32 v58, v59  }
0x1af: {  	v37 =	vld [tilespmem:s23+$0x8000];
	v43 =	vmax.f32 v43, v44;
	v40 =	vmax.f32 v40, v41;
	v59 =	vsub.f32 v49, v25  }
0x1b0: {  	v41 =	vld [tilespmem:s23+$0x9400];
	v36 =	vmax.f32 v35, v57;
	v57 =	vand.u32 $0x7FFFFFFF, v47;
	v48 =	vsub.f32 v56, v24  }
0x1b1: {  	s22 =	sor.u32 s26, s26;
	v49 =	vld [tilespmem:s23+$0x9480];
	v56 =	vmax.f32 v45, v46;
	v42 =	vsub.f32 v62, v13;
	v47 =	vand.u32 $0x7FFFFFFF, v59  }
0x1b2: {  	s22 =	sor.u32 $0x380, s22;
	v35 =	vld [tilespmem:s23+$0x8080];
	v39 =	vsub.f32 v63, v14;
	v53 =	vsub.f32 v53, v16;
	v43 =	vmax.f32 v43, v56  }
0x1b3: {  	v45 =	vld [tilespmem:s22+$0x8000];
	v56 =	vsub.f32 v51, v15;
	v58 =	vand.u32 $0x7FFFFFFF, v48;
	v48 =	vand.u32 $0x7FFFFFFF, v60  }
0x1b4: {  	v62 =	vld [tilespmem:s23+$0x9580];
	v42 =	vand.u32 $0x7FFFFFFF, v42;
	v39 =	vand.u32 $0x7FFFFFFF, v39;
	v53 =	vand.u32 $0x7FFFFFFF, v53  }
0x1b5: {  	v59 =	vld [tilespmem:s23+$0x9700];
	v46 =	vsub.f32 v61, v7;
	v37 =	vsub.f32 v37, v11;
	v44 =	vmax.f32 v57, v58  }
0x1b6: {  	v63 =	vld [tilespmem:s23+$0x9600];
	v47 =	vmax.f32 v47, v48;
	v57 =	vsub.f32 v52, v18;
	v39 =	vmax.f32 v42, v39  }
0x1b7: {  	v60 =	vld [tilespmem:s23+$0x9780];
	v48 =	vand.u32 $0x7FFFFFFF, v56;
	v41 =	vsub.f32 v41, v10;
	v49 =	vsub.f32 v49, v9  }
0x1b8: {  	v58 =	vld [tilespmem:s23+$0x9680];
	v35 =	vsub.f32 v35, v12;
	v46 =	vand.u32 $0x7FFFFFFF, v46;
	v37 =	vand.u32 $0x7FFFFFFF, v37  }
0x1b9: {  	v45 =	vsub.f32 v45, v17;
	v51 =	vand.u32 $0x7FFFFFFF, v57;
	v41 =	vand.u32 $0x7FFFFFFF, v41  }
0x1ba: {  	v50 =	vsub.f32 v62, v8;
	v49 =	vand.u32 $0x7FFFFFFF, v49;
	v42 =	vsub.f32 v59, v5  }
0x1bb: {  	v35 =	vand.u32 $0x7FFFFFFF, v35;
	v48 =	vmax.f32 v48, v51;
	v41 =	vmax.f32 v41, v49  }
0x1bc: {  	v35 =	vmax.f32 v37, v35;
	v45 =	vand.u32 $0x7FFFFFFF, v45;
	v37 =	vsub.f32 v63, v3  }
0x1bd: {  	v39 =	vmax.f32 v35, v39;
	v61 =	vsub.f32 v58, v4;
	v35 =	vsub.f32 v60, v6  }
0x1be: {  	v62 =	vand.u32 $0x7FFFFFFF, v50;
	v42 =	vand.u32 $0x7FFFFFFF, v42;
	v45 =	vmax.f32 v53, v45  }
0x1bf: {  	v37 =	vand.u32 $0x7FFFFFFF, v37;
	v63 =	vand.u32 $0x7FFFFFFF, v61;
	v35 =	vand.u32 $0x7FFFFFFF, v35  }
0x1c0: {  	s20 =	sand.u32 $0x3FFFFF80, s20;
	v46 =	vmax.f32 v46, v62;
	v37 =	vmax.f32 v37, v63;
	v42 =	vmax.f32 v42, v35  }
0x1c1: {  	v45 =	vmax.f32 v48, v45;
	v41 =	vmax.f32 v41, v46;
	v35 =	vld [tilespmem:s20+$0x2800];
	v37 =	vmax.f32 v37, v42  }
0x1c2: {  	v51 =	vmax.f32 v44, v47;
	v39 =	vmax.f32 v39, v45;
	v37 =	vmax.f32 v41, v37  }
0x1c3: {  	v38 =	vmax.f32 v38, v40;
	v52 =	vmax.f32 v43, v51;
	v37 =	vmax.f32 v39, v37  }
0x1c4: {  	s19 =	sand.u32 $0x180, s19;
	s24 =	sadd.s32 $0x0, s2;
	v36 =	vmax.f32 v36, v38;
	v37 =	vmax.f32 v37, v52  }
0x1c5: {  	s19 =	sor.u32 $0x12000, s19;
	s25 =	sand.u32 $0x7FFFFE00, s16;
	s26 =	sand.u32 $0x70, s24;
	v36 =	vmax.f32 v37, v36  }
0x1c6: {  	s21 =	simm.s32 $0x80;
	s22 =	sadd.s32 s25, s19;
	s20 =	simm.s32 $0x10;
	v36 =	vadd.f32 v36, v35  }
0x1c7: {  	s25 =	sand.u32 $0x1C00, s21;
	s23 =	sadd.s32 s26, s22;
	s28 =	sand.u32 $0x70, s20  }
0x1c8: {  	s22 =	sor.u32 s28, s25;
	[tilespmem:s23+$0x0] =	vst v36  }
0x1c9: {  	v36 =	vld [tilespmem:s22+$0xBC00]  }
0x1ca: {  	v53 =	vld [tilespmem:s22+$0xBC80]  }
0x1cb: {  	v54 =	vld [tilespmem:s22+$0xBD00]  }
0x1cc: {  	v55 =	vld [tilespmem:s22+$0xBD80]  }
0x1cd: {  	v56 =	vld [tilespmem:s22+$0xBE00]  }
0x1ce: {  	v57 =	vld [tilespmem:s22+$0xBE80]  }
0x1cf: {  	v58 =	vld [tilespmem:s22+$0xBF00]  }
0x1d0: {  	v59 =	vld [tilespmem:s22+$0xBF80]  }
0x1d1: {  	v60 =	vld [tilespmem:s22+$0xA800]  }
0x1d2: {  	v61 =	vld [tilespmem:s22+$0xA880]  }
0x1d3: {  	v62 =	vld [tilespmem:s22+$0xA900];
	v36 =	vsub.f32 v36, v27  }
0x1d4: {  	v47 =	vld [tilespmem:s22+$0xA980];
	v37 =	vsub.f32 v53, v28;
	v38 =	vsub.f32 v54, v29  }
0x1d5: {  	v48 =	vld [tilespmem:s22+$0xAA00];
	v39 =	vsub.f32 v55, v30;
	v40 =	vsub.f32 v56, v31  }
0x1d6: {  	v49 =	vld [tilespmem:s22+$0xAA80];
	v41 =	vsub.f32 v57, v32;
	v58 =	vsub.f32 v58, v33  }
0x1d7: {  	v50 =	vld [tilespmem:s22+$0xAB00];
	v59 =	vsub.f32 v59, v34;
	v60 =	vsub.f32 v60, v19  }
0x1d8: {  	v51 =	vld [tilespmem:s22+$0xAB80];
	v61 =	vsub.f32 v61, v20;
	v62 =	vsub.f32 v62, v21  }
0x1d9: {  	v52 =	vld [tilespmem:s22+$0x8000];
	v36 =	vand.u32 $0x7FFFFFFF, v36;
	v37 =	vand.u32 $0x7FFFFFFF, v37;
	v38 =	vand.u32 $0x7FFFFFFF, v38  }
0x1da: {  	v43 =	vld [tilespmem:s22+$0x8300];
	v39 =	vand.u32 $0x7FFFFFFF, v39;
	v56 =	vand.u32 $0x7FFFFFFF, v40;
	v57 =	vand.u32 $0x7FFFFFFF, v41  }
0x1db: {  	v53 =	vld [tilespmem:s22+$0x8100];
	v42 =	vand.u32 $0x7FFFFFFF, v60;
	v45 =	vand.u32 $0x7FFFFFFF, v61;
	v41 =	vand.u32 $0x7FFFFFFF, v59  }
0x1dc: {  	v54 =	vld [tilespmem:s22+$0x8180];
	v59 =	vsub.f32 v49, v24;
	v36 =	vmax.f32 v36, v37;
	v63 =	vmax.f32 v38, v39  }
0x1dd: {  	s29 =	sor.u32 s21, s20;
	v55 =	vld [tilespmem:s22+$0x8200];
	v37 =	vmax.f32 v56, v57;
	v39 =	vand.u32 $0x7FFFFFFF, v58;
	v38 =	vand.u32 $0x7FFFFFFF, v62  }
0x1de: {  	s23 =	sor.u32 $0x380, s29;
	v40 =	vld [tilespmem:s22+$0x8080];
	v58 =	vsub.f32 v48, v23;
	v42 =	vmax.f32 v42, v45;
	v62 =	vsub.f32 v50, v25  }
0x1df: {  	v46 =	vld [tilespmem:s23+$0x8000];
	v57 =	vsub.f32 v52, v11;
	v36 =	vmax.f32 v36, v63;
	v63 =	vsub.f32 v47, v22  }
0x1e0: {  	v49 =	vld [tilespmem:s22+$0x9680];
	v39 =	vmax.f32 v39, v41;
	v61 =	vand.u32 $0x7FFFFFFF, v59;
	v60 =	vand.u32 $0x7FFFFFFF, v58  }
0x1e1: {  	v56 =	vld [tilespmem:s22+$0x8280];
	v59 =	vsub.f32 v53, v13;
	v54 =	vsub.f32 v54, v14;
	v44 =	vand.u32 $0x7FFFFFFF, v63  }
0x1e2: {  	v45 =	vld [tilespmem:s22+$0x9500];
	v52 =	vsub.f32 v55, v15;
	v63 =	vsub.f32 v51, v26;
	v38 =	vmax.f32 v38, v44  }
0x1e3: {  	v48 =	vld [tilespmem:s22+$0x9600];
	v58 =	vsub.f32 v40, v12;
	v40 =	vmax.f32 v60, v61;
	v60 =	vand.u32 $0x7FFFFFFF, v62  }
0x1e4: {  	v62 =	vand.u32 $0x7FFFFFFF, v57;
	v51 =	vand.u32 $0x7FFFFFFF, v59;
	v38 =	vmax.f32 v42, v38;
	v42 =	vld [tilespmem:s22+$0x9400]  }
0x1e5: {  	v44 =	vld [tilespmem:s22+$0x9480];
	v54 =	vand.u32 $0x7FFFFFFF, v54;
	v61 =	vand.u32 $0x7FFFFFFF, v63;
	v63 =	vand.u32 $0x7FFFFFFF, v58  }
0x1e6: {  	s23 =	simm.s32 $0x20;
	v47 =	vld [tilespmem:s22+$0x9580];
	v53 =	vsub.f32 v56, v18;
	v41 =	vmax.f32 v60, v61;
	v50 =	vmax.f32 v62, v63  }
.LBB2_5:
0x1e7: {  	p1 =	sne.s32 s23, $0x230;
	v43 =	vsub.f32 v43, v16;
	v46 =	vsub.f32 v46, v17;
	v51 =	vmax.f32 v51, v54;
	v54 =	vld [tilespmem:s22+$0x9700]  }
0x1e8: {  	v52 =	vand.u32 $0x7FFFFFFF, v52;
	v53 =	vand.u32 $0x7FFFFFFF, v53;
	v50 =	vmax.f32 v50, v51;
	v51 =	vld [tilespmem:s22+$0x9780]  }
0x1e9: {  	v42 =	vsub.f32 v42, v10;
	v43 =	vand.u32 $0x7FFFFFFF, v43;
	v46 =	vand.u32 $0x7FFFFFFF, v46  }
0x1ea: {  	v44 =	vsub.f32 v44, v9;
	v52 =	vmax.f32 v52, v53;
	v43 =	vmax.f32 v43, v46  }
0x1eb: {  	v45 =	vsub.f32 v45, v7;
	v42 =	vand.u32 $0x7FFFFFFF, v42;
	v46 =	vsub.f32 v47, v8  }
0x1ec: {  	v44 =	vand.u32 $0x7FFFFFFF, v44;
	v47 =	vsub.f32 v48, v3;
	v48 =	vsub.f32 v49, v4  }
0x1ed: {  	v42 =	vmax.f32 v42, v44;
	v49 =	vsub.f32 v54, v5;
	v51 =	vsub.f32 v51, v6  }
0x1ee: {  	v44 =	vand.u32 $0x7FFFFFFF, v45;
	v45 =	vand.u32 $0x7FFFFFFF, v46;
	v46 =	vand.u32 $0x7FFFFFFF, v47  }
0x1ef: {  	v47 =	vand.u32 $0x7FFFFFFF, v48;
	v48 =	vand.u32 $0x7FFFFFFF, v49;
	v49 =	vand.u32 $0x7FFFFFFF, v51  }
0x1f0: {  	v44 =	vmax.f32 v44, v45;
	v45 =	vmax.f32 v46, v47;
	v46 =	vmax.f32 v48, v49  }
0x1f1: {  	v43 =	vmax.f32 v52, v43;
	v42 =	vmax.f32 v42, v44;
	v44 =	vmax.f32 v45, v46  }
0x1f2: {  	v40 =	vmax.f32 v40, v41;
	v43 =	vmax.f32 v50, v43;
	v42 =	vmax.f32 v42, v44  }
0x1f3: {  	v37 =	vmax.f32 v37, v39;
	v38 =	vmax.f32 v38, v40;
	v41 =	vmax.f32 v43, v42  }
0x1f4: {  	s16 =	sadd.s32 $0x40, s16;
	v36 =	vmax.f32 v36, v37;
	v38 =	vmax.f32 v41, v38  }
0x1f5: {  	s22 =	sadd.s32 s20, s2;
	s24 =	sand.u32 $0x7FFFFE00, s16;
	s20 =	smov.u32 s23;
	v36 =	vmax.f32 v38, v36  }
0x1f6: {  	s21 =	sadd.s32 $0x80, s21;
	s22 =	sand.u32 $0x70, s22;
	s24 =	sadd.s32 s24, s19;
	v36 =	vadd.f32 v36, v35  }
0x1f7: {  	s25 =	sand.u32 $0x70, s23;
	s26 =	sand.u32 $0x1C00, s21;
	s24 =	sadd.s32 s22, s24  }
0x1f8: {  	s22 =	sor.u32 s25, s26;
	[tilespmem:s24+$0x0] =	vst v36  }
0x1f9: {  	v36 =	vld [tilespmem:s22+$0xBC00]  }
0x1fa: {  	v37 =	vld [tilespmem:s22+$0xBC80]  }
0x1fb: {  	v38 =	vld [tilespmem:s22+$0xBD00]  }
0x1fc: {  	v39 =	vld [tilespmem:s22+$0xBD80]  }
0x1fd: {  	v40 =	vld [tilespmem:s22+$0xBE00]  }
0x1fe: {  	v41 =	vld [tilespmem:s22+$0xBE80]  }
0x1ff: {  	v42 =	vld [tilespmem:s22+$0xBF00]  }
0x200: {  	v43 =	vld [tilespmem:s22+$0xBF80]  }
0x201: {  	v44 =	vld [tilespmem:s22+$0xA800]  }
0x202: {  	v45 =	vld [tilespmem:s22+$0xA880]  }
0x203: {  	v46 =	vld [tilespmem:s22+$0xA900]  }
0x204: {  	v36 =	vsub.f32 v36, v27;
	v37 =	vsub.f32 v37, v28;
	v47 =	vld [tilespmem:s22+$0xA980]  }
0x205: {  	v38 =	vsub.f32 v38, v29;
	v39 =	vsub.f32 v39, v30;
	v48 =	vld [tilespmem:s22+$0xAA00]  }
0x206: {  	v36 =	vand.u32 $0x7FFFFFFF, v36;
	v37 =	vand.u32 $0x7FFFFFFF, v37;
	v49 =	vld [tilespmem:s22+$0xAA80]  }
0x207: {  	v38 =	vand.u32 $0x7FFFFFFF, v38;
	v40 =	vsub.f32 v40, v31;
	v39 =	vand.u32 $0x7FFFFFFF, v39;
	v50 =	vld [tilespmem:s22+$0xAB00]  }
0x208: {  	v36 =	vmax.f32 v36, v37;
	v41 =	vsub.f32 v41, v32;
	v37 =	vmax.f32 v38, v39;
	v51 =	vld [tilespmem:s22+$0xAB80]  }
0x209: {  	v38 =	vand.u32 $0x7FFFFFFF, v40;
	v36 =	vmax.f32 v36, v37;
	v52 =	vld [tilespmem:s22+$0x8000]  }
0x20a: {  	v39 =	vsub.f32 v42, v33;
	v37 =	vand.u32 $0x7FFFFFFF, v41;
	v41 =	vsub.f32 v43, v34;
	v40 =	vld [tilespmem:s22+$0x8080]  }
0x20b: {  	v42 =	vsub.f32 v44, v19;
	v37 =	vmax.f32 v38, v37;
	v43 =	vsub.f32 v45, v20;
	v53 =	vld [tilespmem:s22+$0x8100]  }
0x20c: {  	v39 =	vand.u32 $0x7FFFFFFF, v39;
	v38 =	vsub.f32 v46, v21;
	v44 =	vsub.f32 v47, v22;
	v54 =	vld [tilespmem:s22+$0x8180]  }
0x20d: {  	v41 =	vand.u32 $0x7FFFFFFF, v41;
	v42 =	vand.u32 $0x7FFFFFFF, v42;
	v45 =	vand.u32 $0x7FFFFFFF, v43;
	v55 =	vld [tilespmem:s22+$0x8200]  }
0x20e: {  	s24 =	sor.u32 s21, s23;
	v38 =	vand.u32 $0x7FFFFFFF, v38;
	v47 =	vsub.f32 v48, v23;
	v44 =	vand.u32 $0x7FFFFFFF, v44;
	v56 =	vld [tilespmem:s22+$0x8280]  }
0x20f: {  	s24 =	sor.u32 $0x380, s24;
	v42 =	vmax.f32 v42, v45;
	v48 =	vsub.f32 v49, v24;
	v38 =	vmax.f32 v38, v44;
	v43 =	vld [tilespmem:s22+$0x8300]  }
0x210: {  	v39 =	vmax.f32 v39, v41;
	v45 =	vand.u32 $0x7FFFFFFF, v47;
	v38 =	vmax.f32 v42, v38;
	v46 =	vld [tilespmem:s24+$0x8000]  }
0x211: {  	v47 =	vsub.f32 v50, v25;
	v41 =	vand.u32 $0x7FFFFFFF, v48;
	v48 =	vsub.f32 v51, v26;
	v42 =	vld [tilespmem:s22+$0x9400]  }
.Ltmp1:
0x212: {  	v49 =	vsub.f32 v52, v11;
	v50 =	vsub.f32 v40, v12;
	v40 =	vmax.f32 v45, v41;
	v44 =	vld [tilespmem:s22+$0x9480];
	(pc) =	sbr.rel @p1 .LBB2_5-.Ltmp1, $4  }
0x213: {  	v52 =	vand.u32 $0x7FFFFFFF, v47;
	v41 =	vsub.f32 v53, v13;
	v53 =	vand.u32 $0x7FFFFFFF, v48;
	v45 =	vld [tilespmem:s22+$0x9500]  }
0x214: {  	v48 =	vand.u32 $0x7FFFFFFF, v49;
	v49 =	vand.u32 $0x7FFFFFFF, v50;
	v54 =	vsub.f32 v54, v14;
	v47 =	vld [tilespmem:s22+$0x9580]  }
0x215: {  	v51 =	vand.u32 $0x7FFFFFFF, v41;
	v50 =	vmax.f32 v48, v49;
	v41 =	vmax.f32 v52, v53;
	v48 =	vld [tilespmem:s22+$0x9600]  }
0x216: {  	s23 =	sadd.s32 $0x10, s23;
	v52 =	vsub.f32 v55, v15;
	v54 =	vand.u32 $0x7FFFFFFF, v54;
	v53 =	vsub.f32 v56, v18;
	v49 =	vld [tilespmem:s22+$0x9680]  }
0x217: {  	v11 =	vsub.f32 v43, v16;
	v12 =	vsub.f32 v46, v17;
	v13 =	vmax.f32 v51, v54;
	v14 =	vld [tilespmem:s22+$0x9700]  }
0x218: {  	v17 =	vld [tilespmem:s22+$0x9780];
	v10 =	vsub.f32 v42, v10;
	v9 =	vsub.f32 v44, v9;
	v15 =	vand.u32 $0x7FFFFFFF, v52  }
0x219: {  	v16 =	vand.u32 $0x7FFFFFFF, v53;
	v13 =	vmax.f32 v50, v13;
	v7 =	vsub.f32 v45, v7  }
0x21a: {  	v11 =	vand.u32 $0x7FFFFFFF, v11;
	v12 =	vand.u32 $0x7FFFFFFF, v12;
	v15 =	vmax.f32 v15, v16  }
0x21b: {  	v10 =	vand.u32 $0x7FFFFFFF, v10;
	v8 =	vsub.f32 v47, v8;
	v9 =	vand.u32 $0x7FFFFFFF, v9  }
0x21c: {  	v11 =	vmax.f32 v11, v12;
	v3 =	vsub.f32 v48, v3;
	v4 =	vsub.f32 v49, v4  }
0x21d: {  	v9 =	vmax.f32 v10, v9;
	v5 =	vsub.f32 v14, v5;
	v6 =	vsub.f32 v17, v6  }
0x21e: {  	v7 =	vand.u32 $0x7FFFFFFF, v7;
	v8 =	vand.u32 $0x7FFFFFFF, v8;
	v3 =	vand.u32 $0x7FFFFFFF, v3  }
0x21f: {  	v4 =	vand.u32 $0x7FFFFFFF, v4;
	v5 =	vand.u32 $0x7FFFFFFF, v5;
	v6 =	vand.u32 $0x7FFFFFFF, v6  }
0x220: {  	v7 =	vmax.f32 v7, v8;
	v3 =	vmax.f32 v3, v4;
	v4 =	vmax.f32 v5, v6  }
0x221: {  	v5 =	vmax.f32 v15, v11;
	v6 =	vmax.f32 v9, v7;
	v3 =	vmax.f32 v3, v4  }
0x222: {  	v4 =	vmax.f32 v13, v5;
	v5 =	vmax.f32 v40, v41;
	v3 =	vmax.f32 v6, v3  }
0x223: {  	v3 =	vmax.f32 v4, v3;
	v4 =	vmax.f32 v38, v5;
	v5 =	vmax.f32 v37, v39  }
0x224: {  	s16 =	sadd.s32 $0x40, s16;
	v3 =	vmax.f32 v3, v4;
	v4 =	vmax.f32 v36, v5  }
0x225: {  	s2 =	sadd.s32 s20, s2;
	s16 =	sand.u32 $0x7FFFFE00, s16;
	v3 =	vmax.f32 v3, v4  }
0x226: {  	s9 =	sadd.s32 @!p0 $0x200, s9;
	s2 =	sand.u32 $0x70, s2;
	s16 =	sadd.s32 s16, s19;
	v3 =	vadd.f32 v3, v35  }
0x227: {  	s9 =	sand.u32 @!p0 $0x3E00, s9;
	s2 =	sadd.s32 s2, s16  }
0x228: {  	[tilespmem:s2+$0x0] =	vst v3;
	s2 =	sshrl.u32 @!p0 s9, $0x2  }
0x229: {  	v3 =	vld @!p0 [tilespmem:s2+$0x0];
	_ =	sdelay $0x4  }
0x22a: {  	v4 =	vshrl.u32 @!p0 v3, $0x3  }
0x22b: {  	v4 =	vmul.u32 @!p0 $0x28, v4  }
0x22c: {  	v5 =	vlaneseq.u32 @!p0;
	v3 =	vand.u32 @!p0 $0x7, v3  }
0x22d: {  	v6 =	vshrl.u32 @!p0 v5, $0x3;
	v3 =	vor.u32 @!p0 v3, v4;
	v4 =	vand.u32 @!p0 $0x7, v5  }
0x22e: {  	v6 =	vmul.u32 @!p0 $0x8, v6;
	v7 =	vperm.xlane @!p0 v3, v4;
	_ =	sdelay $0x1  }
0x22f: {  	v7 =	vadd.s32 @!p0 v6, v7  }
0x230: {  	s8 =	sand.u32 @!p0 $0x3, s8  }
0x231: {  	s8 =	smul.u32 @!p0 $0x7800, s8  }
0x232: {  	v5 =	vor.u32 @!p0 $0x8, v5  }
0x233: {  	s8 =	sadd.s32 @!p0 s3, s8;
	s16 =	simm.s32 @!p0 $0x8000;
	s9 =	simm.s32 @!p0 $0x0;
	v3 =	vperm.xlane @!p0 v3, v5  }
0x234: {  	[tilespmem:s16], [sflag:$0x2] =	stream.indirect_vreg.gather @!p0 [hbm4b:s8+s9], $0x80, v7, vm2, $0xb8;
	[tilespmem:$0x18C00] =	vst v63  }
0x235: {  	s19 =	simm.s32 @!p0 $0x8800;
	v3 =	vadd.s32 @!p0 v6, v3;
	s16 =	sadd.s32 @!p0 $0x100, s8  }
0x236: {  	[tilespmem:s19], [sflag:$0x2] =	stream.indirect_vreg.gather @!p0 [hbm4b:s16+s9], $0x80, v7, vm2, $0xb8;
	[tilespmem:$0x18C00] =	vst v63  }
0x237: {  	s20 =	simm.s32 @!p0 $0x9000;
	s19 =	sadd.s32 @!p0 $0x200, s8  }
0x238: {  	[tilespmem:s20], [sflag:$0x2] =	stream.indirect_vreg.gather @!p0 [hbm4b:s19+s9], $0x80, v7, vm3, $0xb8;
	[tilespmem:$0x18C00] =	vst v63  }
0x239: {  	s20 =	simm.s32 @!p0 $0x9400  }
0x23a: {  	[tilespmem:s20], [sflag:$0x2] =	stream.indirect_vreg.gather @!p0 [hbm4b:s8+s9], $0x80, v3, vm2, $0xb8;
	[tilespmem:$0x18C00] =	vst v63  }
0x23b: {  	s20 =	simm.s32 @!p0 $0x9C00  }
0x23c: {  	[tilespmem:s20], [sflag:$0x2] =	stream.indirect_vreg.gather @!p0 [hbm4b:s16+s9], $0x80, v3, vm2, $0xb8;
	[tilespmem:$0x18C00] =	vst v63  }
0x23d: {  	s20 =	simm.s32 @!p0 $0xA400  }
0x23e: {  	[tilespmem:s20], [sflag:$0x2] =	stream.indirect_vreg.gather @!p0 [hbm4b:s19+s9], $0x80, v3, vm3, $0xb8;
	[tilespmem:$0x18C00] =	vst v63  }
0x23f: {  	v3 =	vld @!p0 [tilespmem:s2+$0x10];
	_ =	sdelay $0x4  }
0x240: {  	v7 =	vshrl.u32 @!p0 v3, $0x3  }
0x241: {  	v7 =	vmul.u32 @!p0 $0x28, v7  }
0x242: {  	v3 =	vand.u32 @!p0 $0x7, v3  }
0x243: {  	v3 =	vor.u32 @!p0 v3, v7  }
0x244: {  	v4 =	vperm.xlane @!p0 v3, v4;
	_ =	sdelay $0x1  }
0x245: {  	v4 =	vadd.s32 @!p0 v6, v4;
	_ =	sdelay $0x3  }
0x246: {  	s2 =	simm.s32 @!p0 $0xA800;
	v3 =	vperm.xlane @!p0 v3, v5  }
0x247: {  	[tilespmem:s2], [sflag:$0x2] =	stream.indirect_vreg.gather @!p0 [hbm4b:s8+s9], $0x80, v4, vm2, $0xb8;
	[tilespmem:$0x18C00] =	vst v63  }
0x248: {  	v3 =	vadd.s32 @!p0 v6, v3;
	s2 =	simm.s32 @!p0 $0xB000  }
0x249: {  	[tilespmem:s2], [sflag:$0x2] =	stream.indirect_vreg.gather @!p0 [hbm4b:s16+s9], $0x80, v4, vm2, $0xb8;
	[tilespmem:$0x18C00] =	vst v63  }
0x24a: {  	s2 =	simm.s32 @!p0 $0xB800  }
0x24b: {  	[tilespmem:s2], [sflag:$0x2] =	stream.indirect_vreg.gather @!p0 [hbm4b:s19+s9], $0x80, v4, vm3, $0xb8;
	[tilespmem:$0x18C00] =	vst v63  }
0x24c: {  	s2 =	simm.s32 @!p0 $0xBC00  }
0x24d: {  	[tilespmem:s2], [sflag:$0x2] =	stream.indirect_vreg.gather @!p0 [hbm4b:s8+s9], $0x80, v3, vm2, $0xb8;
	[tilespmem:$0x18C00] =	vst v63  }
0x24e: {  	s2 =	simm.s32 @!p0 $0xC400  }
0x24f: {  	[tilespmem:s2], [sflag:$0x2] =	stream.indirect_vreg.gather @!p0 [hbm4b:s16+s9], $0x80, v3, vm2, $0xb8;
	[tilespmem:$0x18C00] =	vst v63  }
0x250: {  	s2 =	simm.s32 @!p0 $0xCC00  }
0x251: {  	[tilespmem:s2], [sflag:$0x2] =	stream.indirect_vreg.gather @!p0 [hbm4b:s19+s9], $0x80, v3, vm3, $0xb8;
	[tilespmem:$0x18C00] =	vst v63  }
0x252: {  	_ =	swait.ge [sflag:s13], $0x5000  }
0x253: {  	s26 =	sand.u32 $0x3000, s12;
	s28 =	sand.u32 $0x380, s7;
	[sflag:s13] =	ssyncset.done $0x0  }
0x254: {  	s2 =	sor.u32 s28, s26;
	[sflag:s13] =	ssyncadd.s32 $0xFFFFB000  }
0x255: {  	v11 =	vld [tilespmem:s2+$0x800]  }
0x256: {  	v12 =	vld [tilespmem:s2+$0x810]  }
0x257: {  	v13 =	vld [tilespmem:s2+$0x820]  }
0x258: {  	v14 =	vld [tilespmem:s2+$0x830]  }
0x259: {  	v15 =	vld [tilespmem:s2+$0x840]  }
0x25a: {  	v18 =	vld [tilespmem:s2+$0x850]  }
0x25b: {  	v16 =	vld [tilespmem:s2+$0x860]  }
0x25c: {  	v17 =	vld [tilespmem:s2+$0x870]  }
0x25d: {  	v10 =	vld [tilespmem:s2+$0xC00]  }
0x25e: {  	v9 =	vld [tilespmem:s2+$0xC10]  }
0x25f: {  	v7 =	vld [tilespmem:s2+$0xC20]  }
0x260: {  	v8 =	vld [tilespmem:s2+$0xC30]  }
0x261: {  	v3 =	vld [tilespmem:s2+$0xC40]  }
0x262: {  	v4 =	vld [tilespmem:s2+$0xC50]  }
0x263: {  	v5 =	vld [tilespmem:s2+$0xC60]  }
0x264: {  	v6 =	vld [tilespmem:s2+$0xC70]  }
0x265: {  	v19 =	vld [tilespmem:s2+$0x1000]  }
0x266: {  	v20 =	vld [tilespmem:s2+$0x1010]  }
0x267: {  	v21 =	vld [tilespmem:s2+$0x1020]  }
0x268: {  	v22 =	vld [tilespmem:s2+$0x1030]  }
0x269: {  	v23 =	vld [tilespmem:s2+$0x1040]  }
0x26a: {  	v24 =	vld [tilespmem:s2+$0x1050]  }
0x26b: {  	v25 =	vld [tilespmem:s2+$0x1060]  }
0x26c: {  	v27 =	vld [tilespmem:s2+$0x1400]  }
0x26d: {  	v28 =	vld [tilespmem:s2+$0x1410]  }
0x26e: {  	v29 =	vld [tilespmem:s2+$0x1420]  }
0x26f: {  	v30 =	vld [tilespmem:s2+$0x1430]  }
0x270: {  	v31 =	vld [tilespmem:s2+$0x1440]  }
0x271: {  	s29 =	simm.s32 $0x0;
	v32 =	vld [tilespmem:s2+$0x1450]  }
0x272: {  	s16 =	sand.u32 $0x70, s29;
	s19 =	sand.u32 $0x1C00, s29;
	v33 =	vld [tilespmem:s2+$0x1460]  }
0x273: {  	s20 =	sor.u32 s16, s19;
	v34 =	vld [tilespmem:s2+$0x1470]  }
0x274: {  	v56 =	vld [tilespmem:s20+$0x10C00]  }
0x275: {  	v57 =	vld [tilespmem:s20+$0x10C80]  }
0x276: {  	v58 =	vld [tilespmem:s20+$0x10D00]  }
0x277: {  	v59 =	vld [tilespmem:s20+$0x10D80]  }
0x278: {  	v60 =	vld [tilespmem:s20+$0x10E00]  }
0x279: {  	v61 =	vld [tilespmem:s20+$0x10E80]  }
0x27a: {  	v62 =	vld [tilespmem:s20+$0x10F00]  }
0x27b: {  	v63 =	vld [tilespmem:s20+$0x10F80]  }
0x27c: {  	v52 =	vld [tilespmem:s20+$0xF800]  }
0x27d: {  	v53 =	vld [tilespmem:s20+$0xF880]  }
0x27e: {  	v54 =	vld [tilespmem:s20+$0xF900]  }
0x27f: {  	v55 =	vld [tilespmem:s20+$0xF980];
	v35 =	vsub.f32 v56, v27  }
0x280: {  	v47 =	vld [tilespmem:s20+$0xFA00];
	v36 =	vsub.f32 v57, v28;
	v37 =	vsub.f32 v58, v29  }
0x281: {  	v26 =	vld [tilespmem:s2+$0x1070];
	v38 =	vsub.f32 v59, v30;
	v39 =	vsub.f32 v60, v31  }
0x282: {  	v49 =	vld [tilespmem:s20+$0xFB00];
	v40 =	vsub.f32 v61, v32;
	v60 =	vsub.f32 v62, v33  }
0x283: {  	v50 =	vld [tilespmem:s20+$0xFB80];
	v61 =	vsub.f32 v63, v34;
	v43 =	vsub.f32 v52, v19  }
0x284: {  	v51 =	vld [tilespmem:s20+$0xD200];
	v44 =	vsub.f32 v53, v20;
	v45 =	vsub.f32 v54, v21  }
0x285: {  	v56 =	vld [tilespmem:s20+$0xFA80];
	v46 =	vsub.f32 v55, v22;
	v47 =	vsub.f32 v47, v23;
	v35 =	vand.u32 $0x7FFFFFFF, v35  }
0x286: {  	v62 =	vld [tilespmem:s20+$0xD100];
	v36 =	vand.u32 $0x7FFFFFFF, v36;
	v37 =	vand.u32 $0x7FFFFFFF, v37;
	v38 =	vand.u32 $0x7FFFFFFF, v38  }
0x287: {  	v63 =	vld [tilespmem:s20+$0xD180];
	v58 =	vand.u32 $0x7FFFFFFF, v39;
	v59 =	vand.u32 $0x7FFFFFFF, v40;
	v40 =	vand.u32 $0x7FFFFFFF, v60  }
0x288: {  	v52 =	vld [tilespmem:s20+$0xD280];
	v43 =	vand.u32 $0x7FFFFFFF, v43;
	v44 =	vand.u32 $0x7FFFFFFF, v44;
	v41 =	vand.u32 $0x7FFFFFFF, v61  }
0x289: {  	v53 =	vld [tilespmem:s20+$0xD300];
	v45 =	vand.u32 $0x7FFFFFFF, v45;
	v46 =	vand.u32 $0x7FFFFFFF, v46;
	v60 =	vsub.f32 v50, v26  }
0x28a: {  	v61 =	vld [tilespmem:s20+$0xE500];
	v35 =	vmax.f32 v35, v36;
	v57 =	vmax.f32 v37, v38;
	v38 =	vmax.f32 v58, v59  }
0x28b: {  	v37 =	vld [tilespmem:s20+$0xD000];
	v43 =	vmax.f32 v43, v44;
	v40 =	vmax.f32 v40, v41;
	v59 =	vsub.f32 v49, v25  }
0x28c: {  	v41 =	vld [tilespmem:s20+$0xE400];
	v36 =	vmax.f32 v35, v57;
	v57 =	vand.u32 $0x7FFFFFFF, v47;
	v48 =	vsub.f32 v56, v24  }
0x28d: {  	s8 =	sor.u32 s29, s29;
	v49 =	vld [tilespmem:s20+$0xE480];
	v56 =	vmax.f32 v45, v46;
	v42 =	vsub.f32 v62, v13;
	v47 =	vand.u32 $0x7FFFFFFF, v59  }
0x28e: {  	s8 =	sor.u32 $0x380, s8;
	v35 =	vld [tilespmem:s20+$0xD080];
	v39 =	vsub.f32 v63, v14;
	v53 =	vsub.f32 v53, v16;
	v43 =	vmax.f32 v43, v56  }
0x28f: {  	v45 =	vld [tilespmem:s8+$0xD000];
	v56 =	vsub.f32 v51, v15;
	v58 =	vand.u32 $0x7FFFFFFF, v48;
	v48 =	vand.u32 $0x7FFFFFFF, v60  }
0x290: {  	v62 =	vld [tilespmem:s20+$0xE580];
	v42 =	vand.u32 $0x7FFFFFFF, v42;
	v39 =	vand.u32 $0x7FFFFFFF, v39;
	v53 =	vand.u32 $0x7FFFFFFF, v53  }
0x291: {  	v59 =	vld [tilespmem:s20+$0xE700];
	v46 =	vsub.f32 v61, v7;
	v37 =	vsub.f32 v37, v11;
	v44 =	vmax.f32 v57, v58  }
0x292: {  	v63 =	vld [tilespmem:s20+$0xE600];
	v47 =	vmax.f32 v47, v48;
	v57 =	vsub.f32 v52, v18;
	v39 =	vmax.f32 v42, v39  }
0x293: {  	v60 =	vld [tilespmem:s20+$0xE780];
	v48 =	vand.u32 $0x7FFFFFFF, v56;
	v41 =	vsub.f32 v41, v10;
	v49 =	vsub.f32 v49, v9  }
0x294: {  	v58 =	vld [tilespmem:s20+$0xE680];
	v35 =	vsub.f32 v35, v12;
	v46 =	vand.u32 $0x7FFFFFFF, v46;
	v37 =	vand.u32 $0x7FFFFFFF, v37  }
0x295: {  	v45 =	vsub.f32 v45, v17;
	v51 =	vand.u32 $0x7FFFFFFF, v57;
	v41 =	vand.u32 $0x7FFFFFFF, v41  }
0x296: {  	v50 =	vsub.f32 v62, v8;
	v49 =	vand.u32 $0x7FFFFFFF, v49;
	v42 =	vsub.f32 v59, v5  }
0x297: {  	v35 =	vand.u32 $0x7FFFFFFF, v35;
	v48 =	vmax.f32 v48, v51;
	v41 =	vmax.f32 v41, v49  }
0x298: {  	v35 =	vmax.f32 v37, v35;
	v45 =	vand.u32 $0x7FFFFFFF, v45;
	v37 =	vsub.f32 v63, v3  }
0x299: {  	v39 =	vmax.f32 v35, v39;
	v61 =	vsub.f32 v58, v4;
	v35 =	vsub.f32 v60, v6  }
0x29a: {  	v62 =	vand.u32 $0x7FFFFFFF, v50;
	v42 =	vand.u32 $0x7FFFFFFF, v42;
	v45 =	vmax.f32 v53, v45  }
0x29b: {  	v37 =	vand.u32 $0x7FFFFFFF, v37;
	v63 =	vand.u32 $0x7FFFFFFF, v61;
	v35 =	vand.u32 $0x7FFFFFFF, v35  }
0x29c: {  	s21 =	sand.u32 $0x3FFFFF80, s7;
	v46 =	vmax.f32 v46, v62;
	v37 =	vmax.f32 v37, v63;
	v42 =	vmax.f32 v42, v35  }
0x29d: {  	v45 =	vmax.f32 v48, v45;
	v41 =	vmax.f32 v41, v46;
	v35 =	vld [tilespmem:s21+$0x2800];
	v37 =	vmax.f32 v37, v42  }
0x29e: {  	v51 =	vmax.f32 v44, v47;
	v39 =	vmax.f32 v39, v45;
	v37 =	vmax.f32 v41, v37  }
0x29f: {  	v38 =	vmax.f32 v38, v40;
	v52 =	vmax.f32 v43, v51;
	v37 =	vmax.f32 v39, v37  }
0x2a0: {  	s22 =	sand.u32 $0x180, s12;
	s7 =	simm.s32 $0x10;
	v36 =	vmax.f32 v36, v38;
	v37 =	vmax.f32 v37, v52  }
0x2a1: {  	s23 =	sadd.s32 $0x0, s11;
	s24 =	sand.u32 $0x7FFFFE00, s6;
	s2 =	sor.u32 $0x12000, s22;
	v36 =	vmax.f32 v37, v36  }
0x2a2: {  	s25 =	sand.u32 $0x70, s23;
	s9 =	sadd.s32 s24, s2;
	s8 =	simm.s32 $0x80;
	v36 =	vadd.f32 v36, v35  }
0x2a3: {  	s26 =	sand.u32 $0x70, s7;
	s12 =	sadd.s32 s25, s9;
	s28 =	sand.u32 $0x1C00, s8  }
0x2a4: {  	s9 =	sor.u32 s26, s28;
	[tilespmem:s12+$0x0] =	vst v36  }
0x2a5: {  	v36 =	vld [tilespmem:s9+$0x10C00]  }
0x2a6: {  	v53 =	vld [tilespmem:s9+$0x10C80]  }
0x2a7: {  	v54 =	vld [tilespmem:s9+$0x10D00]  }
0x2a8: {  	v55 =	vld [tilespmem:s9+$0x10D80]  }
0x2a9: {  	v56 =	vld [tilespmem:s9+$0x10E00]  }
0x2aa: {  	v57 =	vld [tilespmem:s9+$0x10E80]  }
0x2ab: {  	v58 =	vld [tilespmem:s9+$0x10F00]  }
0x2ac: {  	v59 =	vld [tilespmem:s9+$0x10F80]  }
0x2ad: {  	v60 =	vld [tilespmem:s9+$0xF800]  }
0x2ae: {  	v61 =	vld [tilespmem:s9+$0xF880]  }
0x2af: {  	v62 =	vld [tilespmem:s9+$0xF900];
	v36 =	vsub.f32 v36, v27  }
0x2b0: {  	v47 =	vld [tilespmem:s9+$0xF980];
	v37 =	vsub.f32 v53, v28;
	v38 =	vsub.f32 v54, v29  }
0x2b1: {  	v48 =	vld [tilespmem:s9+$0xFA00];
	v39 =	vsub.f32 v55, v30;
	v40 =	vsub.f32 v56, v31  }
0x2b2: {  	v49 =	vld [tilespmem:s9+$0xFA80];
	v41 =	vsub.f32 v57, v32;
	v58 =	vsub.f32 v58, v33  }
0x2b3: {  	v50 =	vld [tilespmem:s9+$0xFB00];
	v59 =	vsub.f32 v59, v34;
	v60 =	vsub.f32 v60, v19  }
0x2b4: {  	v51 =	vld [tilespmem:s9+$0xFB80];
	v61 =	vsub.f32 v61, v20;
	v62 =	vsub.f32 v62, v21  }
0x2b5: {  	v52 =	vld [tilespmem:s9+$0xD000];
	v36 =	vand.u32 $0x7FFFFFFF, v36;
	v37 =	vand.u32 $0x7FFFFFFF, v37;
	v38 =	vand.u32 $0x7FFFFFFF, v38  }
0x2b6: {  	v43 =	vld [tilespmem:s9+$0xD300];
	v39 =	vand.u32 $0x7FFFFFFF, v39;
	v56 =	vand.u32 $0x7FFFFFFF, v40;
	v57 =	vand.u32 $0x7FFFFFFF, v41  }
0x2b7: {  	v53 =	vld [tilespmem:s9+$0xD100];
	v42 =	vand.u32 $0x7FFFFFFF, v60;
	v45 =	vand.u32 $0x7FFFFFFF, v61;
	v41 =	vand.u32 $0x7FFFFFFF, v59  }
0x2b8: {  	v54 =	vld [tilespmem:s9+$0xD180];
	v59 =	vsub.f32 v49, v24;
	v36 =	vmax.f32 v36, v37;
	v63 =	vmax.f32 v38, v39  }
0x2b9: {  	s29 =	sor.u32 s8, s7;
	v55 =	vld [tilespmem:s9+$0xD200];
	v37 =	vmax.f32 v56, v57;
	v39 =	vand.u32 $0x7FFFFFFF, v58;
	v38 =	vand.u32 $0x7FFFFFFF, v62  }
0x2ba: {  	s12 =	sor.u32 $0x380, s29;
	v40 =	vld [tilespmem:s9+$0xD080];
	v58 =	vsub.f32 v48, v23;
	v42 =	vmax.f32 v42, v45;
	v62 =	vsub.f32 v50, v25  }
0x2bb: {  	v46 =	vld [tilespmem:s12+$0xD000];
	v57 =	vsub.f32 v52, v11;
	v36 =	vmax.f32 v36, v63;
	v63 =	vsub.f32 v47, v22  }
0x2bc: {  	v49 =	vld [tilespmem:s9+$0xE680];
	v39 =	vmax.f32 v39, v41;
	v61 =	vand.u32 $0x7FFFFFFF, v59;
	v60 =	vand.u32 $0x7FFFFFFF, v58  }
0x2bd: {  	v56 =	vld [tilespmem:s9+$0xD280];
	v59 =	vsub.f32 v53, v13;
	v54 =	vsub.f32 v54, v14;
	v44 =	vand.u32 $0x7FFFFFFF, v63  }
0x2be: {  	v45 =	vld [tilespmem:s9+$0xE500];
	v52 =	vsub.f32 v55, v15;
	v63 =	vsub.f32 v51, v26;
	v38 =	vmax.f32 v38, v44  }
0x2bf: {  	v48 =	vld [tilespmem:s9+$0xE600];
	v58 =	vsub.f32 v40, v12;
	v40 =	vmax.f32 v60, v61;
	v60 =	vand.u32 $0x7FFFFFFF, v62  }
0x2c0: {  	v62 =	vand.u32 $0x7FFFFFFF, v57;
	v51 =	vand.u32 $0x7FFFFFFF, v59;
	v38 =	vmax.f32 v42, v38;
	v42 =	vld [tilespmem:s9+$0xE400]  }
0x2c1: {  	v44 =	vld [tilespmem:s9+$0xE480];
	v54 =	vand.u32 $0x7FFFFFFF, v54;
	v61 =	vand.u32 $0x7FFFFFFF, v63;
	v63 =	vand.u32 $0x7FFFFFFF, v58  }
0x2c2: {  	s12 =	simm.s32 $0x20;
	v47 =	vld [tilespmem:s9+$0xE580];
	v53 =	vsub.f32 v56, v18;
	v41 =	vmax.f32 v60, v61;
	v50 =	vmax.f32 v62, v63  }
.LBB2_7:
0x2c3: {  	p0 =	sne.s32 s12, $0x230;
	v43 =	vsub.f32 v43, v16;
	v46 =	vsub.f32 v46, v17;
	v51 =	vmax.f32 v51, v54;
	v54 =	vld [tilespmem:s9+$0xE700]  }
0x2c4: {  	v52 =	vand.u32 $0x7FFFFFFF, v52;
	v53 =	vand.u32 $0x7FFFFFFF, v53;
	v50 =	vmax.f32 v50, v51;
	v51 =	vld [tilespmem:s9+$0xE780]  }
0x2c5: {  	v42 =	vsub.f32 v42, v10;
	v43 =	vand.u32 $0x7FFFFFFF, v43;
	v46 =	vand.u32 $0x7FFFFFFF, v46  }
0x2c6: {  	v44 =	vsub.f32 v44, v9;
	v52 =	vmax.f32 v52, v53;
	v43 =	vmax.f32 v43, v46  }
0x2c7: {  	v45 =	vsub.f32 v45, v7;
	v42 =	vand.u32 $0x7FFFFFFF, v42;
	v46 =	vsub.f32 v47, v8  }
0x2c8: {  	v44 =	vand.u32 $0x7FFFFFFF, v44;
	v47 =	vsub.f32 v48, v3;
	v48 =	vsub.f32 v49, v4  }
0x2c9: {  	v42 =	vmax.f32 v42, v44;
	v49 =	vsub.f32 v54, v5;
	v51 =	vsub.f32 v51, v6  }
0x2ca: {  	v44 =	vand.u32 $0x7FFFFFFF, v45;
	v45 =	vand.u32 $0x7FFFFFFF, v46;
	v46 =	vand.u32 $0x7FFFFFFF, v47  }
0x2cb: {  	v47 =	vand.u32 $0x7FFFFFFF, v48;
	v48 =	vand.u32 $0x7FFFFFFF, v49;
	v49 =	vand.u32 $0x7FFFFFFF, v51  }
0x2cc: {  	v44 =	vmax.f32 v44, v45;
	v45 =	vmax.f32 v46, v47;
	v46 =	vmax.f32 v48, v49  }
0x2cd: {  	v43 =	vmax.f32 v52, v43;
	v42 =	vmax.f32 v42, v44;
	v44 =	vmax.f32 v45, v46  }
0x2ce: {  	v40 =	vmax.f32 v40, v41;
	v43 =	vmax.f32 v50, v43;
	v42 =	vmax.f32 v42, v44  }
0x2cf: {  	v37 =	vmax.f32 v37, v39;
	v38 =	vmax.f32 v38, v40;
	v41 =	vmax.f32 v43, v42  }
0x2d0: {  	s6 =	sadd.s32 $0x40, s6;
	v36 =	vmax.f32 v36, v37;
	v38 =	vmax.f32 v41, v38  }
0x2d1: {  	s9 =	sadd.s32 s7, s11;
	s16 =	sand.u32 $0x7FFFFE00, s6;
	s7 =	smov.u32 s12;
	v36 =	vmax.f32 v38, v36  }
0x2d2: {  	s8 =	sadd.s32 $0x80, s8;
	s9 =	sand.u32 $0x70, s9;
	s16 =	sadd.s32 s16, s2;
	v36 =	vadd.f32 v36, v35  }
0x2d3: {  	s19 =	sand.u32 $0x70, s12;
	s20 =	sand.u32 $0x1C00, s8;
	s16 =	sadd.s32 s9, s16  }
0x2d4: {  	s9 =	sor.u32 s19, s20;
	[tilespmem:s16+$0x0] =	vst v36  }
0x2d5: {  	v36 =	vld [tilespmem:s9+$0x10C00]  }
0x2d6: {  	v37 =	vld [tilespmem:s9+$0x10C80]  }
0x2d7: {  	v38 =	vld [tilespmem:s9+$0x10D00]  }
0x2d8: {  	v39 =	vld [tilespmem:s9+$0x10D80]  }
0x2d9: {  	v40 =	vld [tilespmem:s9+$0x10E00]  }
0x2da: {  	v41 =	vld [tilespmem:s9+$0x10E80]  }
0x2db: {  	v42 =	vld [tilespmem:s9+$0x10F00]  }
0x2dc: {  	v43 =	vld [tilespmem:s9+$0x10F80]  }
0x2dd: {  	v44 =	vld [tilespmem:s9+$0xF800]  }
0x2de: {  	v45 =	vld [tilespmem:s9+$0xF880]  }
0x2df: {  	v46 =	vld [tilespmem:s9+$0xF900]  }
0x2e0: {  	v36 =	vsub.f32 v36, v27;
	v37 =	vsub.f32 v37, v28;
	v47 =	vld [tilespmem:s9+$0xF980]  }
0x2e1: {  	v38 =	vsub.f32 v38, v29;
	v39 =	vsub.f32 v39, v30;
	v48 =	vld [tilespmem:s9+$0xFA00]  }
0x2e2: {  	v36 =	vand.u32 $0x7FFFFFFF, v36;
	v37 =	vand.u32 $0x7FFFFFFF, v37;
	v49 =	vld [tilespmem:s9+$0xFA80]  }
0x2e3: {  	v38 =	vand.u32 $0x7FFFFFFF, v38;
	v40 =	vsub.f32 v40, v31;
	v39 =	vand.u32 $0x7FFFFFFF, v39;
	v50 =	vld [tilespmem:s9+$0xFB00]  }
0x2e4: {  	v36 =	vmax.f32 v36, v37;
	v41 =	vsub.f32 v41, v32;
	v37 =	vmax.f32 v38, v39;
	v51 =	vld [tilespmem:s9+$0xFB80]  }
0x2e5: {  	v38 =	vand.u32 $0x7FFFFFFF, v40;
	v36 =	vmax.f32 v36, v37;
	v52 =	vld [tilespmem:s9+$0xD000]  }
0x2e6: {  	v39 =	vsub.f32 v42, v33;
	v37 =	vand.u32 $0x7FFFFFFF, v41;
	v41 =	vsub.f32 v43, v34;
	v40 =	vld [tilespmem:s9+$0xD080]  }
0x2e7: {  	v42 =	vsub.f32 v44, v19;
	v37 =	vmax.f32 v38, v37;
	v43 =	vsub.f32 v45, v20;
	v53 =	vld [tilespmem:s9+$0xD100]  }
0x2e8: {  	v39 =	vand.u32 $0x7FFFFFFF, v39;
	v38 =	vsub.f32 v46, v21;
	v44 =	vsub.f32 v47, v22;
	v54 =	vld [tilespmem:s9+$0xD180]  }
0x2e9: {  	v41 =	vand.u32 $0x7FFFFFFF, v41;
	v42 =	vand.u32 $0x7FFFFFFF, v42;
	v45 =	vand.u32 $0x7FFFFFFF, v43;
	v55 =	vld [tilespmem:s9+$0xD200]  }
0x2ea: {  	s16 =	sor.u32 s8, s12;
	v38 =	vand.u32 $0x7FFFFFFF, v38;
	v47 =	vsub.f32 v48, v23;
	v44 =	vand.u32 $0x7FFFFFFF, v44;
	v56 =	vld [tilespmem:s9+$0xD280]  }
0x2eb: {  	s16 =	sor.u32 $0x380, s16;
	v42 =	vmax.f32 v42, v45;
	v48 =	vsub.f32 v49, v24;
	v38 =	vmax.f32 v38, v44;
	v43 =	vld [tilespmem:s9+$0xD300]  }
0x2ec: {  	v39 =	vmax.f32 v39, v41;
	v45 =	vand.u32 $0x7FFFFFFF, v47;
	v38 =	vmax.f32 v42, v38;
	v46 =	vld [tilespmem:s16+$0xD000]  }
0x2ed: {  	v47 =	vsub.f32 v50, v25;
	v41 =	vand.u32 $0x7FFFFFFF, v48;
	v48 =	vsub.f32 v51, v26;
	v42 =	vld [tilespmem:s9+$0xE400]  }
.Ltmp2:
0x2ee: {  	v49 =	vsub.f32 v52, v11;
	v50 =	vsub.f32 v40, v12;
	v40 =	vmax.f32 v45, v41;
	v44 =	vld [tilespmem:s9+$0xE480];
	(pc) =	sbr.rel @p0 .LBB2_7-.Ltmp2, $4  }
0x2ef: {  	v52 =	vand.u32 $0x7FFFFFFF, v47;
	v41 =	vsub.f32 v53, v13;
	v53 =	vand.u32 $0x7FFFFFFF, v48;
	v45 =	vld [tilespmem:s9+$0xE500]  }
0x2f0: {  	v48 =	vand.u32 $0x7FFFFFFF, v49;
	v49 =	vand.u32 $0x7FFFFFFF, v50;
	v54 =	vsub.f32 v54, v14;
	v47 =	vld [tilespmem:s9+$0xE580]  }
0x2f1: {  	v51 =	vand.u32 $0x7FFFFFFF, v41;
	v50 =	vmax.f32 v48, v49;
	v41 =	vmax.f32 v52, v53;
	v48 =	vld [tilespmem:s9+$0xE600]  }
0x2f2: {  	s12 =	sadd.s32 $0x10, s12;
	v52 =	vsub.f32 v55, v15;
	v54 =	vand.u32 $0x7FFFFFFF, v54;
	v53 =	vsub.f32 v56, v18;
	v49 =	vld [tilespmem:s9+$0xE680]  }
0x2f3: {  	v11 =	vsub.f32 v43, v16;
	v12 =	vsub.f32 v46, v17;
	v13 =	vmax.f32 v51, v54;
	v14 =	vld [tilespmem:s9+$0xE700]  }
0x2f4: {  	v55 =	vld [tilespmem:s9+$0xE780];
	v10 =	vsub.f32 v42, v10;
	v9 =	vsub.f32 v44, v9;
	v15 =	vand.u32 $0x7FFFFFFF, v52  }
0x2f5: {  	v54 =	vand.u32 $0x7FFFFFFF, v53;
	v13 =	vmax.f32 v50, v13;
	v7 =	vsub.f32 v45, v7  }
0x2f6: {  	v11 =	vand.u32 $0x7FFFFFFF, v11;
	v12 =	vand.u32 $0x7FFFFFFF, v12;
	v15 =	vmax.f32 v15, v54  }
0x2f7: {  	v10 =	vand.u32 $0x7FFFFFFF, v10;
	v8 =	vsub.f32 v47, v8;
	v9 =	vand.u32 $0x7FFFFFFF, v9  }
0x2f8: {  	v11 =	vmax.f32 v11, v12;
	v3 =	vsub.f32 v48, v3;
	v4 =	vsub.f32 v49, v4  }
0x2f9: {  	v9 =	vmax.f32 v10, v9;
	v5 =	vsub.f32 v14, v5;
	v6 =	vsub.f32 v55, v6  }
0x2fa: {  	v7 =	vand.u32 $0x7FFFFFFF, v7;
	v8 =	vand.u32 $0x7FFFFFFF, v8;
	v3 =	vand.u32 $0x7FFFFFFF, v3  }
0x2fb: {  	v4 =	vand.u32 $0x7FFFFFFF, v4;
	v5 =	vand.u32 $0x7FFFFFFF, v5;
	v6 =	vand.u32 $0x7FFFFFFF, v6  }
0x2fc: {  	v7 =	vmax.f32 v7, v8;
	v3 =	vmax.f32 v3, v4;
	v56 =	vmax.f32 v5, v6  }
0x2fd: {  	v57 =	vmax.f32 v15, v11;
	v58 =	vmax.f32 v9, v7;
	v3 =	vmax.f32 v3, v56  }
0x2fe: {  	v60 =	vmax.f32 v40, v41;
	s5 =	sadd.s32 $0x1, s5;
	v59 =	vmax.f32 v13, v57;
	v3 =	vmax.f32 v58, v3  }
0x2ff: {  	v62 =	vmax.f32 v37, v39;
	v61 =	vmax.f32 v38, v60;
	p0 =	sne.s32 s5, $0x10;
	v3 =	vmax.f32 v59, v3  }
.Ltmp3:
0x300: {  	s6 =	sadd.s32 $0x40, s6;
	v63 =	vmax.f32 v36, v62;
	v3 =	vmax.f32 v3, v61;
	(pc) =	sbr.rel @p0 .LBB2_2-.Ltmp3, $4  }
0x301: {  	s7 =	sadd.s32 s7, s11;
	s6 =	sand.u32 $0x7FFFFE00, s6;
	v3 =	vmax.f32 v3, v63  }
0x302: {  	s7 =	sand.u32 $0x70, s7;
	s2 =	sadd.s32 s6, s2;
	v3 =	vadd.f32 v3, v35  }
0x303: {  	s2 =	sadd.s32 s7, s2  }
0x304: {  	s4 =	sadd.s32 $0x3, s4;
	s18 =	sadd.s32 $0x3, s18;
	s17 =	sadd.s32 $0x3, s17;
	[tilespmem:s2+$0x0] =	vst v3  }
0x305: {  	s2 =	simm.s32 $0x12000  }
0x306: {  	s4 =	simm.s32 $0x80;
	s6 =	sadd.s32 $0x0, s10;
	s5 =	simm.s32 $0x12200  }
.LBB2_10:
0x307: {  	[hbm4b:s6+s14] =	stream.strided.scatter [tilespmem:s2], [sflag:$0x4], $0x200, s15, s14, $0x38;
	[tilespmem:$0x18C00] =	vst v63  }
0x308: {  	s6 =	smov.u32 s4;
	s2 =	smov.u32 s5;
	p0 =	sne.s32 s4, $0x1A80  }
.Ltmp4:
0x309: {  	s4 =	sadd.s32 $0x80, s4;
	(pc) =	sbr.rel @p0 .LBB2_10-.Ltmp4, $2  }
0x30a: {  	_ =	sdelay $0x2  }
0x30b: {  	s5 =	sadd.s32 $0x200, s5;
	s6 =	sadd.s32 s6, s10  }
0x30c: {  	[hbm4b:s6+s14] =	stream.strided.scatter [tilespmem:s2], [sflag:$0x4], $0x200, s15, s14, $0x38;
	[tilespmem:$0x18C00] =	vst v63  }
0x30d: {  	s4 =	simm.s32 $0x4  }
0x30e: {  	_ =	swait.ge [sflag:s4], $0x6C00  }
0x30f: {  	s5 =	rddreg [dreg:$0xa]  }
0x310: {  	s29 =	rddreg [dreg:$0x9];
	s5 =	sadd.s32 $0x1, s5  }
0x311: {  	p0 =	sne.s32 s5, s29  }
.Ltmp5:
0x312: {  	_ = 	snop;
	(pc) =	sbr.rel @p0 .LBB2_1-.Ltmp5, $3  }
0x313: {  	_ =	sdelay $0x1  }
0x314: {  	[sflag:s4] =	ssyncset.done $0x0  }
0x315: {  	[sflag:s4] =	ssyncadd.s32 $0xFFFF9400  }
0x316: {  	_ =	sfence.sel $0x180000  }
0x317: {  	[bflag:$0x0] =	sbarrier.arrive $0xFFFF  }
0x318: {  	_ =	strace $0x90000047  }
0x319: {  	s0 =	stileid.u32;
	[bflag:$0x2] =	sbarrier.arrive $0xFFFF  }
0x31a: {  	p0 =	sne.s32 s0, $0x0;
	s0 =	rddreg [dreg:$0x2]  }
0x31b: {  	s0 =	sadd.s32 @!p0 $0x100000, s0  }
0x31c: {  	[sflag:s0] =	ssyncadd.tile.s32 @!p0 $0x1;
	_ =	shalt  }
.Lfunc_end2:
_tile_overlayer_lowered:
.L_overlay_start_2:
0x31d: {  	(tag) =	ssettag $0x2  }
0x31e: {  	s0 =	rddreg [dreg:$0x0];
	s2 =	stileid.u32  }
0x31f: {  	s1 =	rddreg [dreg:$0x1];
	p0 =	sne.s32 s2, $0x0  }
0x320: {  	s3 =	rddreg [dreg:$0x2];
	[bflag:$0x3] =	sbarrier.arrive $0xFFFF;
	s2 =	simm.s32 @!p0 $0x1C04  }
0x321: {  	[timem:s3], [sflag:s2] =	dma.local @!p0 [hbm:s0], s1  }
0x322: {  	s0 =	simm.s32 @!p0 $0x4  }
0x323: {  	_ =	swait.ge @!p0 [sflag:s0], s1  }
0x324: {  	s1 =	ssub.s32 @!p0 $0x0, s1;
	[sflag:s0] =	ssyncset.done @!p0 $0x0  }
0x325: {  	[sflag:s0] =	ssyncadd.s32 @!p0 s1  }
0x326: {  	[bflag:$0x3] =	sbarrier.arrive $0xFFFF  }
0x327: {  	_ =	shalt  }

</sc_bundles>
